<compile_context>
chip_gen: v7x
topology: tpu7x:2x2x1
jax: 0.10.2.dev20260603
libtpu: 0.0.44.dev20260713+nightly
codegen_flags: <defaults>
</compile_context>

<pallas_src>
import functools

import jax
import jax.numpy as jnp
from jax import lax
from jax.experimental import pallas as pl
from jax.experimental.pallas import tpu as pltpu
from jax.experimental.pallas import tpu_sc as plsc

HIDDEN = 768
BATCH = 4096
SEQ = 77
SEQ_PAD = 80
NW = 32
SPW = BATCH // NW
LANES = 16
VPR = HIDDEN // LANES

SLABS = ((0, 32), (32, 32), (64, 16))
NSEC = len(SLABS)


def _embed_kernel(ids_hbm, tab_hbm, pos_hbm, out_hbm, idx_v, pos_v, *rest):
    bufs = rest[:NSEC]
    gsem = rest[NSEC:2 * NSEC]
    osem = rest[2 * NSEC:3 * NSEC]
    wid = lax.axis_index("s") * 2 + lax.axis_index("c")
    pltpu.sync_copy(pos_hbm, pos_v)
    pltpu.sync_copy(ids_hbm.at[pl.ds(wid * SPW * SEQ_PAD, SPW * SEQ_PAD)],
                    idx_v)

    def start_gather(s, i):
        row0, nrows = SLABS[i]
        pltpu.async_copy(
            tab_hbm.at[idx_v.at[pl.ds(s * SEQ_PAD + row0, nrows)]],
            bufs[i], gsem[i])

    def wait_gather(i):
        row0, nrows = SLABS[i]
        pltpu.make_async_copy(tab_hbm.at[pl.ds(0, nrows)], bufs[i],
                              gsem[i]).wait()

    def drain_out(j):
        row0, nrows = SLABS[j]
        pltpu.make_async_copy(bufs[j], out_hbm.at[0, pl.ds(row0, nrows)],
                              osem[j]).wait()

    def add_rows(buf, nrows, row0):
        def row(r, carry):
            pb = (row0 + r) * HIDDEN
            for g in range(0, VPR, 16):
                vals = [pos_v[pl.ds(pb + (g + c) * LANES, LANES)]
                        for c in range(16)]
                for c in range(16):
                    plsc.addupdate(buf.at[r, pl.ds((g + c) * LANES, LANES)],
                                   vals[c])
            return carry
        lax.fori_loop(0, nrows, row, 0)

    def body(s, carry):
        gb = wid * SPW + s
        for i in range(NSEC):
            row0, nrows = SLABS[i]
            wait_gather(i)
            add_rows(bufs[i], min(nrows, SEQ - row0), row0)
            pltpu.async_copy(bufs[i], out_hbm.at[gb, pl.ds(row0, nrows)],
                             osem[i])
            if i <= NSEC - 3:
                @pl.when(s > 0)
                def _drain():
                    drain_out(i + 2)
                start_gather(s, i + 2)
            else:
                @pl.when(s < SPW - 1)
                def _refill():
                    drain_out(i - (NSEC - 2))
                    start_gather(s + 1, i - (NSEC - 2))
        return carry

    start_gather(0, 0)
    start_gather(0, 1)
    lax.fori_loop(0, SPW, body, 0)
    for i in range(NSEC):
        drain_out(i)


def kernel(input_ids, token_embedding, position_embedding):
    ids = input_ids.astype(jnp.int32)
    ids_pad = jnp.pad(ids, ((0, 0), (0, SEQ_PAD - SEQ))).reshape(-1)
    pos_flat = position_embedding.reshape(-1)

    mesh = plsc.VectorSubcoreMesh(core_axis_name="c", subcore_axis_name="s")
    run = functools.partial(
        pl.kernel,
        mesh=mesh,
        out_type=jax.ShapeDtypeStruct((BATCH, SEQ_PAD, HIDDEN), jnp.float32),
        scratch_types=[
            pltpu.VMEM((SPW * SEQ_PAD,), jnp.int32),
            pltpu.VMEM((SEQ * HIDDEN,), jnp.float32),
        ] + [pltpu.VMEM((n, HIDDEN), jnp.float32) for _, n in SLABS]
          + [pltpu.SemaphoreType.DMA] * (2 * NSEC),
    )(_embed_kernel)
    return run(ids_pad, token_embedding, pos_flat)[:, :SEQ, :]

# --- scband reference (transcript-rebuilt; emitter-appended) ---
"""Pipeline reference for scband-cliptext-embeddings-1932735283646 (READ-ONLY COPY).

The authoritative reference and input builder live on the scoring server;
editing this copy changes nothing except your own understanding.
"""

import jax, jax.numpy as jnp
import numpy as np

VOCAB = 49408
HIDDEN = 768
MAX_POS = 77
BATCH = 4096
SEQ = 77


def setup_inputs(seed: int = 0) -> dict:
    key = jax.random.key(seed)
    k1, k2, k3 = jax.random.split(key, 3)
    input_ids = jax.random.randint(k1, (BATCH, SEQ), 0, VOCAB, dtype=jnp.int64 if jax.config.jax_enable_x64 else jnp.int32)
    token_embedding = jax.random.normal(k2, (VOCAB, HIDDEN), dtype=jnp.float32) * 0.02
    position_embedding = jax.random.normal(k3, (MAX_POS, HIDDEN), dtype=jnp.float32) * 0.02
    return {
        "input_ids": input_ids,
        "token_embedding": token_embedding,
        "position_embedding": position_embedding,
    }


def reference(input_ids, token_embedding, position_embedding):
    # Faithful translation of CLIPTextEmbeddings.forward with
    # input_ids provided, position_ids=None, inputs_embeds=None.
    seq_length = input_ids.shape[-1]
    # position_ids buffer: arange(max_pos)[None, :], sliced to seq_length
    position_ids = jnp.arange(MAX_POS, dtype=jnp.int32)[None, :seq_length]
    # token embedding lookup (gather)
    inputs_embeds = jnp.take(token_embedding, input_ids, axis=0)
    # position embedding lookup (gather), broadcast over batch
    position_embeddings = jnp.take(position_embedding, position_ids, axis=0)
    embeddings = inputs_embeds + position_embeddings
    return embeddings

if __name__ == "__main__":
    import jax
    _d = setup_inputs()
    print(jax.jit(kernel)(*tuple(_d.values())))

</pallas_src>

<mosaic_0001>
#map = affine_map<(d0, d1) -> (0)>
#map1 = affine_map<(d0, d1) -> (0, 0)>
#map2 = affine_map<(d0, d1) -> (0, 0, 0)>
module attributes {stable_mosaic.version = 14 : i64} {
  func.func @_embed_kernel(%arg0: i32, %arg1: i32, %arg2: memref<327680xi32, #tpu.memory_space<hbm>>, %arg3: memref<49408x768xf32, #tpu.memory_space<hbm>>, %arg4: memref<59136xf32, #tpu.memory_space<hbm>>, %arg5: memref<4096x80x768xf32, #tpu.memory_space<hbm>>, %arg6: memref<10240xi32, #tpu.memory_space<vmem>>, %arg7: memref<59136xf32, #tpu.memory_space<vmem>>, %arg8: memref<32x768xf32, #tpu.memory_space<vmem>>, %arg9: memref<32x768xf32, #tpu.memory_space<vmem>>, %arg10: memref<16x768xf32, #tpu.memory_space<vmem>>, %arg11: memref<!tpu.dma_semaphore, #tpu.memory_space<semaphore_mem>>, %arg12: memref<!tpu.dma_semaphore, #tpu.memory_space<semaphore_mem>>, %arg13: memref<!tpu.dma_semaphore, #tpu.memory_space<semaphore_mem>>, %arg14: memref<!tpu.dma_semaphore, #tpu.memory_space<semaphore_mem>>, %arg15: memref<!tpu.dma_semaphore, #tpu.memory_space<semaphore_mem>>, %arg16: memref<!tpu.dma_semaphore, #tpu.memory_space<semaphore_mem>>) attributes {dimension_semantics = [#tpu.dimension_semantics<core_parallel>, #tpu.dimension_semantics<subcore_parallel>], iteration_bounds = array<i64: 2, 16>, scalar_prefetch = 0 : i64, scratch_operands = 11 : i64, tpu.core_type = #tpu.core_type<sc_vector_subcore>, window_params = [{transform_indices = #map}, {transform_indices = #map1}, {transform_indices = #map}, {transform_indices = #map2}]} {
    %mul3A = arith.constant 2 : i32
    %mul3A_0 = arith.muli %arg1, %mul3A : i32
    %add3A = arith.addi %mul3A_0, %arg0 : i32
    "tpu.region"() ({
      %run_scoped3A = tpu.sem_alloc : memref<!tpu.dma_semaphore, #tpu.memory_space<semaphore_mem>>
      tpu.enqueue_dma source(%arg4 : memref<59136xf32, #tpu.memory_space<hbm>>) target(%arg7 : memref<59136xf32, #tpu.memory_space<vmem>>) target_semaphore(%run_scoped3A : memref<!tpu.dma_semaphore, #tpu.memory_space<semaphore_mem>>)
      tpu.wait_dma2 semaphore(%run_scoped3A : memref<!tpu.dma_semaphore, #tpu.memory_space<semaphore_mem>>) src(%arg4 : memref<59136xf32, #tpu.memory_space<hbm>>) dst(%arg7 : memref<59136xf32, #tpu.memory_space<vmem>>)
      tpu.yield
    }) : () -> ()
    %mul3A_1 = arith.constant 128 : i32
    %mul3A_2 = arith.muli %add3A, %mul3A_1 : i32
    %mul3A_3 = arith.constant 80 : i32
    %mul3A_4 = arith.muli %mul3A_2, %mul3A_3 : i32
    "tpu.region"() ({
      %run_scoped3A = tpu.sem_alloc : memref<!tpu.dma_semaphore, #tpu.memory_space<semaphore_mem>>
      %dma_start3A_45 = tpu.memref_slice %arg2[%mul3A_4] : memref<327680xi32, #tpu.memory_space<hbm>> -> memref<10240xi32, #tpu.memory_space<hbm>>
      %dma_start3A_46 = tpu.memref_slice %arg2[%mul3A_4] : memref<327680xi32, #tpu.memory_space<hbm>> -> memref<10240xi32, #tpu.memory_space<hbm>>
      tpu.enqueue_dma source(%dma_start3A_46 : memref<10240xi32, #tpu.memory_space<hbm>>) target(%arg6 : memref<10240xi32, #tpu.memory_space<vmem>>) target_semaphore(%run_scoped3A : memref<!tpu.dma_semaphore, #tpu.memory_space<semaphore_mem>>)
      %dma_wait3A_47 = tpu.memref_slice %arg2[%mul3A_4] : memref<327680xi32, #tpu.memory_space<hbm>> -> memref<10240xi32, #tpu.memory_space<hbm>>
      %dma_wait3A_48 = tpu.memref_slice %arg2[%mul3A_4] : memref<327680xi32, #tpu.memory_space<hbm>> -> memref<10240xi32, #tpu.memory_space<hbm>>
      tpu.wait_dma2 semaphore(%run_scoped3A : memref<!tpu.dma_semaphore, #tpu.memory_space<semaphore_mem>>) src(%dma_wait3A_48 : memref<10240xi32, #tpu.memory_space<hbm>>) dst(%arg6 : memref<10240xi32, #tpu.memory_space<vmem>>)
      tpu.yield
    }) : () -> ()
    %dma_start3A = arith.constant 0 : i32
    %dma_start3A_5 = tpu.memref_slice %arg6[%dma_start3A] : memref<10240xi32, #tpu.memory_space<vmem>> -> memref<32xi32, #tpu.memory_space<vmem>>
    %dma_start3A_6 = arith.constant 0 : i32
    %dma_start3A_7 = arith.constant 0 : i32
    %dma_start3A_8 = tpu.memref_slice %arg3[%dma_start3A_6, %dma_start3A_7] : memref<49408x768xf32, #tpu.memory_space<hbm>> -> memref<49408x768xf32, #tpu.memory_space<hbm>>
    tpu.enqueue_indirect_dma source(%dma_start3A_8 : memref<49408x768xf32, #tpu.memory_space<hbm>>) target(%arg8 : memref<32x768xf32, #tpu.memory_space<vmem>>) offsets(%dma_start3A_5 : memref<32xi32, #tpu.memory_space<vmem>>) semaphore(%arg11 : memref<!tpu.dma_semaphore, #tpu.memory_space<semaphore_mem>>)
    %dma_start3A_9 = arith.constant 32 : i32
    %dma_start3A_10 = tpu.memref_slice %arg6[%dma_start3A_9] : memref<10240xi32, #tpu.memory_space<vmem>> -> memref<32xi32, #tpu.memory_space<vmem>>
    %dma_start3A_11 = arith.constant 0 : i32
    %dma_start3A_12 = arith.constant 0 : i32
    %dma_start3A_13 = tpu.memref_slice %arg3[%dma_start3A_11, %dma_start3A_12] : memref<49408x768xf32, #tpu.memory_space<hbm>> -> memref<49408x768xf32, #tpu.memory_space<hbm>>
    tpu.enqueue_indirect_dma source(%dma_start3A_13 : memref<49408x768xf32, #tpu.memory_space<hbm>>) target(%arg9 : memref<32x768xf32, #tpu.memory_space<vmem>>) offsets(%dma_start3A_10 : memref<32xi32, #tpu.memory_space<vmem>>) semaphore(%arg12 : memref<!tpu.dma_semaphore, #tpu.memory_space<semaphore_mem>>)
    %scan3A = arith.constant 0 : i32
    %scan3A_14 = arith.constant 0 : i32
    %scan3A_15 = arith.constant 128 : i32
    %scan3A_16 = arith.addi %scan3A_14, %scan3A_15 : i32
    %scan3A_17 = arith.constant 1 : i32
    scf.for %scan3A_45 = %scan3A_14 to %scan3A_16 step %scan3A_17  : i32 {
      %mul3A_46 = arith.constant 128 : i32
      %mul3A_47 = arith.muli %add3A, %mul3A_46 : i32
      %add3A_48 = arith.addi %mul3A_47, %scan3A_45 : i32
      %dma_wait3A_49 = arith.constant 0 : i32
      %dma_wait3A_50 = arith.constant 0 : i32
      %dma_wait3A_51 = tpu.memref_slice %arg3[%dma_wait3A_49, %dma_wait3A_50] : memref<49408x768xf32, #tpu.memory_space<hbm>> -> memref<32x768xf32, #tpu.memory_space<hbm>>
      %dma_wait3A_52 = arith.constant 0 : i32
      %dma_wait3A_53 = arith.constant 0 : i32
      %dma_wait3A_54 = tpu.memref_slice %arg3[%dma_wait3A_52, %dma_wait3A_53] : memref<49408x768xf32, #tpu.memory_space<hbm>> -> memref<32x768xf32, #tpu.memory_space<hbm>>
      tpu.wait_dma2 semaphore(%arg11 : memref<!tpu.dma_semaphore, #tpu.memory_space<semaphore_mem>>) src(%dma_wait3A_54 : memref<32x768xf32, #tpu.memory_space<hbm>>) dst(%arg8 : memref<32x768xf32, #tpu.memory_space<vmem>>)
      %scan3A_55 = arith.constant 0 : i32
      %scan3A_56 = arith.constant 0 : i32
      %scan3A_57 = arith.constant 32 : i32
      %scan3A_58 = arith.addi %scan3A_56, %scan3A_57 : i32
      %scan3A_59 = arith.constant 1 : i32
      scf.for %scan3A_128 = %scan3A_56 to %scan3A_58 step %scan3A_59  : i32 {
        %add3A_129 = arith.constant 0 : i32
        %add3A_130 = arith.addi %add3A_129, %scan3A_128 : i32
        %mul3A_131 = arith.constant 768 : i32
        %mul3A_132 = arith.muli %add3A_130, %mul3A_131 : i32
        %add3A_133 = arith.constant 0 : i32
        %add3A_134 = arith.addi %mul3A_132, %add3A_133 : i32
        %get3A = arith.index_cast %add3A_134 : i32 to index
        %get3A_135 = tpu.vector_load %arg7[%get3A] {strides = array<i32>} : memref<59136xf32, #tpu.memory_space<vmem>>, vector<16xf32>,
        %get3A_136 = vector.shape_cast %get3A_135 : vector<16xf32> to vector<16xf32>
        %add3A_137 = arith.constant 16 : i32
        %add3A_138 = arith.addi %mul3A_132, %add3A_137 : i32
        %get3A_139 = arith.index_cast %add3A_138 : i32 to index
        %get3A_140 = tpu.vector_load %arg7[%get3A_139] {strides = array<i32>} : memref<59136xf32, #tpu.memory_space<vmem>>, vector<16xf32>,
        %get3A_141 = vector.shape_cast %get3A_140 : vector<16xf32> to vector<16xf32>
        %add3A_142 = arith.constant 32 : i32
        %add3A_143 = arith.addi %mul3A_132, %add3A_142 : i32
        %get3A_144 = arith.index_cast %add3A_143 : i32 to index
        %get3A_145 = tpu.vector_load %arg7[%get3A_144] {strides = array<i32>} : memref<59136xf32, #tpu.memory_space<vmem>>, vector<16xf32>,
        %get3A_146 = vector.shape_cast %get3A_145 : vector<16xf32> to vector<16xf32>
        %add3A_147 = arith.constant 48 : i32
        %add3A_148 = arith.addi %mul3A_132, %add3A_147 : i32
        %get3A_149 = arith.index_cast %add3A_148 : i32 to index
        %get3A_150 = tpu.vector_load %arg7[%get3A_149] {strides = array<i32>} : memref<59136xf32, #tpu.memory_space<vmem>>, vector<16xf32>,
        %get3A_151 = vector.shape_cast %get3A_150 : vector<16xf32> to vector<16xf32>
        %add3A_152 = arith.constant 64 : i32
        %add3A_153 = arith.addi %mul3A_132, %add3A_152 : i32
        %get3A_154 = arith.index_cast %add3A_153 : i32 to index
        %get3A_155 = tpu.vector_load %arg7[%get3A_154] {strides = array<i32>} : memref<59136xf32, #tpu.memory_space<vmem>>, vector<16xf32>,
        %get3A_156 = vector.shape_cast %get3A_155 : vector<16xf32> to vector<16xf32>
        %add3A_157 = arith.constant 80 : i32
        %add3A_158 = arith.addi %mul3A_132, %add3A_157 : i32
        %get3A_159 = arith.index_cast %add3A_158 : i32 to index
        %get3A_160 = tpu.vector_load %arg7[%get3A_159] {strides = array<i32>} : memref<59136xf32, #tpu.memory_space<vmem>>, vector<16xf32>,
        %get3A_161 = vector.shape_cast %get3A_160 : vector<16xf32> to vector<16xf32>
        %add3A_162 = arith.constant 96 : i32
        %add3A_163 = arith.addi %mul3A_132, %add3A_162 : i32
        %get3A_164 = arith.index_cast %add3A_163 : i32 to index
        %get3A_165 = tpu.vector_load %arg7[%get3A_164] {strides = array<i32>} : memref<59136xf32, #tpu.memory_space<vmem>>, vector<16xf32>,
        %get3A_166 = vector.shape_cast %get3A_165 : vector<16xf32> to vector<16xf32>
        %add3A_167 = arith.constant 112 : i32
        %add3A_168 = arith.addi %mul3A_132, %add3A_167 : i32
        %get3A_169 = arith.index_cast %add3A_168 : i32 to index
        %get3A_170 = tpu.vector_load %arg7[%get3A_169] {strides = array<i32>} : memref<59136xf32, #tpu.memory_space<vmem>>, vector<16xf32>,
        %get3A_171 = vector.shape_cast %get3A_170 : vector<16xf32> to vector<16xf32>
        %add3A_172 = arith.constant 128 : i32
        %add3A_173 = arith.addi %mul3A_132, %add3A_172 : i32
        %get3A_174 = arith.index_cast %add3A_173 : i32 to index
        %get3A_175 = tpu.vector_load %arg7[%get3A_174] {strides = array<i32>} : memref<59136xf32, #tpu.memory_space<vmem>>, vector<16xf32>,
        %get3A_176 = vector.shape_cast %get3A_175 : vector<16xf32> to vector<16xf32>
        %add3A_177 = arith.constant 144 : i32
        %add3A_178 = arith.addi %mul3A_132, %add3A_177 : i32
        %get3A_179 = arith.index_cast %add3A_178 : i32 to index
        %get3A_180 = tpu.vector_load %arg7[%get3A_179] {strides = array<i32>} : memref<59136xf32, #tpu.memory_space<vmem>>, vector<16xf32>,
        %get3A_181 = vector.shape_cast %get3A_180 : vector<16xf32> to vector<16xf32>
        %add3A_182 = arith.constant 160 : i32
        %add3A_183 = arith.addi %mul3A_132, %add3A_182 : i32
        %get3A_184 = arith.index_cast %add3A_183 : i32 to index
        %get3A_185 = tpu.vector_load %arg7[%get3A_184] {strides = array<i32>} : memref<59136xf32, #tpu.memory_space<vmem>>, vector<16xf32>,
        %get3A_186 = vector.shape_cast %get3A_185 : vector<16xf32> to vector<16xf32>
        %add3A_187 = arith.constant 176 : i32
        %add3A_188 = arith.addi %mul3A_132, %add3A_187 : i32
        %get3A_189 = arith.index_cast %add3A_188 : i32 to index
        %get3A_190 = tpu.vector_load %arg7[%get3A_189] {strides = array<i32>} : memref<59136xf32, #tpu.memory_space<vmem>>, vector<16xf32>,
        %get3A_191 = vector.shape_cast %get3A_190 : vector<16xf32> to vector<16xf32>
        %add3A_192 = arith.constant 192 : i32
        %add3A_193 = arith.addi %mul3A_132, %add3A_192 : i32
        %get3A_194 = arith.index_cast %add3A_193 : i32 to index
        %get3A_195 = tpu.vector_load %arg7[%get3A_194] {strides = array<i32>} : memref<59136xf32, #tpu.memory_space<vmem>>, vector<16xf32>,
        %get3A_196 = vector.shape_cast %get3A_195 : vector<16xf32> to vector<16xf32>
        %add3A_197 = arith.constant 208 : i32
        %add3A_198 = arith.addi %mul3A_132, %add3A_197 : i32
        %get3A_199 = arith.index_cast %add3A_198 : i32 to index
        %get3A_200 = tpu.vector_load %arg7[%get3A_199] {strides = array<i32>} : memref<59136xf32, #tpu.memory_space<vmem>>, vector<16xf32>,
        %get3A_201 = vector.shape_cast %get3A_200 : vector<16xf32> to vector<16xf32>
        %add3A_202 = arith.constant 224 : i32
        %add3A_203 = arith.addi %mul3A_132, %add3A_202 : i32
        %get3A_204 = arith.index_cast %add3A_203 : i32 to index
        %get3A_205 = tpu.vector_load %arg7[%get3A_204] {strides = array<i32>} : memref<59136xf32, #tpu.memory_space<vmem>>, vector<16xf32>,
        %get3A_206 = vector.shape_cast %get3A_205 : vector<16xf32> to vector<16xf32>
        %add3A_207 = arith.constant 240 : i32
        %add3A_208 = arith.addi %mul3A_132, %add3A_207 : i32
        %get3A_209 = arith.index_cast %add3A_208 : i32 to index
        %get3A_210 = tpu.vector_load %arg7[%get3A_209] {strides = array<i32>} : memref<59136xf32, #tpu.memory_space<vmem>>, vector<16xf32>,
        %get3A_211 = vector.shape_cast %get3A_210 : vector<16xf32> to vector<16xf32>
        %swap3A = arith.index_cast %scan3A_128 : i32 to index
        %swap3A_212 = arith.constant 0 : index
        %swap3A_213 = tpu.vector_load %arg8[%swap3A, %swap3A_212] {strides = array<i32>} : memref<32x768xf32, #tpu.memory_space<vmem>>, vector<1x16xf32>,
        %swap3A_214 = vector.shape_cast %swap3A_213 : vector<1x16xf32> to vector<16xf32>
        %swap3A_215 = vector.shape_cast %get3A_136 : vector<16xf32> to vector<1x16xf32>
        tpu.vector_store %arg8[%swap3A, %swap3A_212], %swap3A_215 {add = true, strides = array<i32>} : memref<32x768xf32, #tpu.memory_space<vmem>>, vector<1x16xf32>,
        %swap3A_216 = arith.index_cast %scan3A_128 : i32 to index
        %swap3A_217 = arith.constant 16 : index
        %swap3A_218 = tpu.vector_load %arg8[%swap3A_216, %swap3A_217] {strides = array<i32>} : memref<32x768xf32, #tpu.memory_space<vmem>>, vector<1x16xf32>,
        %swap3A_219 = vector.shape_cast %swap3A_218 : vector<1x16xf32> to vector<16xf32>
        %swap3A_220 = vector.shape_cast %get3A_141 : vector<16xf32> to vector<1x16xf32>
        tpu.vector_store %arg8[%swap3A_216, %swap3A_217], %swap3A_220 {add = true, strides = array<i32>} : memref<32x768xf32, #tpu.memory_space<vmem>>, vector<1x16xf32>,
        %swap3A_221 = arith.index_cast %scan3A_128 : i32 to index
        %swap3A_222 = arith.constant 32 : index
        %swap3A_223 = tpu.vector_load %arg8[%swap3A_221, %swap3A_222] {strides = array<i32>} : memref<32x768xf32, #tpu.memory_space<vmem>>, vector<1x16xf32>,
        %swap3A_224 = vector.shape_cast %swap3A_223 : vector<1x16xf32> to vector<16xf32>
        %swap3A_225 = vector.shape_cast %get3A_146 : vector<16xf32> to vector<1x16xf32>
        tpu.vector_store %arg8[%swap3A_221, %swap3A_222], %swap3A_225 {add = true, strides = array<i32>} : memref<32x768xf32, #tpu.memory_space<vmem>>, vector<1x16xf32>,
        %swap3A_226 = arith.index_cast %scan3A_128 : i32 to index
        %swap3A_227 = arith.constant 48 : index
        %swap3A_228 = tpu.vector_load %arg8[%swap3A_226, %swap3A_227] {strides = array<i32>} : memref<32x768xf32, #tpu.memory_space<vmem>>, vector<1x16xf32>,
        %swap3A_229 = vector.shape_cast %swap3A_228 : vector<1x16xf32> to vector<16xf32>
        %swap3A_230 = vector.shape_cast %get3A_151 : vector<16xf32> to vector<1x16xf32>
        tpu.vector_store %arg8[%swap3A_226, %swap3A_227], %swap3A_230 {add = true, strides = array<i32>} : memref<32x768xf32, #tpu.memory_space<vmem>>, vector<1x16xf32>,
        %swap3A_231 = arith.index_cast %scan3A_128 : i32 to index
        %swap3A_232 = arith.constant 64 : index
        %swap3A_233 = tpu.vector_load %arg8[%swap3A_231, %swap3A_232] {strides = array<i32>} : memref<32x768xf32, #tpu.memory_space<vmem>>, vector<1x16xf32>,
        %swap3A_234 = vector.shape_cast %swap3A_233 : vector<1x16xf32> to vector<16xf32>
        %swap3A_235 = vector.shape_cast %get3A_156 : vector<16xf32> to vector<1x16xf32>
        tpu.vector_store %arg8[%swap3A_231, %swap3A_232], %swap3A_235 {add = true, strides = array<i32>} : memref<32x768xf32, #tpu.memory_space<vmem>>, vector<1x16xf32>,
        %swap3A_236 = arith.index_cast %scan3A_128 : i32 to index
        %swap3A_237 = arith.constant 80 : index
        %swap3A_238 = tpu.vector_load %arg8[%swap3A_236, %swap3A_237] {strides = array<i32>} : memref<32x768xf32, #tpu.memory_space<vmem>>, vector<1x16xf32>,
        %swap3A_239 = vector.shape_cast %swap3A_238 : vector<1x16xf32> to vector<16xf32>
        %swap3A_240 = vector.shape_cast %get3A_161 : vector<16xf32> to vector<1x16xf32>
        tpu.vector_store %arg8[%swap3A_236, %swap3A_237], %swap3A_240 {add = true, strides = array<i32>} : memref<32x768xf32, #tpu.memory_space<vmem>>, vector<1x16xf32>,
        %swap3A_241 = arith.index_cast %scan3A_128 : i32 to index
        %swap3A_242 = arith.constant 96 : index
        %swap3A_243 = tpu.vector_load %arg8[%swap3A_241, %swap3A_242] {strides = array<i32>} : memref<32x768xf32, #tpu.memory_space<vmem>>, vector<1x16xf32>,
        %swap3A_244 = vector.shape_cast %swap3A_243 : vector<1x16xf32> to vector<16xf32>
        %swap3A_245 = vector.shape_cast %get3A_166 : vector<16xf32> to vector<1x16xf32>
        tpu.vector_store %arg8[%swap3A_241, %swap3A_242], %swap3A_245 {add = true, strides = array<i32>} : memref<32x768xf32, #tpu.memory_space<vmem>>, vector<1x16xf32>,
        %swap3A_246 = arith.index_cast %scan3A_128 : i32 to index
        %swap3A_247 = arith.constant 112 : index
        %swap3A_248 = tpu.vector_load %arg8[%swap3A_246, %swap3A_247] {strides = array<i32>} : memref<32x768xf32, #tpu.memory_space<vmem>>, vector<1x16xf32>,
        %swap3A_249 = vector.shape_cast %swap3A_248 : vector<1x16xf32> to vector<16xf32>
        %swap3A_250 = vector.shape_cast %get3A_171 : vector<16xf32> to vector<1x16xf32>
        tpu.vector_store %arg8[%swap3A_246, %swap3A_247], %swap3A_250 {add = true, strides = array<i32>} : memref<32x768xf32, #tpu.memory_space<vmem>>, vector<1x16xf32>,
        %swap3A_251 = arith.index_cast %scan3A_128 : i32 to index
        %swap3A_252 = arith.constant 128 : index
        %swap3A_253 = tpu.vector_load %arg8[%swap3A_251, %swap3A_252] {strides = array<i32>} : memref<32x768xf32, #tpu.memory_space<vmem>>, vector<1x16xf32>,
        %swap3A_254 = vector.shape_cast %swap3A_253 : vector<1x16xf32> to vector<16xf32>
        %swap3A_255 = vector.shape_cast %get3A_176 : vector<16xf32> to vector<1x16xf32>
        tpu.vector_store %arg8[%swap3A_251, %swap3A_252], %swap3A_255 {add = true, strides = array<i32>} : memref<32x768xf32, #tpu.memory_space<vmem>>, vector<1x16xf32>,
        %swap3A_256 = arith.index_cast %scan3A_128 : i32 to index
        %swap3A_257 = arith.constant 144 : index
        %swap3A_258 = tpu.vector_load %arg8[%swap3A_256, %swap3A_257] {strides = array<i32>} : memref<32x768xf32, #tpu.memory_space<vmem>>, vector<1x16xf32>,
        %swap3A_259 = vector.shape_cast %swap3A_258 : vector<1x16xf32> to vector<16xf32>
        %swap3A_260 = vector.shape_cast %get3A_181 : vector<16xf32> to vector<1x16xf32>
        tpu.vector_store %arg8[%swap3A_256, %swap3A_257], %swap3A_260 {add = true, strides = array<i32>} : memref<32x768xf32, #tpu.memory_space<vmem>>, vector<1x16xf32>,
        %swap3A_261 = arith.index_cast %scan3A_128 : i32 to index
        %swap3A_262 = arith.constant 160 : index
        %swap3A_263 = tpu.vector_load %arg8[%swap3A_261, %swap3A_262] {strides = array<i32>} : memref<32x768xf32, #tpu.memory_space<vmem>>, vector<1x16xf32>,
        %swap3A_264 = vector.shape_cast %swap3A_263 : vector<1x16xf32> to vector<16xf32>
        %swap3A_265 = vector.shape_cast %get3A_186 : vector<16xf32> to vector<1x16xf32>
        tpu.vector_store %arg8[%swap3A_261, %swap3A_262], %swap3A_265 {add = true, strides = array<i32>} : memref<32x768xf32, #tpu.memory_space<vmem>>, vector<1x16xf32>,
        %swap3A_266 = arith.index_cast %scan3A_128 : i32 to index
        %swap3A_267 = arith.constant 176 : index
        %swap3A_268 = tpu.vector_load %arg8[%swap3A_266, %swap3A_267] {strides = array<i32>} : memref<32x768xf32, #tpu.memory_space<vmem>>, vector<1x16xf32>,
        %swap3A_269 = vector.shape_cast %swap3A_268 : vector<1x16xf32> to vector<16xf32>
        %swap3A_270 = vector.shape_cast %get3A_191 : vector<16xf32> to vector<1x16xf32>
        tpu.vector_store %arg8[%swap3A_266, %swap3A_267], %swap3A_270 {add = true, strides = array<i32>} : memref<32x768xf32, #tpu.memory_space<vmem>>, vector<1x16xf32>,
        %swap3A_271 = arith.index_cast %scan3A_128 : i32 to index
        %swap3A_272 = arith.constant 192 : index
        %swap3A_273 = tpu.vector_load %arg8[%swap3A_271, %swap3A_272] {strides = array<i32>} : memref<32x768xf32, #tpu.memory_space<vmem>>, vector<1x16xf32>,
        %swap3A_274 = vector.shape_cast %swap3A_273 : vector<1x16xf32> to vector<16xf32>
        %swap3A_275 = vector.shape_cast %get3A_196 : vector<16xf32> to vector<1x16xf32>
        tpu.vector_store %arg8[%swap3A_271, %swap3A_272], %swap3A_275 {add = true, strides = array<i32>} : memref<32x768xf32, #tpu.memory_space<vmem>>, vector<1x16xf32>,
        %swap3A_276 = arith.index_cast %scan3A_128 : i32 to index
        %swap3A_277 = arith.constant 208 : index
        %swap3A_278 = tpu.vector_load %arg8[%swap3A_276, %swap3A_277] {strides = array<i32>} : memref<32x768xf32, #tpu.memory_space<vmem>>, vector<1x16xf32>,
        %swap3A_279 = vector.shape_cast %swap3A_278 : vector<1x16xf32> to vector<16xf32>
        %swap3A_280 = vector.shape_cast %get3A_201 : vector<16xf32> to vector<1x16xf32>
        tpu.vector_store %arg8[%swap3A_276, %swap3A_277], %swap3A_280 {add = true, strides = array<i32>} : memref<32x768xf32, #tpu.memory_space<vmem>>, vector<1x16xf32>,
        %swap3A_281 = arith.index_cast %scan3A_128 : i32 to index
        %swap3A_282 = arith.constant 224 : index
        %swap3A_283 = tpu.vector_load %arg8[%swap3A_281, %swap3A_282] {strides = array<i32>} : memref<32x768xf32, #tpu.memory_space<vmem>>, vector<1x16xf32>,
        %swap3A_284 = vector.shape_cast %swap3A_283 : vector<1x16xf32> to vector<16xf32>
        %swap3A_285 = vector.shape_cast %get3A_206 : vector<16xf32> to vector<1x16xf32>
        tpu.vector_store %arg8[%swap3A_281, %swap3A_282], %swap3A_285 {add = true, strides = array<i32>} : memref<32x768xf32, #tpu.memory_space<vmem>>, vector<1x16xf32>,
        %swap3A_286 = arith.index_cast %scan3A_128 : i32 to index
        %swap3A_287 = arith.constant 240 : index
        %swap3A_288 = tpu.vector_load %arg8[%swap3A_286, %swap3A_287] {strides = array<i32>} : memref<32x768xf32, #tpu.memory_space<vmem>>, vector<1x16xf32>,
        %swap3A_289 = vector.shape_cast %swap3A_288 : vector<1x16xf32> to vector<16xf32>
        %swap3A_290 = vector.shape_cast %get3A_211 : vector<16xf32> to vector<1x16xf32>
        tpu.vector_store %arg8[%swap3A_286, %swap3A_287], %swap3A_290 {add = true, strides = array<i32>} : memref<32x768xf32, #tpu.memory_space<vmem>>, vector<1x16xf32>,
        %add3A_291 = arith.constant 256 : i32
        %add3A_292 = arith.addi %mul3A_132, %add3A_291 : i32
        %get3A_293 = arith.index_cast %add3A_292 : i32 to index
        %get3A_294 = tpu.vector_load %arg7[%get3A_293] {strides = array<i32>} : memref<59136xf32, #tpu.memory_space<vmem>>, vector<16xf32>,
        %get3A_295 = vector.shape_cast %get3A_294 : vector<16xf32> to vector<16xf32>
        %add3A_296 = arith.constant 272 : i32
        %add3A_297 = arith.addi %mul3A_132, %add3A_296 : i32
        %get3A_298 = arith.index_cast %add3A_297 : i32 to index
        %get3A_299 = tpu.vector_load %arg7[%get3A_298] {strides = array<i32>} : memref<59136xf32, #tpu.memory_space<vmem>>, vector<16xf32>,
        %get3A_300 = vector.shape_cast %get3A_299 : vector<16xf32> to vector<16xf32>
        %add3A_301 = arith.constant 288 : i32
        %add3A_302 = arith.addi %mul3A_132, %add3A_301 : i32
        %get3A_303 = arith.index_cast %add3A_302 : i32 to index
        %get3A_304 = tpu.vector_load %arg7[%get3A_303] {strides = array<i32>} : memref<59136xf32, #tpu.memory_space<vmem>>, vector<16xf32>,
        %get3A_305 = vector.shape_cast %get3A_304 : vector<16xf32> to vector<16xf32>
        %add3A_306 = arith.constant 304 : i32
        %add3A_307 = arith.addi %mul3A_132, %add3A_306 : i32
        %get3A_308 = arith.index_cast %add3A_307 : i32 to index
        %get3A_309 = tpu.vector_load %arg7[%get3A_308] {strides = array<i32>} : memref<59136xf32, #tpu.memory_space<vmem>>, vector<16xf32>,
        %get3A_310 = vector.shape_cast %get3A_309 : vector<16xf32> to vector<16xf32>
        %add3A_311 = arith.constant 320 : i32
        %add3A_312 = arith.addi %mul3A_132, %add3A_311 : i32
        %get3A_313 = arith.index_cast %add3A_312 : i32 to index
        %get3A_314 = tpu.vector_load %arg7[%get3A_313] {strides = array<i32>} : memref<59136xf32, #tpu.memory_space<vmem>>, vector<16xf32>,
        %get3A_315 = vector.shape_cast %get3A_314 : vector<16xf32> to vector<16xf32>
        %add3A_316 = arith.constant 336 : i32
        %add3A_317 = arith.addi %mul3A_132, %add3A_316 : i32
        %get3A_318 = arith.index_cast %add3A_317 : i32 to index
        %get3A_319 = tpu.vector_load %arg7[%get3A_318] {strides = array<i32>} : memref<59136xf32, #tpu.memory_space<vmem>>, vector<16xf32>,
        %get3A_320 = vector.shape_cast %get3A_319 : vector<16xf32> to vector<16xf32>
        %add3A_321 = arith.constant 352 : i32
        %add3A_322 = arith.addi %mul3A_132, %add3A_321 : i32
        %get3A_323 = arith.index_cast %add3A_322 : i32 to index
        %get3A_324 = tpu.vector_load %arg7[%get3A_323] {strides = array<i32>} : memref<59136xf32, #tpu.memory_space<vmem>>, vector<16xf32>,
        %get3A_325 = vector.shape_cast %get3A_324 : vector<16xf32> to vector<16xf32>
        %add3A_326 = arith.constant 368 : i32
        %add3A_327 = arith.addi %mul3A_132, %add3A_326 : i32
        %get3A_328 = arith.index_cast %add3A_327 : i32 to index
        %get3A_329 = tpu.vector_load %arg7[%get3A_328] {strides = array<i32>} : memref<59136xf32, #tpu.memory_space<vmem>>, vector<16xf32>,
        %get3A_330 = vector.shape_cast %get3A_329 : vector<16xf32> to vector<16xf32>
        %add3A_331 = arith.constant 384 : i32
        %add3A_332 = arith.addi %mul3A_132, %add3A_331 : i32
        %get3A_333 = arith.index_cast %add3A_332 : i32 to index
        %get3A_334 = tpu.vector_load %arg7[%get3A_333] {strides = array<i32>} : memref<59136xf32, #tpu.memory_space<vmem>>, vector<16xf32>,
        %get3A_335 = vector.shape_cast %get3A_334 : vector<16xf32> to vector<16xf32>
        %add3A_336 = arith.constant 400 : i32
        %add3A_337 = arith.addi %mul3A_132, %add3A_336 : i32
        %get3A_338 = arith.index_cast %add3A_337 : i32 to index
        %get3A_339 = tpu.vector_load %arg7[%get3A_338] {strides = array<i32>} : memref<59136xf32, #tpu.memory_space<vmem>>, vector<16xf32>,
        %get3A_340 = vector.shape_cast %get3A_339 : vector<16xf32> to vector<16xf32>
        %add3A_341 = arith.constant 416 : i32
        %add3A_342 = arith.addi %mul3A_132, %add3A_341 : i32
        %get3A_343 = arith.index_cast %add3A_342 : i32 to index
        %get3A_344 = tpu.vector_load %arg7[%get3A_343] {strides = array<i32>} : memref<59136xf32, #tpu.memory_space<vmem>>, vector<16xf32>,
        %get3A_345 = vector.shape_cast %get3A_344 : vector<16xf32> to vector<16xf32>
        %add3A_346 = arith.constant 432 : i32
        %add3A_347 = arith.addi %mul3A_132, %add3A_346 : i32
        %get3A_348 = arith.index_cast %add3A_347 : i32 to index
        %get3A_349 = tpu.vector_load %arg7[%get3A_348] {strides = array<i32>} : memref<59136xf32, #tpu.memory_space<vmem>>, vector<16xf32>,
        %get3A_350 = vector.shape_cast %get3A_349 : vector<16xf32> to vector<16xf32>
        %add3A_351 = arith.constant 448 : i32
        %add3A_352 = arith.addi %mul3A_132, %add3A_351 : i32
        %get3A_353 = arith.index_cast %add3A_352 : i32 to index
        %get3A_354 = tpu.vector_load %arg7[%get3A_353] {strides = array<i32>} : memref<59136xf32, #tpu.memory_space<vmem>>, vector<16xf32>,
        %get3A_355 = vector.shape_cast %get3A_354 : vector<16xf32> to vector<16xf32>
        %add3A_356 = arith.constant 464 : i32
        %add3A_357 = arith.addi %mul3A_132, %add3A_356 : i32
        %get3A_358 = arith.index_cast %add3A_357 : i32 to index
        %get3A_359 = tpu.vector_load %arg7[%get3A_358] {strides = array<i32>} : memref<59136xf32, #tpu.memory_space<vmem>>, vector<16xf32>,
        %get3A_360 = vector.shape_cast %get3A_359 : vector<16xf32> to vector<16xf32>
        %add3A_361 = arith.constant 480 : i32
        %add3A_362 = arith.addi %mul3A_132, %add3A_361 : i32
        %get3A_363 = arith.index_cast %add3A_362 : i32 to index
        %get3A_364 = tpu.vector_load %arg7[%get3A_363] {strides = array<i32>} : memref<59136xf32, #tpu.memory_space<vmem>>, vector<16xf32>,
        %get3A_365 = vector.shape_cast %get3A_364 : vector<16xf32> to vector<16xf32>
        %add3A_366 = arith.constant 496 : i32
        %add3A_367 = arith.addi %mul3A_132, %add3A_366 : i32
        %get3A_368 = arith.index_cast %add3A_367 : i32 to index
        %get3A_369 = tpu.vector_load %arg7[%get3A_368] {strides = array<i32>} : memref<59136xf32, #tpu.memory_space<vmem>>, vector<16xf32>,
        %get3A_370 = vector.shape_cast %get3A_369 : vector<16xf32> to vector<16xf32>
        %swap3A_371 = arith.index_cast %scan3A_128 : i32 to index
        %swap3A_372 = arith.constant 256 : index
        %swap3A_373 = tpu.vector_load %arg8[%swap3A_371, %swap3A_372] {strides = array<i32>} : memref<32x768xf32, #tpu.memory_space<vmem>>, vector<1x16xf32>,
        %swap3A_374 = vector.shape_cast %swap3A_373 : vector<1x16xf32> to vector<16xf32>
        %swap3A_375 = vector.shape_cast %get3A_295 : vector<16xf32> to vector<1x16xf32>
        tpu.vector_store %arg8[%swap3A_371, %swap3A_372], %swap3A_375 {add = true, strides = array<i32>} : memref<32x768xf32, #tpu.memory_space<vmem>>, vector<1x16xf32>,
        %swap3A_376 = arith.index_cast %scan3A_128 : i32 to index
        %swap3A_377 = arith.constant 272 : index
        %swap3A_378 = tpu.vector_load %arg8[%swap3A_376, %swap3A_377] {strides = array<i32>} : memref<32x768xf32, #tpu.memory_space<vmem>>, vector<1x16xf32>,
        %swap3A_379 = vector.shape_cast %swap3A_378 : vector<1x16xf32> to vector<16xf32>
        %swap3A_380 = vector.shape_cast %get3A_300 : vector<16xf32> to vector<1x16xf32>
        tpu.vector_store %arg8[%swap3A_376, %swap3A_377], %swap3A_380 {add = true, strides = array<i32>} : memref<32x768xf32, #tpu.memory_space<vmem>>, vector<1x16xf32>,
        %swap3A_381 = arith.index_cast %scan3A_128 : i32 to index
        %swap3A_382 = arith.constant 288 : index
        %swap3A_383 = tpu.vector_load %arg8[%swap3A_381, %swap3A_382] {strides = array<i32>} : memref<32x768xf32, #tpu.memory_space<vmem>>, vector<1x16xf32>,
        %swap3A_384 = vector.shape_cast %swap3A_383 : vector<1x16xf32> to vector<16xf32>
        %swap3A_385 = vector.shape_cast %get3A_305 : vector<16xf32> to vector<1x16xf32>
        tpu.vector_store %arg8[%swap3A_381, %swap3A_382], %swap3A_385 {add = true, strides = array<i32>} : memref<32x768xf32, #tpu.memory_space<vmem>>, vector<1x16xf32>,
        %swap3A_386 = arith.index_cast %scan3A_128 : i32 to index
        %swap3A_387 = arith.constant 304 : index
        %swap3A_388 = tpu.vector_load %arg8[%swap3A_386, %swap3A_387] {strides = array<i32>} : memref<32x768xf32, #tpu.memory_space<vmem>>, vector<1x16xf32>,
        %swap3A_389 = vector.shape_cast %swap3A_388 : vector<1x16xf32> to vector<16xf32>
        %swap3A_390 = vector.shape_cast %get3A_310 : vector<16xf32> to vector<1x16xf32>
        tpu.vector_store %arg8[%swap3A_386, %swap3A_387], %swap3A_390 {add = true, strides = array<i32>} : memref<32x768xf32, #tpu.memory_space<vmem>>, vector<1x16xf32>,
        %swap3A_391 = arith.index_cast %scan3A_128 : i32 to index
        %swap3A_392 = arith.constant 320 : index
        %swap3A_393 = tpu.vector_load %arg8[%swap3A_391, %swap3A_392] {strides = array<i32>} : memref<32x768xf32, #tpu.memory_space<vmem>>, vector<1x16xf32>,
        %swap3A_394 = vector.shape_cast %swap3A_393 : vector<1x16xf32> to vector<16xf32>
        %swap3A_395 = vector.shape_cast %get3A_315 : vector<16xf32> to vector<1x16xf32>
        tpu.vector_store %arg8[%swap3A_391, %swap3A_392], %swap3A_395 {add = true, strides = array<i32>} : memref<32x768xf32, #tpu.memory_space<vmem>>, vector<1x16xf32>,
        %swap3A_396 = arith.index_cast %scan3A_128 : i32 to index
        %swap3A_397 = arith.constant 336 : index
        %swap3A_398 = tpu.vector_load %arg8[%swap3A_396, %swap3A_397] {strides = array<i32>} : memref<32x768xf32, #tpu.memory_space<vmem>>, vector<1x16xf32>,
        %swap3A_399 = vector.shape_cast %swap3A_398 : vector<1x16xf32> to vector<16xf32>
        %swap3A_400 = vector.shape_cast %get3A_320 : vector<16xf32> to vector<1x16xf32>
        tpu.vector_store %arg8[%swap3A_396, %swap3A_397], %swap3A_400 {add = true, strides = array<i32>} : memref<32x768xf32, #tpu.memory_space<vmem>>, vector<1x16xf32>,
        %swap3A_401 = arith.index_cast %scan3A_128 : i32 to index
        %swap3A_402 = arith.constant 352 : index
        %swap3A_403 = tpu.vector_load %arg8[%swap3A_401, %swap3A_402] {strides = array<i32>} : memref<32x768xf32, #tpu.memory_space<vmem>>, vector<1x16xf32>,
        %swap3A_404 = vector.shape_cast %swap3A_403 : vector<1x16xf32> to vector<16xf32>
        %swap3A_405 = vector.shape_cast %get3A_325 : vector<16xf32> to vector<1x16xf32>
        tpu.vector_store %arg8[%swap3A_401, %swap3A_402], %swap3A_405 {add = true, strides = array<i32>} : memref<32x768xf32, #tpu.memory_space<vmem>>, vector<1x16xf32>,
        %swap3A_406 = arith.index_cast %scan3A_128 : i32 to index
        %swap3A_407 = arith.constant 368 : index
        %swap3A_408 = tpu.vector_load %arg8[%swap3A_406, %swap3A_407] {strides = array<i32>} : memref<32x768xf32, #tpu.memory_space<vmem>>, vector<1x16xf32>,
        %swap3A_409 = vector.shape_cast %swap3A_408 : vector<1x16xf32> to vector<16xf32>
        %swap3A_410 = vector.shape_cast %get3A_330 : vector<16xf32> to vector<1x16xf32>
        tpu.vector_store %arg8[%swap3A_406, %swap3A_407], %swap3A_410 {add = true, strides = array<i32>} : memref<32x768xf32, #tpu.memory_space<vmem>>, vector<1x16xf32>,
        %swap3A_411 = arith.index_cast %scan3A_128 : i32 to index
        %swap3A_412 = arith.constant 384 : index
        %swap3A_413 = tpu.vector_load %arg8[%swap3A_411, %swap3A_412] {strides = array<i32>} : memref<32x768xf32, #tpu.memory_space<vmem>>, vector<1x16xf32>,
        %swap3A_414 = vector.shape_cast %swap3A_413 : vector<1x16xf32> to vector<16xf32>
        %swap3A_415 = vector.shape_cast %get3A_335 : vector<16xf32> to vector<1x16xf32>
        tpu.vector_store %arg8[%swap3A_411, %swap3A_412], %swap3A_415 {add = true, strides = array<i32>} : memref<32x768xf32, #tpu.memory_space<vmem>>, vector<1x16xf32>,
        %swap3A_416 = arith.index_cast %scan3A_128 : i32 to index
        %swap3A_417 = arith.constant 400 : index
        %swap3A_418 = tpu.vector_load %arg8[%swap3A_416, %swap3A_417] {strides = array<i32>} : memref<32x768xf32, #tpu.memory_space<vmem>>, vector<1x16xf32>,
        %swap3A_419 = vector.shape_cast %swap3A_418 : vector<1x16xf32> to vector<16xf32>
        %swap3A_420 = vector.shape_cast %get3A_340 : vector<16xf32> to vector<1x16xf32>
        tpu.vector_store %arg8[%swap3A_416, %swap3A_417], %swap3A_420 {add = true, strides = array<i32>} : memref<32x768xf32, #tpu.memory_space<vmem>>, vector<1x16xf32>,
        %swap3A_421 = arith.index_cast %scan3A_128 : i32 to index
        %swap3A_422 = arith.constant 416 : index
        %swap3A_423 = tpu.vector_load %arg8[%swap3A_421, %swap3A_422] {strides = array<i32>} : memref<32x768xf32, #tpu.memory_space<vmem>>, vector<1x16xf32>,
        %swap3A_424 = vector.shape_cast %swap3A_423 : vector<1x16xf32> to vector<16xf32>
        %swap3A_425 = vector.shape_cast %get3A_345 : vector<16xf32> to vector<1x16xf32>
        tpu.vector_store %arg8[%swap3A_421, %swap3A_422], %swap3A_425 {add = true, strides = array<i32>} : memref<32x768xf32, #tpu.memory_space<vmem>>, vector<1x16xf32>,
        %swap3A_426 = arith.index_cast %scan3A_128 : i32 to index
        %swap3A_427 = arith.constant 432 : index
        %swap3A_428 = tpu.vector_load %arg8[%swap3A_426, %swap3A_427] {strides = array<i32>} : memref<32x768xf32, #tpu.memory_space<vmem>>, vector<1x16xf32>,
        %swap3A_429 = vector.shape_cast %swap3A_428 : vector<1x16xf32> to vector<16xf32>
        %swap3A_430 = vector.shape_cast %get3A_350 : vector<16xf32> to vector<1x16xf32>
        tpu.vector_store %arg8[%swap3A_426, %swap3A_427], %swap3A_430 {add = true, strides = array<i32>} : memref<32x768xf32, #tpu.memory_space<vmem>>, vector<1x16xf32>,
        %swap3A_431 = arith.index_cast %scan3A_128 : i32 to index
        %swap3A_432 = arith.constant 448 : index
        %swap3A_433 = tpu.vector_load %arg8[%swap3A_431, %swap3A_432] {strides = array<i32>} : memref<32x768xf32, #tpu.memory_space<vmem>>, vector<1x16xf32>,
        %swap3A_434 = vector.shape_cast %swap3A_433 : vector<1x16xf32> to vector<16xf32>
        %swap3A_435 = vector.shape_cast %get3A_355 : vector<16xf32> to vector<1x16xf32>
        tpu.vector_store %arg8[%swap3A_431, %swap3A_432], %swap3A_435 {add = true, strides = array<i32>} : memref<32x768xf32, #tpu.memory_space<vmem>>, vector<1x16xf32>,
        %swap3A_436 = arith.index_cast %scan3A_128 : i32 to index
        %swap3A_437 = arith.constant 464 : index
        %swap3A_438 = tpu.vector_load %arg8[%swap3A_436, %swap3A_437] {strides = array<i32>} : memref<32x768xf32, #tpu.memory_space<vmem>>, vector<1x16xf32>,
        %swap3A_439 = vector.shape_cast %swap3A_438 : vector<1x16xf32> to vector<16xf32>
        %swap3A_440 = vector.shape_cast %get3A_360 : vector<16xf32> to vector<1x16xf32>
        tpu.vector_store %arg8[%swap3A_436, %swap3A_437], %swap3A_440 {add = true, strides = array<i32>} : memref<32x768xf32, #tpu.memory_space<vmem>>, vector<1x16xf32>,
        %swap3A_441 = arith.index_cast %scan3A_128 : i32 to index
        %swap3A_442 = arith.constant 480 : index
        %swap3A_443 = tpu.vector_load %arg8[%swap3A_441, %swap3A_442] {strides = array<i32>} : memref<32x768xf32, #tpu.memory_space<vmem>>, vector<1x16xf32>,
        %swap3A_444 = vector.shape_cast %swap3A_443 : vector<1x16xf32> to vector<16xf32>
        %swap3A_445 = vector.shape_cast %get3A_365 : vector<16xf32> to vector<1x16xf32>
        tpu.vector_store %arg8[%swap3A_441, %swap3A_442], %swap3A_445 {add = true, strides = array<i32>} : memref<32x768xf32, #tpu.memory_space<vmem>>, vector<1x16xf32>,
        %swap3A_446 = arith.index_cast %scan3A_128 : i32 to index
        %swap3A_447 = arith.constant 496 : index
        %swap3A_448 = tpu.vector_load %arg8[%swap3A_446, %swap3A_447] {strides = array<i32>} : memref<32x768xf32, #tpu.memory_space<vmem>>, vector<1x16xf32>,
        %swap3A_449 = vector.shape_cast %swap3A_448 : vector<1x16xf32> to vector<16xf32>
        %swap3A_450 = vector.shape_cast %get3A_370 : vector<16xf32> to vector<1x16xf32>
        tpu.vector_store %arg8[%swap3A_446, %swap3A_447], %swap3A_450 {add = true, strides = array<i32>} : memref<32x768xf32, #tpu.memory_space<vmem>>, vector<1x16xf32>,
        %add3A_451 = arith.constant 512 : i32
        %add3A_452 = arith.addi %mul3A_132, %add3A_451 : i32
        %get3A_453 = arith.index_cast %add3A_452 : i32 to index
        %get3A_454 = tpu.vector_load %arg7[%get3A_453] {strides = array<i32>} : memref<59136xf32, #tpu.memory_space<vmem>>, vector<16xf32>,
        %get3A_455 = vector.shape_cast %get3A_454 : vector<16xf32> to vector<16xf32>
        %add3A_456 = arith.constant 528 : i32
        %add3A_457 = arith.addi %mul3A_132, %add3A_456 : i32
        %get3A_458 = arith.index_cast %add3A_457 : i32 to index
        %get3A_459 = tpu.vector_load %arg7[%get3A_458] {strides = array<i32>} : memref<59136xf32, #tpu.memory_space<vmem>>, vector<16xf32>,
        %get3A_460 = vector.shape_cast %get3A_459 : vector<16xf32> to vector<16xf32>
        %add3A_461 = arith.constant 544 : i32
        %add3A_462 = arith.addi %mul3A_132, %add3A_461 : i32
        %get3A_463 = arith.index_cast %add3A_462 : i32 to index
        %get3A_464 = tpu.vector_load %arg7[%get3A_463] {strides = array<i32>} : memref<59136xf32, #tpu.memory_space<vmem>>, vector<16xf32>,
        %get3A_465 = vector.shape_cast %get3A_464 : vector<16xf32> to vector<16xf32>
        %add3A_466 = arith.constant 560 : i32
        %add3A_467 = arith.addi %mul3A_132, %add3A_466 : i32
        %get3A_468 = arith.index_cast %add3A_467 : i32 to index
        %get3A_469 = tpu.vector_load %arg7[%get3A_468] {strides = array<i32>} : memref<59136xf32, #tpu.memory_space<vmem>>, vector<16xf32>,
        %get3A_470 = vector.shape_cast %get3A_469 : vector<16xf32> to vector<16xf32>
        %add3A_471 = arith.constant 576 : i32
        %add3A_472 = arith.addi %mul3A_132, %add3A_471 : i32
        %get3A_473 = arith.index_cast %add3A_472 : i32 to index
        %get3A_474 = tpu.vector_load %arg7[%get3A_473] {strides = array<i32>} : memref<59136xf32, #tpu.memory_space<vmem>>, vector<16xf32>,
        %get3A_475 = vector.shape_cast %get3A_474 : vector<16xf32> to vector<16xf32>
        %add3A_476 = arith.constant 592 : i32
        %add3A_477 = arith.addi %mul3A_132, %add3A_476 : i32
        %get3A_478 = arith.index_cast %add3A_477 : i32 to index
        %get3A_479 = tpu.vector_load %arg7[%get3A_478] {strides = array<i32>} : memref<59136xf32, #tpu.memory_space<vmem>>, vector<16xf32>,
        %get3A_480 = vector.shape_cast %get3A_479 : vector<16xf32> to vector<16xf32>
        %add3A_481 = arith.constant 608 : i32
        %add3A_482 = arith.addi %mul3A_132, %add3A_481 : i32
        %get3A_483 = arith.index_cast %add3A_482 : i32 to index
        %get3A_484 = tpu.vector_load %arg7[%get3A_483] {strides = array<i32>} : memref<59136xf32, #tpu.memory_space<vmem>>, vector<16xf32>,
        %get3A_485 = vector.shape_cast %get3A_484 : vector<16xf32> to vector<16xf32>
        %add3A_486 = arith.constant 624 : i32
        %add3A_487 = arith.addi %mul3A_132, %add3A_486 : i32
        %get3A_488 = arith.index_cast %add3A_487 : i32 to index
        %get3A_489 = tpu.vector_load %arg7[%get3A_488] {strides = array<i32>} : memref<59136xf32, #tpu.memory_space<vmem>>, vector<16xf32>,
        %get3A_490 = vector.shape_cast %get3A_489 : vector<16xf32> to vector<16xf32>
        %add3A_491 = arith.constant 640 : i32
        %add3A_492 = arith.addi %mul3A_132, %add3A_491 : i32
        %get3A_493 = arith.index_cast %add3A_492 : i32 to index
        %get3A_494 = tpu.vector_load %arg7[%get3A_493] {strides = array<i32>} : memref<59136xf32, #tpu.memory_space<vmem>>, vector<16xf32>,
        %get3A_495 = vector.shape_cast %get3A_494 : vector<16xf32> to vector<16xf32>
        %add3A_496 = arith.constant 656 : i32
        %add3A_497 = arith.addi %mul3A_132, %add3A_496 : i32
        %get3A_498 = arith.index_cast %add3A_497 : i32 to index
        %get3A_499 = tpu.vector_load %arg7[%get3A_498] {strides = array<i32>} : memref<59136xf32, #tpu.memory_space<vmem>>, vector<16xf32>,
        %get3A_500 = vector.shape_cast %get3A_499 : vector<16xf32> to vector<16xf32>
        %add3A_501 = arith.constant 672 : i32
        %add3A_502 = arith.addi %mul3A_132, %add3A_501 : i32
        %get3A_503 = arith.index_cast %add3A_502 : i32 to index
        %get3A_504 = tpu.vector_load %arg7[%get3A_503] {strides = array<i32>} : memref<59136xf32, #tpu.memory_space<vmem>>, vector<16xf32>,
        %get3A_505 = vector.shape_cast %get3A_504 : vector<16xf32> to vector<16xf32>
        %add3A_506 = arith.constant 688 : i32
        %add3A_507 = arith.addi %mul3A_132, %add3A_506 : i32
        %get3A_508 = arith.index_cast %add3A_507 : i32 to index
        %get3A_509 = tpu.vector_load %arg7[%get3A_508] {strides = array<i32>} : memref<59136xf32, #tpu.memory_space<vmem>>, vector<16xf32>,
        %get3A_510 = vector.shape_cast %get3A_509 : vector<16xf32> to vector<16xf32>
        %add3A_511 = arith.constant 704 : i32
        %add3A_512 = arith.addi %mul3A_132, %add3A_511 : i32
        %get3A_513 = arith.index_cast %add3A_512 : i32 to index
        %get3A_514 = tpu.vector_load %arg7[%get3A_513] {strides = array<i32>} : memref<59136xf32, #tpu.memory_space<vmem>>, vector<16xf32>,
        %get3A_515 = vector.shape_cast %get3A_514 : vector<16xf32> to vector<16xf32>
        %add3A_516 = arith.constant 720 : i32
        %add3A_517 = arith.addi %mul3A_132, %add3A_516 : i32
        %get3A_518 = arith.index_cast %add3A_517 : i32 to index
        %get3A_519 = tpu.vector_load %arg7[%get3A_518] {strides = array<i32>} : memref<59136xf32, #tpu.memory_space<vmem>>, vector<16xf32>,
        %get3A_520 = vector.shape_cast %get3A_519 : vector<16xf32> to vector<16xf32>
        %add3A_521 = arith.constant 736 : i32
        %add3A_522 = arith.addi %mul3A_132, %add3A_521 : i32
        %get3A_523 = arith.index_cast %add3A_522 : i32 to index
        %get3A_524 = tpu.vector_load %arg7[%get3A_523] {strides = array<i32>} : memref<59136xf32, #tpu.memory_space<vmem>>, vector<16xf32>,
        %get3A_525 = vector.shape_cast %get3A_524 : vector<16xf32> to vector<16xf32>
        %add3A_526 = arith.constant 752 : i32
        %add3A_527 = arith.addi %mul3A_132, %add3A_526 : i32
        %get3A_528 = arith.index_cast %add3A_527 : i32 to index
        %get3A_529 = tpu.vector_load %arg7[%get3A_528] {strides = array<i32>} : memref<59136xf32, #tpu.memory_space<vmem>>, vector<16xf32>,
        %get3A_530 = vector.shape_cast %get3A_529 : vector<16xf32> to vector<16xf32>
        %swap3A_531 = arith.index_cast %scan3A_128 : i32 to index
        %swap3A_532 = arith.constant 512 : index
        %swap3A_533 = tpu.vector_load %arg8[%swap3A_531, %swap3A_532] {strides = array<i32>} : memref<32x768xf32, #tpu.memory_space<vmem>>, vector<1x16xf32>,
        %swap3A_534 = vector.shape_cast %swap3A_533 : vector<1x16xf32> to vector<16xf32>
        %swap3A_535 = vector.shape_cast %get3A_455 : vector<16xf32> to vector<1x16xf32>
        tpu.vector_store %arg8[%swap3A_531, %swap3A_532], %swap3A_535 {add = true, strides = array<i32>} : memref<32x768xf32, #tpu.memory_space<vmem>>, vector<1x16xf32>,
        %swap3A_536 = arith.index_cast %scan3A_128 : i32 to index
        %swap3A_537 = arith.constant 528 : index
        %swap3A_538 = tpu.vector_load %arg8[%swap3A_536, %swap3A_537] {strides = array<i32>} : memref<32x768xf32, #tpu.memory_space<vmem>>, vector<1x16xf32>,
        %swap3A_539 = vector.shape_cast %swap3A_538 : vector<1x16xf32> to vector<16xf32>
        %swap3A_540 = vector.shape_cast %get3A_460 : vector<16xf32> to vector<1x16xf32>
        tpu.vector_store %arg8[%swap3A_536, %swap3A_537], %swap3A_540 {add = true, strides = array<i32>} : memref<32x768xf32, #tpu.memory_space<vmem>>, vector<1x16xf32>,
        %swap3A_541 = arith.index_cast %scan3A_128 : i32 to index
        %swap3A_542 = arith.constant 544 : index
        %swap3A_543 = tpu.vector_load %arg8[%swap3A_541, %swap3A_542] {strides = array<i32>} : memref<32x768xf32, #tpu.memory_space<vmem>>, vector<1x16xf32>,
        %swap3A_544 = vector.shape_cast %swap3A_543 : vector<1x16xf32> to vector<16xf32>
        %swap3A_545 = vector.shape_cast %get3A_465 : vector<16xf32> to vector<1x16xf32>
        tpu.vector_store %arg8[%swap3A_541, %swap3A_542], %swap3A_545 {add = true, strides = array<i32>} : memref<32x768xf32, #tpu.memory_space<vmem>>, vector<1x16xf32>,
        %swap3A_546 = arith.index_cast %scan3A_128 : i32 to index
        %swap3A_547 = arith.constant 560 : index
        %swap3A_548 = tpu.vector_load %arg8[%swap3A_546, %swap3A_547] {strides = array<i32>} : memref<32x768xf32, #tpu.memory_space<vmem>>, vector<1x16xf32>,
        %swap3A_549 = vector.shape_cast %swap3A_548 : vector<1x16xf32> to vector<16xf32>
        %swap3A_550 = vector.shape_cast %get3A_470 : vector<16xf32> to vector<1x16xf32>
        tpu.vector_store %arg8[%swap3A_546, %swap3A_547], %swap3A_550 {add = true, strides = array<i32>} : memref<32x768xf32, #tpu.memory_space<vmem>>, vector<1x16xf32>,
        %swap3A_551 = arith.index_cast %scan3A_128 : i32 to index
        %swap3A_552 = arith.constant 576 : index
        %swap3A_553 = tpu.vector_load %arg8[%swap3A_551, %swap3A_552] {strides = array<i32>} : memref<32x768xf32, #tpu.memory_space<vmem>>, vector<1x16xf32>,
        %swap3A_554 = vector.shape_cast %swap3A_553 : vector<1x16xf32> to vector<16xf32>
        %swap3A_555 = vector.shape_cast %get3A_475 : vector<16xf32> to vector<1x16xf32>
        tpu.vector_store %arg8[%swap3A_551, %swap3A_552], %swap3A_555 {add = true, strides = array<i32>} : memref<32x768xf32, #tpu.memory_space<vmem>>, vector<1x16xf32>,
        %swap3A_556 = arith.index_cast %scan3A_128 : i32 to index
        %swap3A_557 = arith.constant 592 : index
        %swap3A_558 = tpu.vector_load %arg8[%swap3A_556, %swap3A_557] {strides = array<i32>} : memref<32x768xf32, #tpu.memory_space<vmem>>, vector<1x16xf32>,
        %swap3A_559 = vector.shape_cast %swap3A_558 : vector<1x16xf32> to vector<16xf32>
        %swap3A_560 = vector.shape_cast %get3A_480 : vector<16xf32> to vector<1x16xf32>
        tpu.vector_store %arg8[%swap3A_556, %swap3A_557], %swap3A_560 {add = true, strides = array<i32>} : memref<32x768xf32, #tpu.memory_space<vmem>>, vector<1x16xf32>,
        %swap3A_561 = arith.index_cast %scan3A_128 : i32 to index
        %swap3A_562 = arith.constant 608 : index
        %swap3A_563 = tpu.vector_load %arg8[%swap3A_561, %swap3A_562] {strides = array<i32>} : memref<32x768xf32, #tpu.memory_space<vmem>>, vector<1x16xf32>,
        %swap3A_564 = vector.shape_cast %swap3A_563 : vector<1x16xf32> to vector<16xf32>
        %swap3A_565 = vector.shape_cast %get3A_485 : vector<16xf32> to vector<1x16xf32>
        tpu.vector_store %arg8[%swap3A_561, %swap3A_562], %swap3A_565 {add = true, strides = array<i32>} : memref<32x768xf32, #tpu.memory_space<vmem>>, vector<1x16xf32>,
        %swap3A_566 = arith.index_cast %scan3A_128 : i32 to index
        %swap3A_567 = arith.constant 624 : index
        %swap3A_568 = tpu.vector_load %arg8[%swap3A_566, %swap3A_567] {strides = array<i32>} : memref<32x768xf32, #tpu.memory_space<vmem>>, vector<1x16xf32>,
        %swap3A_569 = vector.shape_cast %swap3A_568 : vector<1x16xf32> to vector<16xf32>
        %swap3A_570 = vector.shape_cast %get3A_490 : vector<16xf32> to vector<1x16xf32>
        tpu.vector_store %arg8[%swap3A_566, %swap3A_567], %swap3A_570 {add = true, strides = array<i32>} : memref<32x768xf32, #tpu.memory_space<vmem>>, vector<1x16xf32>,
        %swap3A_571 = arith.index_cast %scan3A_128 : i32 to index
        %swap3A_572 = arith.constant 640 : index
        %swap3A_573 = tpu.vector_load %arg8[%swap3A_571, %swap3A_572] {strides = array<i32>} : memref<32x768xf32, #tpu.memory_space<vmem>>, vector<1x16xf32>,
        %swap3A_574 = vector.shape_cast %swap3A_573 : vector<1x16xf32> to vector<16xf32>
        %swap3A_575 = vector.shape_cast %get3A_495 : vector<16xf32> to vector<1x16xf32>
        tpu.vector_store %arg8[%swap3A_571, %swap3A_572], %swap3A_575 {add = true, strides = array<i32>} : memref<32x768xf32, #tpu.memory_space<vmem>>, vector<1x16xf32>,
        %swap3A_576 = arith.index_cast %scan3A_128 : i32 to index
        %swap3A_577 = arith.constant 656 : index
        %swap3A_578 = tpu.vector_load %arg8[%swap3A_576, %swap3A_577] {strides = array<i32>} : memref<32x768xf32, #tpu.memory_space<vmem>>, vector<1x16xf32>,
        %swap3A_579 = vector.shape_cast %swap3A_578 : vector<1x16xf32> to vector<16xf32>
        %swap3A_580 = vector.shape_cast %get3A_500 : vector<16xf32> to vector<1x16xf32>
        tpu.vector_store %arg8[%swap3A_576, %swap3A_577], %swap3A_580 {add = true, strides = array<i32>} : memref<32x768xf32, #tpu.memory_space<vmem>>, vector<1x16xf32>,
        %swap3A_581 = arith.index_cast %scan3A_128 : i32 to index
        %swap3A_582 = arith.constant 672 : index
        %swap3A_583 = tpu.vector_load %arg8[%swap3A_581, %swap3A_582] {strides = array<i32>} : memref<32x768xf32, #tpu.memory_space<vmem>>, vector<1x16xf32>,
        %swap3A_584 = vector.shape_cast %swap3A_583 : vector<1x16xf32> to vector<16xf32>
        %swap3A_585 = vector.shape_cast %get3A_505 : vector<16xf32> to vector<1x16xf32>
        tpu.vector_store %arg8[%swap3A_581, %swap3A_582], %swap3A_585 {add = true, strides = array<i32>} : memref<32x768xf32, #tpu.memory_space<vmem>>, vector<1x16xf32>,
        %swap3A_586 = arith.index_cast %scan3A_128 : i32 to index
        %swap3A_587 = arith.constant 688 : index
        %swap3A_588 = tpu.vector_load %arg8[%swap3A_586, %swap3A_587] {strides = array<i32>} : memref<32x768xf32, #tpu.memory_space<vmem>>, vector<1x16xf32>,
        %swap3A_589 = vector.shape_cast %swap3A_588 : vector<1x16xf32> to vector<16xf32>
        %swap3A_590 = vector.shape_cast %get3A_510 : vector<16xf32> to vector<1x16xf32>
        tpu.vector_store %arg8[%swap3A_586, %swap3A_587], %swap3A_590 {add = true, strides = array<i32>} : memref<32x768xf32, #tpu.memory_space<vmem>>, vector<1x16xf32>,
        %swap3A_591 = arith.index_cast %scan3A_128 : i32 to index
        %swap3A_592 = arith.constant 704 : index
        %swap3A_593 = tpu.vector_load %arg8[%swap3A_591, %swap3A_592] {strides = array<i32>} : memref<32x768xf32, #tpu.memory_space<vmem>>, vector<1x16xf32>,
        %swap3A_594 = vector.shape_cast %swap3A_593 : vector<1x16xf32> to vector<16xf32>
        %swap3A_595 = vector.shape_cast %get3A_515 : vector<16xf32> to vector<1x16xf32>
        tpu.vector_store %arg8[%swap3A_591, %swap3A_592], %swap3A_595 {add = true, strides = array<i32>} : memref<32x768xf32, #tpu.memory_space<vmem>>, vector<1x16xf32>,
        %swap3A_596 = arith.index_cast %scan3A_128 : i32 to index
        %swap3A_597 = arith.constant 720 : index
        %swap3A_598 = tpu.vector_load %arg8[%swap3A_596, %swap3A_597] {strides = array<i32>} : memref<32x768xf32, #tpu.memory_space<vmem>>, vector<1x16xf32>,
        %swap3A_599 = vector.shape_cast %swap3A_598 : vector<1x16xf32> to vector<16xf32>
        %swap3A_600 = vector.shape_cast %get3A_520 : vector<16xf32> to vector<1x16xf32>
        tpu.vector_store %arg8[%swap3A_596, %swap3A_597], %swap3A_600 {add = true, strides = array<i32>} : memref<32x768xf32, #tpu.memory_space<vmem>>, vector<1x16xf32>,
        %swap3A_601 = arith.index_cast %scan3A_128 : i32 to index
        %swap3A_602 = arith.constant 736 : index
        %swap3A_603 = tpu.vector_load %arg8[%swap3A_601, %swap3A_602] {strides = array<i32>} : memref<32x768xf32, #tpu.memory_space<vmem>>, vector<1x16xf32>,
        %swap3A_604 = vector.shape_cast %swap3A_603 : vector<1x16xf32> to vector<16xf32>
        %swap3A_605 = vector.shape_cast %get3A_525 : vector<16xf32> to vector<1x16xf32>
        tpu.vector_store %arg8[%swap3A_601, %swap3A_602], %swap3A_605 {add = true, strides = array<i32>} : memref<32x768xf32, #tpu.memory_space<vmem>>, vector<1x16xf32>,
        %swap3A_606 = arith.index_cast %scan3A_128 : i32 to index
        %swap3A_607 = arith.constant 752 : index
        %swap3A_608 = tpu.vector_load %arg8[%swap3A_606, %swap3A_607] {strides = array<i32>} : memref<32x768xf32, #tpu.memory_space<vmem>>, vector<1x16xf32>,
        %swap3A_609 = vector.shape_cast %swap3A_608 : vector<1x16xf32> to vector<16xf32>
        %swap3A_610 = vector.shape_cast %get3A_530 : vector<16xf32> to vector<1x16xf32>
        tpu.vector_store %arg8[%swap3A_606, %swap3A_607], %swap3A_610 {add = true, strides = array<i32>} : memref<32x768xf32, #tpu.memory_space<vmem>>, vector<1x16xf32>,
      }
      %scan3A_60 = arith.constant 32 : i32
      %dma_start3A_61 = arith.constant 0 : i32
      %dma_start3A_62 = arith.constant 0 : i32
      %dma_start3A_63 = tpu.memref_slice %arg5[%add3A_48, %dma_start3A_61, %dma_start3A_62] : memref<4096x80x768xf32, #tpu.memory_space<hbm>> -> memref<1x32x768xf32, #tpu.memory_space<hbm>>
      %dma_start3A_64 = tpu.memref_squeeze %dma_start3A_63 : memref<1x32x768xf32, #tpu.memory_space<hbm>> -> memref<32x768xf32, #tpu.memory_space<hbm>>
      %dma_start3A_65 = arith.constant 0 : i32
      %dma_start3A_66 = arith.constant 0 : i32
      %dma_start3A_67 = tpu.memref_slice %arg5[%add3A_48, %dma_start3A_65, %dma_start3A_66] : memref<4096x80x768xf32, #tpu.memory_space<hbm>> -> memref<1x32x768xf32, #tpu.memory_space<hbm>>
      %dma_start3A_68 = tpu.memref_squeeze %dma_start3A_67 : memref<1x32x768xf32, #tpu.memory_space<hbm>> -> memref<32x768xf32, #tpu.memory_space<hbm>>
      tpu.enqueue_dma source(%arg8 : memref<32x768xf32, #tpu.memory_space<vmem>>) target(%dma_start3A_68 : memref<32x768xf32, #tpu.memory_space<hbm>>) target_semaphore(%arg14 : memref<!tpu.dma_semaphore, #tpu.memory_space<semaphore_mem>>)
      %gt3A = arith.constant 0 : i32
      %gt3A_69 = arith.cmpi sgt, %scan3A_45, %gt3A : i32
      %convert_element_type3A = arith.extui %gt3A_69 : i1 to i32
      %cond3A = arith.constant 0 : i32
      %cond3A_70 = arith.cmpi ne, %convert_element_type3A, %cond3A : i32
      scf.if %cond3A_70 {
        %dma_wait3A_128 = arith.constant 0 : i32
        %dma_wait3A_129 = arith.constant 64 : i32
        %dma_wait3A_130 = arith.constant 0 : i32
        %dma_wait3A_131 = tpu.memref_slice %arg5[%dma_wait3A_128, %dma_wait3A_129, %dma_wait3A_130] : memref<4096x80x768xf32, #tpu.memory_space<hbm>> -> memref<1x16x768xf32, #tpu.memory_space<hbm>>
        %dma_wait3A_132 = tpu.memref_squeeze %dma_wait3A_131 : memref<1x16x768xf32, #tpu.memory_space<hbm>> -> memref<16x768xf32, #tpu.memory_space<hbm>>
        %dma_wait3A_133 = arith.constant 64 : i32
        %dma_wait3A_134 = arith.constant 0 : i32
        %dma_wait3A_135 = tpu.memref_slice %arg5[%dma_wait3A_128, %dma_wait3A_133, %dma_wait3A_134] : memref<4096x80x768xf32, #tpu.memory_space<hbm>> -> memref<1x16x768xf32, #tpu.memory_space<hbm>>
        %dma_wait3A_136 = tpu.memref_squeeze %dma_wait3A_135 : memref<1x16x768xf32, #tpu.memory_space<hbm>> -> memref<16x768xf32, #tpu.memory_space<hbm>>
        tpu.wait_dma2 semaphore(%arg16 : memref<!tpu.dma_semaphore, #tpu.memory_space<semaphore_mem>>) src(%arg10 : memref<16x768xf32, #tpu.memory_space<vmem>>) dst(%dma_wait3A_136 : memref<16x768xf32, #tpu.memory_space<hbm>>)
      } else {
      }
      %mul3A_71 = arith.constant 80 : i32
      %mul3A_72 = arith.muli %scan3A_45, %mul3A_71 : i32
      %add3A_73 = arith.constant 64 : i32
      %add3A_74 = arith.addi %mul3A_72, %add3A_73 : i32
      %dma_start3A_75 = tpu.memref_slice %arg6[%add3A_74] : memref<10240xi32, #tpu.memory_space<vmem>> -> memref<16xi32, #tpu.memory_space<vmem>>
      %dma_start3A_76 = arith.constant 0 : i32
      %dma_start3A_77 = arith.constant 0 : i32
      %dma_start3A_78 = tpu.memref_slice %arg3[%dma_start3A_76, %dma_start3A_77] : memref<49408x768xf32, #tpu.memory_space<hbm>> -> memref<49408x768xf32, #tpu.memory_space<hbm>>
      tpu.enqueue_indirect_dma source(%dma_start3A_78 : memref<49408x768xf32, #tpu.memory_space<hbm>>) target(%arg10 : memref<16x768xf32, #tpu.memory_space<vmem>>) offsets(%dma_start3A_75 : memref<16xi32, #tpu.memory_space<vmem>>) semaphore(%arg13 : memref<!tpu.dma_semaphore, #tpu.memory_space<semaphore_mem>>)
      %dma_wait3A_79 = arith.constant 0 : i32
      %dma_wait3A_80 = arith.constant 0 : i32
      %dma_wait3A_81 = tpu.memref_slice %arg3[%dma_wait3A_79, %dma_wait3A_80] : memref<49408x768xf32, #tpu.memory_space<hbm>> -> memref<32x768xf32, #tpu.memory_space<hbm>>
      %dma_wait3A_82 = arith.constant 0 : i32
      %dma_wait3A_83 = arith.constant 0 : i32
      %dma_wait3A_84 = tpu.memref_slice %arg3[%dma_wait3A_82, %dma_wait3A_83] : memref<49408x768xf32, #tpu.memory_space<hbm>> -> memref<32x768xf32, #tpu.memory_space<hbm>>
      tpu.wait_dma2 semaphore(%arg12 : memref<!tpu.dma_semaphore, #tpu.memory_space<semaphore_mem>>) src(%dma_wait3A_84 : memref<32x768xf32, #tpu.memory_space<hbm>>) dst(%arg9 : memref<32x768xf32, #tpu.memory_space<vmem>>)
      %scan3A_85 = arith.constant 0 : i32
      %scan3A_86 = arith.constant 0 : i32
      %scan3A_87 = arith.constant 32 : i32
      %scan3A_88 = arith.addi %scan3A_86, %scan3A_87 : i32
      %scan3A_89 = arith.constant 1 : i32
      scf.for %scan3A_128 = %scan3A_86 to %scan3A_88 step %scan3A_89  : i32 {
        %add3A_129 = arith.constant 32 : i32
        %add3A_130 = arith.addi %add3A_129, %scan3A_128 : i32
        %mul3A_131 = arith.constant 768 : i32
        %mul3A_132 = arith.muli %add3A_130, %mul3A_131 : i32
        %add3A_133 = arith.constant 0 : i32
        %add3A_134 = arith.addi %mul3A_132, %add3A_133 : i32
        %get3A = arith.index_cast %add3A_134 : i32 to index
        %get3A_135 = tpu.vector_load %arg7[%get3A] {strides = array<i32>} : memref<59136xf32, #tpu.memory_space<vmem>>, vector<16xf32>,
        %get3A_136 = vector.shape_cast %get3A_135 : vector<16xf32> to vector<16xf32>
        %add3A_137 = arith.constant 16 : i32
        %add3A_138 = arith.addi %mul3A_132, %add3A_137 : i32
        %get3A_139 = arith.index_cast %add3A_138 : i32 to index
        %get3A_140 = tpu.vector_load %arg7[%get3A_139] {strides = array<i32>} : memref<59136xf32, #tpu.memory_space<vmem>>, vector<16xf32>,
        %get3A_141 = vector.shape_cast %get3A_140 : vector<16xf32> to vector<16xf32>
        %add3A_142 = arith.constant 32 : i32
        %add3A_143 = arith.addi %mul3A_132, %add3A_142 : i32
        %get3A_144 = arith.index_cast %add3A_143 : i32 to index
        %get3A_145 = tpu.vector_load %arg7[%get3A_144] {strides = array<i32>} : memref<59136xf32, #tpu.memory_space<vmem>>, vector<16xf32>,
        %get3A_146 = vector.shape_cast %get3A_145 : vector<16xf32> to vector<16xf32>
        %add3A_147 = arith.constant 48 : i32
        %add3A_148 = arith.addi %mul3A_132, %add3A_147 : i32
        %get3A_149 = arith.index_cast %add3A_148 : i32 to index
        %get3A_150 = tpu.vector_load %arg7[%get3A_149] {strides = array<i32>} : memref<59136xf32, #tpu.memory_space<vmem>>, vector<16xf32>,
        %get3A_151 = vector.shape_cast %get3A_150 : vector<16xf32> to vector<16xf32>
        %add3A_152 = arith.constant 64 : i32
        %add3A_153 = arith.addi %mul3A_132, %add3A_152 : i32
        %get3A_154 = arith.index_cast %add3A_153 : i32 to index
        %get3A_155 = tpu.vector_load %arg7[%get3A_154] {strides = array<i32>} : memref<59136xf32, #tpu.memory_space<vmem>>, vector<16xf32>,
        %get3A_156 = vector.shape_cast %get3A_155 : vector<16xf32> to vector<16xf32>
        %add3A_157 = arith.constant 80 : i32
        %add3A_158 = arith.addi %mul3A_132, %add3A_157 : i32
        %get3A_159 = arith.index_cast %add3A_158 : i32 to index
        %get3A_160 = tpu.vector_load %arg7[%get3A_159] {strides = array<i32>} : memref<59136xf32, #tpu.memory_space<vmem>>, vector<16xf32>,
        %get3A_161 = vector.shape_cast %get3A_160 : vector<16xf32> to vector<16xf32>
        %add3A_162 = arith.constant 96 : i32
        %add3A_163 = arith.addi %mul3A_132, %add3A_162 : i32
        %get3A_164 = arith.index_cast %add3A_163 : i32 to index
        %get3A_165 = tpu.vector_load %arg7[%get3A_164] {strides = array<i32>} : memref<59136xf32, #tpu.memory_space<vmem>>, vector<16xf32>,
        %get3A_166 = vector.shape_cast %get3A_165 : vector<16xf32> to vector<16xf32>
        %add3A_167 = arith.constant 112 : i32
        %add3A_168 = arith.addi %mul3A_132, %add3A_167 : i32
        %get3A_169 = arith.index_cast %add3A_168 : i32 to index
        %get3A_170 = tpu.vector_load %arg7[%get3A_169] {strides = array<i32>} : memref<59136xf32, #tpu.memory_space<vmem>>, vector<16xf32>,
        %get3A_171 = vector.shape_cast %get3A_170 : vector<16xf32> to vector<16xf32>
        %add3A_172 = arith.constant 128 : i32
        %add3A_173 = arith.addi %mul3A_132, %add3A_172 : i32
        %get3A_174 = arith.index_cast %add3A_173 : i32 to index
        %get3A_175 = tpu.vector_load %arg7[%get3A_174] {strides = array<i32>} : memref<59136xf32, #tpu.memory_space<vmem>>, vector<16xf32>,
        %get3A_176 = vector.shape_cast %get3A_175 : vector<16xf32> to vector<16xf32>
        %add3A_177 = arith.constant 144 : i32
        %add3A_178 = arith.addi %mul3A_132, %add3A_177 : i32
        %get3A_179 = arith.index_cast %add3A_178 : i32 to index
        %get3A_180 = tpu.vector_load %arg7[%get3A_179] {strides = array<i32>} : memref<59136xf32, #tpu.memory_space<vmem>>, vector<16xf32>,
        %get3A_181 = vector.shape_cast %get3A_180 : vector<16xf32> to vector<16xf32>
        %add3A_182 = arith.constant 160 : i32
        %add3A_183 = arith.addi %mul3A_132, %add3A_182 : i32
        %get3A_184 = arith.index_cast %add3A_183 : i32 to index
        %get3A_185 = tpu.vector_load %arg7[%get3A_184] {strides = array<i32>} : memref<59136xf32, #tpu.memory_space<vmem>>, vector<16xf32>,
        %get3A_186 = vector.shape_cast %get3A_185 : vector<16xf32> to vector<16xf32>
        %add3A_187 = arith.constant 176 : i32
        %add3A_188 = arith.addi %mul3A_132, %add3A_187 : i32
        %get3A_189 = arith.index_cast %add3A_188 : i32 to index
        %get3A_190 = tpu.vector_load %arg7[%get3A_189] {strides = array<i32>} : memref<59136xf32, #tpu.memory_space<vmem>>, vector<16xf32>,
        %get3A_191 = vector.shape_cast %get3A_190 : vector<16xf32> to vector<16xf32>
        %add3A_192 = arith.constant 192 : i32
        %add3A_193 = arith.addi %mul3A_132, %add3A_192 : i32
        %get3A_194 = arith.index_cast %add3A_193 : i32 to index
        %get3A_195 = tpu.vector_load %arg7[%get3A_194] {strides = array<i32>} : memref<59136xf32, #tpu.memory_space<vmem>>, vector<16xf32>,
        %get3A_196 = vector.shape_cast %get3A_195 : vector<16xf32> to vector<16xf32>
        %add3A_197 = arith.constant 208 : i32
        %add3A_198 = arith.addi %mul3A_132, %add3A_197 : i32
        %get3A_199 = arith.index_cast %add3A_198 : i32 to index
        %get3A_200 = tpu.vector_load %arg7[%get3A_199] {strides = array<i32>} : memref<59136xf32, #tpu.memory_space<vmem>>, vector<16xf32>,
        %get3A_201 = vector.shape_cast %get3A_200 : vector<16xf32> to vector<16xf32>
        %add3A_202 = arith.constant 224 : i32
        %add3A_203 = arith.addi %mul3A_132, %add3A_202 : i32
        %get3A_204 = arith.index_cast %add3A_203 : i32 to index
        %get3A_205 = tpu.vector_load %arg7[%get3A_204] {strides = array<i32>} : memref<59136xf32, #tpu.memory_space<vmem>>, vector<16xf32>,
        %get3A_206 = vector.shape_cast %get3A_205 : vector<16xf32> to vector<16xf32>
        %add3A_207 = arith.constant 240 : i32
        %add3A_208 = arith.addi %mul3A_132, %add3A_207 : i32
        %get3A_209 = arith.index_cast %add3A_208 : i32 to index
        %get3A_210 = tpu.vector_load %arg7[%get3A_209] {strides = array<i32>} : memref<59136xf32, #tpu.memory_space<vmem>>, vector<16xf32>,
        %get3A_211 = vector.shape_cast %get3A_210 : vector<16xf32> to vector<16xf32>
        %swap3A = arith.index_cast %scan3A_128 : i32 to index
        %swap3A_212 = arith.constant 0 : index
        %swap3A_213 = tpu.vector_load %arg9[%swap3A, %swap3A_212] {strides = array<i32>} : memref<32x768xf32, #tpu.memory_space<vmem>>, vector<1x16xf32>,
        %swap3A_214 = vector.shape_cast %swap3A_213 : vector<1x16xf32> to vector<16xf32>
        %swap3A_215 = vector.shape_cast %get3A_136 : vector<16xf32> to vector<1x16xf32>
        tpu.vector_store %arg9[%swap3A, %swap3A_212], %swap3A_215 {add = true, strides = array<i32>} : memref<32x768xf32, #tpu.memory_space<vmem>>, vector<1x16xf32>,
        %swap3A_216 = arith.index_cast %scan3A_128 : i32 to index
        %swap3A_217 = arith.constant 16 : index
        %swap3A_218 = tpu.vector_load %arg9[%swap3A_216, %swap3A_217] {strides = array<i32>} : memref<32x768xf32, #tpu.memory_space<vmem>>, vector<1x16xf32>,
        %swap3A_219 = vector.shape_cast %swap3A_218 : vector<1x16xf32> to vector<16xf32>
        %swap3A_220 = vector.shape_cast %get3A_141 : vector<16xf32> to vector<1x16xf32>
        tpu.vector_store %arg9[%swap3A_216, %swap3A_217], %swap3A_220 {add = true, strides = array<i32>} : memref<32x768xf32, #tpu.memory_space<vmem>>, vector<1x16xf32>,
        %swap3A_221 = arith.index_cast %scan3A_128 : i32 to index
        %swap3A_222 = arith.constant 32 : index
        %swap3A_223 = tpu.vector_load %arg9[%swap3A_221, %swap3A_222] {strides = array<i32>} : memref<32x768xf32, #tpu.memory_space<vmem>>, vector<1x16xf32>,
        %swap3A_224 = vector.shape_cast %swap3A_223 : vector<1x16xf32> to vector<16xf32>
        %swap3A_225 = vector.shape_cast %get3A_146 : vector<16xf32> to vector<1x16xf32>
        tpu.vector_store %arg9[%swap3A_221, %swap3A_222], %swap3A_225 {add = true, strides = array<i32>} : memref<32x768xf32, #tpu.memory_space<vmem>>, vector<1x16xf32>,
        %swap3A_226 = arith.index_cast %scan3A_128 : i32 to index
        %swap3A_227 = arith.constant 48 : index
        %swap3A_228 = tpu.vector_load %arg9[%swap3A_226, %swap3A_227] {strides = array<i32>} : memref<32x768xf32, #tpu.memory_space<vmem>>, vector<1x16xf32>,
        %swap3A_229 = vector.shape_cast %swap3A_228 : vector<1x16xf32> to vector<16xf32>
        %swap3A_230 = vector.shape_cast %get3A_151 : vector<16xf32> to vector<1x16xf32>
        tpu.vector_store %arg9[%swap3A_226, %swap3A_227], %swap3A_230 {add = true, strides = array<i32>} : memref<32x768xf32, #tpu.memory_space<vmem>>, vector<1x16xf32>,
        %swap3A_231 = arith.index_cast %scan3A_128 : i32 to index
        %swap3A_232 = arith.constant 64 : index
        %swap3A_233 = tpu.vector_load %arg9[%swap3A_231, %swap3A_232] {strides = array<i32>} : memref<32x768xf32, #tpu.memory_space<vmem>>, vector<1x16xf32>,
        %swap3A_234 = vector.shape_cast %swap3A_233 : vector<1x16xf32> to vector<16xf32>
        %swap3A_235 = vector.shape_cast %get3A_156 : vector<16xf32> to vector<1x16xf32>
        tpu.vector_store %arg9[%swap3A_231, %swap3A_232], %swap3A_235 {add = true, strides = array<i32>} : memref<32x768xf32, #tpu.memory_space<vmem>>, vector<1x16xf32>,
        %swap3A_236 = arith.index_cast %scan3A_128 : i32 to index
        %swap3A_237 = arith.constant 80 : index
        %swap3A_238 = tpu.vector_load %arg9[%swap3A_236, %swap3A_237] {strides = array<i32>} : memref<32x768xf32, #tpu.memory_space<vmem>>, vector<1x16xf32>,
        %swap3A_239 = vector.shape_cast %swap3A_238 : vector<1x16xf32> to vector<16xf32>
        %swap3A_240 = vector.shape_cast %get3A_161 : vector<16xf32> to vector<1x16xf32>
        tpu.vector_store %arg9[%swap3A_236, %swap3A_237], %swap3A_240 {add = true, strides = array<i32>} : memref<32x768xf32, #tpu.memory_space<vmem>>, vector<1x16xf32>,
        %swap3A_241 = arith.index_cast %scan3A_128 : i32 to index
        %swap3A_242 = arith.constant 96 : index
        %swap3A_243 = tpu.vector_load %arg9[%swap3A_241, %swap3A_242] {strides = array<i32>} : memref<32x768xf32, #tpu.memory_space<vmem>>, vector<1x16xf32>,
        %swap3A_244 = vector.shape_cast %swap3A_243 : vector<1x16xf32> to vector<16xf32>
        %swap3A_245 = vector.shape_cast %get3A_166 : vector<16xf32> to vector<1x16xf32>
        tpu.vector_store %arg9[%swap3A_241, %swap3A_242], %swap3A_245 {add = true, strides = array<i32>} : memref<32x768xf32, #tpu.memory_space<vmem>>, vector<1x16xf32>,
        %swap3A_246 = arith.index_cast %scan3A_128 : i32 to index
        %swap3A_247 = arith.constant 112 : index
        %swap3A_248 = tpu.vector_load %arg9[%swap3A_246, %swap3A_247] {strides = array<i32>} : memref<32x768xf32, #tpu.memory_space<vmem>>, vector<1x16xf32>,
        %swap3A_249 = vector.shape_cast %swap3A_248 : vector<1x16xf32> to vector<16xf32>
        %swap3A_250 = vector.shape_cast %get3A_171 : vector<16xf32> to vector<1x16xf32>
        tpu.vector_store %arg9[%swap3A_246, %swap3A_247], %swap3A_250 {add = true, strides = array<i32>} : memref<32x768xf32, #tpu.memory_space<vmem>>, vector<1x16xf32>,
        %swap3A_251 = arith.index_cast %scan3A_128 : i32 to index
        %swap3A_252 = arith.constant 128 : index
        %swap3A_253 = tpu.vector_load %arg9[%swap3A_251, %swap3A_252] {strides = array<i32>} : memref<32x768xf32, #tpu.memory_space<vmem>>, vector<1x16xf32>,
        %swap3A_254 = vector.shape_cast %swap3A_253 : vector<1x16xf32> to vector<16xf32>
        %swap3A_255 = vector.shape_cast %get3A_176 : vector<16xf32> to vector<1x16xf32>
        tpu.vector_store %arg9[%swap3A_251, %swap3A_252], %swap3A_255 {add = true, strides = array<i32>} : memref<32x768xf32, #tpu.memory_space<vmem>>, vector<1x16xf32>,
        %swap3A_256 = arith.index_cast %scan3A_128 : i32 to index
        %swap3A_257 = arith.constant 144 : index
        %swap3A_258 = tpu.vector_load %arg9[%swap3A_256, %swap3A_257] {strides = array<i32>} : memref<32x768xf32, #tpu.memory_space<vmem>>, vector<1x16xf32>,
        %swap3A_259 = vector.shape_cast %swap3A_258 : vector<1x16xf32> to vector<16xf32>
        %swap3A_260 = vector.shape_cast %get3A_181 : vector<16xf32> to vector<1x16xf32>
        tpu.vector_store %arg9[%swap3A_256, %swap3A_257], %swap3A_260 {add = true, strides = array<i32>} : memref<32x768xf32, #tpu.memory_space<vmem>>, vector<1x16xf32>,
        %swap3A_261 = arith.index_cast %scan3A_128 : i32 to index
        %swap3A_262 = arith.constant 160 : index
        %swap3A_263 = tpu.vector_load %arg9[%swap3A_261, %swap3A_262] {strides = array<i32>} : memref<32x768xf32, #tpu.memory_space<vmem>>, vector<1x16xf32>,
        %swap3A_264 = vector.shape_cast %swap3A_263 : vector<1x16xf32> to vector<16xf32>
        %swap3A_265 = vector.shape_cast %get3A_186 : vector<16xf32> to vector<1x16xf32>
        tpu.vector_store %arg9[%swap3A_261, %swap3A_262], %swap3A_265 {add = true, strides = array<i32>} : memref<32x768xf32, #tpu.memory_space<vmem>>, vector<1x16xf32>,
        %swap3A_266 = arith.index_cast %scan3A_128 : i32 to index
        %swap3A_267 = arith.constant 176 : index
        %swap3A_268 = tpu.vector_load %arg9[%swap3A_266, %swap3A_267] {strides = array<i32>} : memref<32x768xf32, #tpu.memory_space<vmem>>, vector<1x16xf32>,
        %swap3A_269 = vector.shape_cast %swap3A_268 : vector<1x16xf32> to vector<16xf32>
        %swap3A_270 = vector.shape_cast %get3A_191 : vector<16xf32> to vector<1x16xf32>
        tpu.vector_store %arg9[%swap3A_266, %swap3A_267], %swap3A_270 {add = true, strides = array<i32>} : memref<32x768xf32, #tpu.memory_space<vmem>>, vector<1x16xf32>,
        %swap3A_271 = arith.index_cast %scan3A_128 : i32 to index
        %swap3A_272 = arith.constant 192 : index
        %swap3A_273 = tpu.vector_load %arg9[%swap3A_271, %swap3A_272] {strides = array<i32>} : memref<32x768xf32, #tpu.memory_space<vmem>>, vector<1x16xf32>,
        %swap3A_274 = vector.shape_cast %swap3A_273 : vector<1x16xf32> to vector<16xf32>
        %swap3A_275 = vector.shape_cast %get3A_196 : vector<16xf32> to vector<1x16xf32>
        tpu.vector_store %arg9[%swap3A_271, %swap3A_272], %swap3A_275 {add = true, strides = array<i32>} : memref<32x768xf32, #tpu.memory_space<vmem>>, vector<1x16xf32>,
        %swap3A_276 = arith.index_cast %scan3A_128 : i32 to index
        %swap3A_277 = arith.constant 208 : index
        %swap3A_278 = tpu.vector_load %arg9[%swap3A_276, %swap3A_277] {strides = array<i32>} : memref<32x768xf32, #tpu.memory_space<vmem>>, vector<1x16xf32>,
        %swap3A_279 = vector.shape_cast %swap3A_278 : vector<1x16xf32> to vector<16xf32>
        %swap3A_280 = vector.shape_cast %get3A_201 : vector<16xf32> to vector<1x16xf32>
        tpu.vector_store %arg9[%swap3A_276, %swap3A_277], %swap3A_280 {add = true, strides = array<i32>} : memref<32x768xf32, #tpu.memory_space<vmem>>, vector<1x16xf32>,
        %swap3A_281 = arith.index_cast %scan3A_128 : i32 to index
        %swap3A_282 = arith.constant 224 : index
        %swap3A_283 = tpu.vector_load %arg9[%swap3A_281, %swap3A_282] {strides = array<i32>} : memref<32x768xf32, #tpu.memory_space<vmem>>, vector<1x16xf32>,
        %swap3A_284 = vector.shape_cast %swap3A_283 : vector<1x16xf32> to vector<16xf32>
        %swap3A_285 = vector.shape_cast %get3A_206 : vector<16xf32> to vector<1x16xf32>
        tpu.vector_store %arg9[%swap3A_281, %swap3A_282], %swap3A_285 {add = true, strides = array<i32>} : memref<32x768xf32, #tpu.memory_space<vmem>>, vector<1x16xf32>,
        %swap3A_286 = arith.index_cast %scan3A_128 : i32 to index
        %swap3A_287 = arith.constant 240 : index
        %swap3A_288 = tpu.vector_load %arg9[%swap3A_286, %swap3A_287] {strides = array<i32>} : memref<32x768xf32, #tpu.memory_space<vmem>>, vector<1x16xf32>,
        %swap3A_289 = vector.shape_cast %swap3A_288 : vector<1x16xf32> to vector<16xf32>
        %swap3A_290 = vector.shape_cast %get3A_211 : vector<16xf32> to vector<1x16xf32>
        tpu.vector_store %arg9[%swap3A_286, %swap3A_287], %swap3A_290 {add = true, strides = array<i32>} : memref<32x768xf32, #tpu.memory_space<vmem>>, vector<1x16xf32>,
        %add3A_291 = arith.constant 256 : i32
        %add3A_292 = arith.addi %mul3A_132, %add3A_291 : i32
        %get3A_293 = arith.index_cast %add3A_292 : i32 to index
        %get3A_294 = tpu.vector_load %arg7[%get3A_293] {strides = array<i32>} : memref<59136xf32, #tpu.memory_space<vmem>>, vector<16xf32>,
        %get3A_295 = vector.shape_cast %get3A_294 : vector<16xf32> to vector<16xf32>
        %add3A_296 = arith.constant 272 : i32
        %add3A_297 = arith.addi %mul3A_132, %add3A_296 : i32
        %get3A_298 = arith.index_cast %add3A_297 : i32 to index
        %get3A_299 = tpu.vector_load %arg7[%get3A_298] {strides = array<i32>} : memref<59136xf32, #tpu.memory_space<vmem>>, vector<16xf32>,
        %get3A_300 = vector.shape_cast %get3A_299 : vector<16xf32> to vector<16xf32>
        %add3A_301 = arith.constant 288 : i32
        %add3A_302 = arith.addi %mul3A_132, %add3A_301 : i32
        %get3A_303 = arith.index_cast %add3A_302 : i32 to index
        %get3A_304 = tpu.vector_load %arg7[%get3A_303] {strides = array<i32>} : memref<59136xf32, #tpu.memory_space<vmem>>, vector<16xf32>,
        %get3A_305 = vector.shape_cast %get3A_304 : vector<16xf32> to vector<16xf32>
        %add3A_306 = arith.constant 304 : i32
        %add3A_307 = arith.addi %mul3A_132, %add3A_306 : i32
        %get3A_308 = arith.index_cast %add3A_307 : i32 to index
        %get3A_309 = tpu.vector_load %arg7[%get3A_308] {strides = array<i32>} : memref<59136xf32, #tpu.memory_space<vmem>>, vector<16xf32>,
        %get3A_310 = vector.shape_cast %get3A_309 : vector<16xf32> to vector<16xf32>
        %add3A_311 = arith.constant 320 : i32
        %add3A_312 = arith.addi %mul3A_132, %add3A_311 : i32
        %get3A_313 = arith.index_cast %add3A_312 : i32 to index
        %get3A_314 = tpu.vector_load %arg7[%get3A_313] {strides = array<i32>} : memref<59136xf32, #tpu.memory_space<vmem>>, vector<16xf32>,
        %get3A_315 = vector.shape_cast %get3A_314 : vector<16xf32> to vector<16xf32>
        %add3A_316 = arith.constant 336 : i32
        %add3A_317 = arith.addi %mul3A_132, %add3A_316 : i32
        %get3A_318 = arith.index_cast %add3A_317 : i32 to index
        %get3A_319 = tpu.vector_load %arg7[%get3A_318] {strides = array<i32>} : memref<59136xf32, #tpu.memory_space<vmem>>, vector<16xf32>,
        %get3A_320 = vector.shape_cast %get3A_319 : vector<16xf32> to vector<16xf32>
        %add3A_321 = arith.constant 352 : i32
        %add3A_322 = arith.addi %mul3A_132, %add3A_321 : i32
        %get3A_323 = arith.index_cast %add3A_322 : i32 to index
        %get3A_324 = tpu.vector_load %arg7[%get3A_323] {strides = array<i32>} : memref<59136xf32, #tpu.memory_space<vmem>>, vector<16xf32>,
        %get3A_325 = vector.shape_cast %get3A_324 : vector<16xf32> to vector<16xf32>
        %add3A_326 = arith.constant 368 : i32
        %add3A_327 = arith.addi %mul3A_132, %add3A_326 : i32
        %get3A_328 = arith.index_cast %add3A_327 : i32 to index
        %get3A_329 = tpu.vector_load %arg7[%get3A_328] {strides = array<i32>} : memref<59136xf32, #tpu.memory_space<vmem>>, vector<16xf32>,
        %get3A_330 = vector.shape_cast %get3A_329 : vector<16xf32> to vector<16xf32>
        %add3A_331 = arith.constant 384 : i32
        %add3A_332 = arith.addi %mul3A_132, %add3A_331 : i32
        %get3A_333 = arith.index_cast %add3A_332 : i32 to index
        %get3A_334 = tpu.vector_load %arg7[%get3A_333] {strides = array<i32>} : memref<59136xf32, #tpu.memory_space<vmem>>, vector<16xf32>,
        %get3A_335 = vector.shape_cast %get3A_334 : vector<16xf32> to vector<16xf32>
        %add3A_336 = arith.constant 400 : i32
        %add3A_337 = arith.addi %mul3A_132, %add3A_336 : i32
        %get3A_338 = arith.index_cast %add3A_337 : i32 to index
        %get3A_339 = tpu.vector_load %arg7[%get3A_338] {strides = array<i32>} : memref<59136xf32, #tpu.memory_space<vmem>>, vector<16xf32>,
        %get3A_340 = vector.shape_cast %get3A_339 : vector<16xf32> to vector<16xf32>
        %add3A_341 = arith.constant 416 : i32
        %add3A_342 = arith.addi %mul3A_132, %add3A_341 : i32
        %get3A_343 = arith.index_cast %add3A_342 : i32 to index
        %get3A_344 = tpu.vector_load %arg7[%get3A_343] {strides = array<i32>} : memref<59136xf32, #tpu.memory_space<vmem>>, vector<16xf32>,
        %get3A_345 = vector.shape_cast %get3A_344 : vector<16xf32> to vector<16xf32>
        %add3A_346 = arith.constant 432 : i32
        %add3A_347 = arith.addi %mul3A_132, %add3A_346 : i32
        %get3A_348 = arith.index_cast %add3A_347 : i32 to index
        %get3A_349 = tpu.vector_load %arg7[%get3A_348] {strides = array<i32>} : memref<59136xf32, #tpu.memory_space<vmem>>, vector<16xf32>,
        %get3A_350 = vector.shape_cast %get3A_349 : vector<16xf32> to vector<16xf32>
        %add3A_351 = arith.constant 448 : i32
        %add3A_352 = arith.addi %mul3A_132, %add3A_351 : i32
        %get3A_353 = arith.index_cast %add3A_352 : i32 to index
        %get3A_354 = tpu.vector_load %arg7[%get3A_353] {strides = array<i32>} : memref<59136xf32, #tpu.memory_space<vmem>>, vector<16xf32>,
        %get3A_355 = vector.shape_cast %get3A_354 : vector<16xf32> to vector<16xf32>
        %add3A_356 = arith.constant 464 : i32
        %add3A_357 = arith.addi %mul3A_132, %add3A_356 : i32
        %get3A_358 = arith.index_cast %add3A_357 : i32 to index
        %get3A_359 = tpu.vector_load %arg7[%get3A_358] {strides = array<i32>} : memref<59136xf32, #tpu.memory_space<vmem>>, vector<16xf32>,
        %get3A_360 = vector.shape_cast %get3A_359 : vector<16xf32> to vector<16xf32>
        %add3A_361 = arith.constant 480 : i32
        %add3A_362 = arith.addi %mul3A_132, %add3A_361 : i32
        %get3A_363 = arith.index_cast %add3A_362 : i32 to index
        %get3A_364 = tpu.vector_load %arg7[%get3A_363] {strides = array<i32>} : memref<59136xf32, #tpu.memory_space<vmem>>, vector<16xf32>,
        %get3A_365 = vector.shape_cast %get3A_364 : vector<16xf32> to vector<16xf32>
        %add3A_366 = arith.constant 496 : i32
        %add3A_367 = arith.addi %mul3A_132, %add3A_366 : i32
        %get3A_368 = arith.index_cast %add3A_367 : i32 to index
        %get3A_369 = tpu.vector_load %arg7[%get3A_368] {strides = array<i32>} : memref<59136xf32, #tpu.memory_space<vmem>>, vector<16xf32>,
        %get3A_370 = vector.shape_cast %get3A_369 : vector<16xf32> to vector<16xf32>
        %swap3A_371 = arith.index_cast %scan3A_128 : i32 to index
        %swap3A_372 = arith.constant 256 : index
        %swap3A_373 = tpu.vector_load %arg9[%swap3A_371, %swap3A_372] {strides = array<i32>} : memref<32x768xf32, #tpu.memory_space<vmem>>, vector<1x16xf32>,
        %swap3A_374 = vector.shape_cast %swap3A_373 : vector<1x16xf32> to vector<16xf32>
        %swap3A_375 = vector.shape_cast %get3A_295 : vector<16xf32> to vector<1x16xf32>
        tpu.vector_store %arg9[%swap3A_371, %swap3A_372], %swap3A_375 {add = true, strides = array<i32>} : memref<32x768xf32, #tpu.memory_space<vmem>>, vector<1x16xf32>,
        %swap3A_376 = arith.index_cast %scan3A_128 : i32 to index
        %swap3A_377 = arith.constant 272 : index
        %swap3A_378 = tpu.vector_load %arg9[%swap3A_376, %swap3A_377] {strides = array<i32>} : memref<32x768xf32, #tpu.memory_space<vmem>>, vector<1x16xf32>,
        %swap3A_379 = vector.shape_cast %swap3A_378 : vector<1x16xf32> to vector<16xf32>
        %swap3A_380 = vector.shape_cast %get3A_300 : vector<16xf32> to vector<1x16xf32>
        tpu.vector_store %arg9[%swap3A_376, %swap3A_377], %swap3A_380 {add = true, strides = array<i32>} : memref<32x768xf32, #tpu.memory_space<vmem>>, vector<1x16xf32>,
        %swap3A_381 = arith.index_cast %scan3A_128 : i32 to index
        %swap3A_382 = arith.constant 288 : index
        %swap3A_383 = tpu.vector_load %arg9[%swap3A_381, %swap3A_382] {strides = array<i32>} : memref<32x768xf32, #tpu.memory_space<vmem>>, vector<1x16xf32>,
        %swap3A_384 = vector.shape_cast %swap3A_383 : vector<1x16xf32> to vector<16xf32>
        %swap3A_385 = vector.shape_cast %get3A_305 : vector<16xf32> to vector<1x16xf32>
        tpu.vector_store %arg9[%swap3A_381, %swap3A_382], %swap3A_385 {add = true, strides = array<i32>} : memref<32x768xf32, #tpu.memory_space<vmem>>, vector<1x16xf32>,
        %swap3A_386 = arith.index_cast %scan3A_128 : i32 to index
        %swap3A_387 = arith.constant 304 : index
        %swap3A_388 = tpu.vector_load %arg9[%swap3A_386, %swap3A_387] {strides = array<i32>} : memref<32x768xf32, #tpu.memory_space<vmem>>, vector<1x16xf32>,
        %swap3A_389 = vector.shape_cast %swap3A_388 : vector<1x16xf32> to vector<16xf32>
        %swap3A_390 = vector.shape_cast %get3A_310 : vector<16xf32> to vector<1x16xf32>
        tpu.vector_store %arg9[%swap3A_386, %swap3A_387], %swap3A_390 {add = true, strides = array<i32>} : memref<32x768xf32, #tpu.memory_space<vmem>>, vector<1x16xf32>,
        %swap3A_391 = arith.index_cast %scan3A_128 : i32 to index
        %swap3A_392 = arith.constant 320 : index
        %swap3A_393 = tpu.vector_load %arg9[%swap3A_391, %swap3A_392] {strides = array<i32>} : memref<32x768xf32, #tpu.memory_space<vmem>>, vector<1x16xf32>,
        %swap3A_394 = vector.shape_cast %swap3A_393 : vector<1x16xf32> to vector<16xf32>
        %swap3A_395 = vector.shape_cast %get3A_315 : vector<16xf32> to vector<1x16xf32>
        tpu.vector_store %arg9[%swap3A_391, %swap3A_392], %swap3A_395 {add = true, strides = array<i32>} : memref<32x768xf32, #tpu.memory_space<vmem>>, vector<1x16xf32>,
        %swap3A_396 = arith.index_cast %scan3A_128 : i32 to index
        %swap3A_397 = arith.constant 336 : index
        %swap3A_398 = tpu.vector_load %arg9[%swap3A_396, %swap3A_397] {strides = array<i32>} : memref<32x768xf32, #tpu.memory_space<vmem>>, vector<1x16xf32>,
        %swap3A_399 = vector.shape_cast %swap3A_398 : vector<1x16xf32> to vector<16xf32>
        %swap3A_400 = vector.shape_cast %get3A_320 : vector<16xf32> to vector<1x16xf32>
        tpu.vector_store %arg9[%swap3A_396, %swap3A_397], %swap3A_400 {add = true, strides = array<i32>} : memref<32x768xf32, #tpu.memory_space<vmem>>, vector<1x16xf32>,
        %swap3A_401 = arith.index_cast %scan3A_128 : i32 to index
        %swap3A_402 = arith.constant 352 : index
        %swap3A_403 = tpu.vector_load %arg9[%swap3A_401, %swap3A_402] {strides = array<i32>} : memref<32x768xf32, #tpu.memory_space<vmem>>, vector<1x16xf32>,
        %swap3A_404 = vector.shape_cast %swap3A_403 : vector<1x16xf32> to vector<16xf32>
        %swap3A_405 = vector.shape_cast %get3A_325 : vector<16xf32> to vector<1x16xf32>
        tpu.vector_store %arg9[%swap3A_401, %swap3A_402], %swap3A_405 {add = true, strides = array<i32>} : memref<32x768xf32, #tpu.memory_space<vmem>>, vector<1x16xf32>,
        %swap3A_406 = arith.index_cast %scan3A_128 : i32 to index
        %swap3A_407 = arith.constant 368 : index
        %swap3A_408 = tpu.vector_load %arg9[%swap3A_406, %swap3A_407] {strides = array<i32>} : memref<32x768xf32, #tpu.memory_space<vmem>>, vector<1x16xf32>,
        %swap3A_409 = vector.shape_cast %swap3A_408 : vector<1x16xf32> to vector<16xf32>
        %swap3A_410 = vector.shape_cast %get3A_330 : vector<16xf32> to vector<1x16xf32>
        tpu.vector_store %arg9[%swap3A_406, %swap3A_407], %swap3A_410 {add = true, strides = array<i32>} : memref<32x768xf32, #tpu.memory_space<vmem>>, vector<1x16xf32>,
        %swap3A_411 = arith.index_cast %scan3A_128 : i32 to index
        %swap3A_412 = arith.constant 384 : index
        %swap3A_413 = tpu.vector_load %arg9[%swap3A_411, %swap3A_412] {strides = array<i32>} : memref<32x768xf32, #tpu.memory_space<vmem>>, vector<1x16xf32>,
        %swap3A_414 = vector.shape_cast %swap3A_413 : vector<1x16xf32> to vector<16xf32>
        %swap3A_415 = vector.shape_cast %get3A_335 : vector<16xf32> to vector<1x16xf32>
        tpu.vector_store %arg9[%swap3A_411, %swap3A_412], %swap3A_415 {add = true, strides = array<i32>} : memref<32x768xf32, #tpu.memory_space<vmem>>, vector<1x16xf32>,
        %swap3A_416 = arith.index_cast %scan3A_128 : i32 to index
        %swap3A_417 = arith.constant 400 : index
        %swap3A_418 = tpu.vector_load %arg9[%swap3A_416, %swap3A_417] {strides = array<i32>} : memref<32x768xf32, #tpu.memory_space<vmem>>, vector<1x16xf32>,
        %swap3A_419 = vector.shape_cast %swap3A_418 : vector<1x16xf32> to vector<16xf32>
        %swap3A_420 = vector.shape_cast %get3A_340 : vector<16xf32> to vector<1x16xf32>
        tpu.vector_store %arg9[%swap3A_416, %swap3A_417], %swap3A_420 {add = true, strides = array<i32>} : memref<32x768xf32, #tpu.memory_space<vmem>>, vector<1x16xf32>,
        %swap3A_421 = arith.index_cast %scan3A_128 : i32 to index
        %swap3A_422 = arith.constant 416 : index
        %swap3A_423 = tpu.vector_load %arg9[%swap3A_421, %swap3A_422] {strides = array<i32>} : memref<32x768xf32, #tpu.memory_space<vmem>>, vector<1x16xf32>,
        %swap3A_424 = vector.shape_cast %swap3A_423 : vector<1x16xf32> to vector<16xf32>
        %swap3A_425 = vector.shape_cast %get3A_345 : vector<16xf32> to vector<1x16xf32>
        tpu.vector_store %arg9[%swap3A_421, %swap3A_422], %swap3A_425 {add = true, strides = array<i32>} : memref<32x768xf32, #tpu.memory_space<vmem>>, vector<1x16xf32>,
        %swap3A_426 = arith.index_cast %scan3A_128 : i32 to index
        %swap3A_427 = arith.constant 432 : index
        %swap3A_428 = tpu.vector_load %arg9[%swap3A_426, %swap3A_427] {strides = array<i32>} : memref<32x768xf32, #tpu.memory_space<vmem>>, vector<1x16xf32>,
        %swap3A_429 = vector.shape_cast %swap3A_428 : vector<1x16xf32> to vector<16xf32>
        %swap3A_430 = vector.shape_cast %get3A_350 : vector<16xf32> to vector<1x16xf32>
        tpu.vector_store %arg9[%swap3A_426, %swap3A_427], %swap3A_430 {add = true, strides = array<i32>} : memref<32x768xf32, #tpu.memory_space<vmem>>, vector<1x16xf32>,
        %swap3A_431 = arith.index_cast %scan3A_128 : i32 to index
        %swap3A_432 = arith.constant 448 : index
        %swap3A_433 = tpu.vector_load %arg9[%swap3A_431, %swap3A_432] {strides = array<i32>} : memref<32x768xf32, #tpu.memory_space<vmem>>, vector<1x16xf32>,
        %swap3A_434 = vector.shape_cast %swap3A_433 : vector<1x16xf32> to vector<16xf32>
        %swap3A_435 = vector.shape_cast %get3A_355 : vector<16xf32> to vector<1x16xf32>
        tpu.vector_store %arg9[%swap3A_431, %swap3A_432], %swap3A_435 {add = true, strides = array<i32>} : memref<32x768xf32, #tpu.memory_space<vmem>>, vector<1x16xf32>,
        %swap3A_436 = arith.index_cast %scan3A_128 : i32 to index
        %swap3A_437 = arith.constant 464 : index
        %swap3A_438 = tpu.vector_load %arg9[%swap3A_436, %swap3A_437] {strides = array<i32>} : memref<32x768xf32, #tpu.memory_space<vmem>>, vector<1x16xf32>,
        %swap3A_439 = vector.shape_cast %swap3A_438 : vector<1x16xf32> to vector<16xf32>
        %swap3A_440 = vector.shape_cast %get3A_360 : vector<16xf32> to vector<1x16xf32>
        tpu.vector_store %arg9[%swap3A_436, %swap3A_437], %swap3A_440 {add = true, strides = array<i32>} : memref<32x768xf32, #tpu.memory_space<vmem>>, vector<1x16xf32>,
        %swap3A_441 = arith.index_cast %scan3A_128 : i32 to index
        %swap3A_442 = arith.constant 480 : index
        %swap3A_443 = tpu.vector_load %arg9[%swap3A_441, %swap3A_442] {strides = array<i32>} : memref<32x768xf32, #tpu.memory_space<vmem>>, vector<1x16xf32>,
        %swap3A_444 = vector.shape_cast %swap3A_443 : vector<1x16xf32> to vector<16xf32>
        %swap3A_445 = vector.shape_cast %get3A_365 : vector<16xf32> to vector<1x16xf32>
        tpu.vector_store %arg9[%swap3A_441, %swap3A_442], %swap3A_445 {add = true, strides = array<i32>} : memref<32x768xf32, #tpu.memory_space<vmem>>, vector<1x16xf32>,
        %swap3A_446 = arith.index_cast %scan3A_128 : i32 to index
        %swap3A_447 = arith.constant 496 : index
        %swap3A_448 = tpu.vector_load %arg9[%swap3A_446, %swap3A_447] {strides = array<i32>} : memref<32x768xf32, #tpu.memory_space<vmem>>, vector<1x16xf32>,
        %swap3A_449 = vector.shape_cast %swap3A_448 : vector<1x16xf32> to vector<16xf32>
        %swap3A_450 = vector.shape_cast %get3A_370 : vector<16xf32> to vector<1x16xf32>
        tpu.vector_store %arg9[%swap3A_446, %swap3A_447], %swap3A_450 {add = true, strides = array<i32>} : memref<32x768xf32, #tpu.memory_space<vmem>>, vector<1x16xf32>,
        %add3A_451 = arith.constant 512 : i32
        %add3A_452 = arith.addi %mul3A_132, %add3A_451 : i32
        %get3A_453 = arith.index_cast %add3A_452 : i32 to index
        %get3A_454 = tpu.vector_load %arg7[%get3A_453] {strides = array<i32>} : memref<59136xf32, #tpu.memory_space<vmem>>, vector<16xf32>,
        %get3A_455 = vector.shape_cast %get3A_454 : vector<16xf32> to vector<16xf32>
        %add3A_456 = arith.constant 528 : i32
        %add3A_457 = arith.addi %mul3A_132, %add3A_456 : i32
        %get3A_458 = arith.index_cast %add3A_457 : i32 to index
        %get3A_459 = tpu.vector_load %arg7[%get3A_458] {strides = array<i32>} : memref<59136xf32, #tpu.memory_space<vmem>>, vector<16xf32>,
        %get3A_460 = vector.shape_cast %get3A_459 : vector<16xf32> to vector<16xf32>
        %add3A_461 = arith.constant 544 : i32
        %add3A_462 = arith.addi %mul3A_132, %add3A_461 : i32
        %get3A_463 = arith.index_cast %add3A_462 : i32 to index
        %get3A_464 = tpu.vector_load %arg7[%get3A_463] {strides = array<i32>} : memref<59136xf32, #tpu.memory_space<vmem>>, vector<16xf32>,
        %get3A_465 = vector.shape_cast %get3A_464 : vector<16xf32> to vector<16xf32>
        %add3A_466 = arith.constant 560 : i32
        %add3A_467 = arith.addi %mul3A_132, %add3A_466 : i32
        %get3A_468 = arith.index_cast %add3A_467 : i32 to index
        %get3A_469 = tpu.vector_load %arg7[%get3A_468] {strides = array<i32>} : memref<59136xf32, #tpu.memory_space<vmem>>, vector<16xf32>,
        %get3A_470 = vector.shape_cast %get3A_469 : vector<16xf32> to vector<16xf32>
        %add3A_471 = arith.constant 576 : i32
        %add3A_472 = arith.addi %mul3A_132, %add3A_471 : i32
        %get3A_473 = arith.index_cast %add3A_472 : i32 to index
        %get3A_474 = tpu.vector_load %arg7[%get3A_473] {strides = array<i32>} : memref<59136xf32, #tpu.memory_space<vmem>>, vector<16xf32>,
        %get3A_475 = vector.shape_cast %get3A_474 : vector<16xf32> to vector<16xf32>
        %add3A_476 = arith.constant 592 : i32
        %add3A_477 = arith.addi %mul3A_132, %add3A_476 : i32
        %get3A_478 = arith.index_cast %add3A_477 : i32 to index
        %get3A_479 = tpu.vector_load %arg7[%get3A_478] {strides = array<i32>} : memref<59136xf32, #tpu.memory_space<vmem>>, vector<16xf32>,
        %get3A_480 = vector.shape_cast %get3A_479 : vector<16xf32> to vector<16xf32>
        %add3A_481 = arith.constant 608 : i32
        %add3A_482 = arith.addi %mul3A_132, %add3A_481 : i32
        %get3A_483 = arith.index_cast %add3A_482 : i32 to index
        %get3A_484 = tpu.vector_load %arg7[%get3A_483] {strides = array<i32>} : memref<59136xf32, #tpu.memory_space<vmem>>, vector<16xf32>,
        %get3A_485 = vector.shape_cast %get3A_484 : vector<16xf32> to vector<16xf32>
        %add3A_486 = arith.constant 624 : i32
        %add3A_487 = arith.addi %mul3A_132, %add3A_486 : i32
        %get3A_488 = arith.index_cast %add3A_487 : i32 to index
        %get3A_489 = tpu.vector_load %arg7[%get3A_488] {strides = array<i32>} : memref<59136xf32, #tpu.memory_space<vmem>>, vector<16xf32>,
        %get3A_490 = vector.shape_cast %get3A_489 : vector<16xf32> to vector<16xf32>
        %add3A_491 = arith.constant 640 : i32
        %add3A_492 = arith.addi %mul3A_132, %add3A_491 : i32
        %get3A_493 = arith.index_cast %add3A_492 : i32 to index
        %get3A_494 = tpu.vector_load %arg7[%get3A_493] {strides = array<i32>} : memref<59136xf32, #tpu.memory_space<vmem>>, vector<16xf32>,
        %get3A_495 = vector.shape_cast %get3A_494 : vector<16xf32> to vector<16xf32>
        %add3A_496 = arith.constant 656 : i32
        %add3A_497 = arith.addi %mul3A_132, %add3A_496 : i32
        %get3A_498 = arith.index_cast %add3A_497 : i32 to index
        %get3A_499 = tpu.vector_load %arg7[%get3A_498] {strides = array<i32>} : memref<59136xf32, #tpu.memory_space<vmem>>, vector<16xf32>,
        %get3A_500 = vector.shape_cast %get3A_499 : vector<16xf32> to vector<16xf32>
        %add3A_501 = arith.constant 672 : i32
        %add3A_502 = arith.addi %mul3A_132, %add3A_501 : i32
        %get3A_503 = arith.index_cast %add3A_502 : i32 to index
        %get3A_504 = tpu.vector_load %arg7[%get3A_503] {strides = array<i32>} : memref<59136xf32, #tpu.memory_space<vmem>>, vector<16xf32>,
        %get3A_505 = vector.shape_cast %get3A_504 : vector<16xf32> to vector<16xf32>
        %add3A_506 = arith.constant 688 : i32
        %add3A_507 = arith.addi %mul3A_132, %add3A_506 : i32
        %get3A_508 = arith.index_cast %add3A_507 : i32 to index
        %get3A_509 = tpu.vector_load %arg7[%get3A_508] {strides = array<i32>} : memref<59136xf32, #tpu.memory_space<vmem>>, vector<16xf32>,
        %get3A_510 = vector.shape_cast %get3A_509 : vector<16xf32> to vector<16xf32>
        %add3A_511 = arith.constant 704 : i32
        %add3A_512 = arith.addi %mul3A_132, %add3A_511 : i32
        %get3A_513 = arith.index_cast %add3A_512 : i32 to index
        %get3A_514 = tpu.vector_load %arg7[%get3A_513] {strides = array<i32>} : memref<59136xf32, #tpu.memory_space<vmem>>, vector<16xf32>,
        %get3A_515 = vector.shape_cast %get3A_514 : vector<16xf32> to vector<16xf32>
        %add3A_516 = arith.constant 720 : i32
        %add3A_517 = arith.addi %mul3A_132, %add3A_516 : i32
        %get3A_518 = arith.index_cast %add3A_517 : i32 to index
        %get3A_519 = tpu.vector_load %arg7[%get3A_518] {strides = array<i32>} : memref<59136xf32, #tpu.memory_space<vmem>>, vector<16xf32>,
        %get3A_520 = vector.shape_cast %get3A_519 : vector<16xf32> to vector<16xf32>
        %add3A_521 = arith.constant 736 : i32
        %add3A_522 = arith.addi %mul3A_132, %add3A_521 : i32
        %get3A_523 = arith.index_cast %add3A_522 : i32 to index
        %get3A_524 = tpu.vector_load %arg7[%get3A_523] {strides = array<i32>} : memref<59136xf32, #tpu.memory_space<vmem>>, vector<16xf32>,
        %get3A_525 = vector.shape_cast %get3A_524 : vector<16xf32> to vector<16xf32>
        %add3A_526 = arith.constant 752 : i32
        %add3A_527 = arith.addi %mul3A_132, %add3A_526 : i32
        %get3A_528 = arith.index_cast %add3A_527 : i32 to index
        %get3A_529 = tpu.vector_load %arg7[%get3A_528] {strides = array<i32>} : memref<59136xf32, #tpu.memory_space<vmem>>, vector<16xf32>,
        %get3A_530 = vector.shape_cast %get3A_529 : vector<16xf32> to vector<16xf32>
        %swap3A_531 = arith.index_cast %scan3A_128 : i32 to index
        %swap3A_532 = arith.constant 512 : index
        %swap3A_533 = tpu.vector_load %arg9[%swap3A_531, %swap3A_532] {strides = array<i32>} : memref<32x768xf32, #tpu.memory_space<vmem>>, vector<1x16xf32>,
        %swap3A_534 = vector.shape_cast %swap3A_533 : vector<1x16xf32> to vector<16xf32>
        %swap3A_535 = vector.shape_cast %get3A_455 : vector<16xf32> to vector<1x16xf32>
        tpu.vector_store %arg9[%swap3A_531, %swap3A_532], %swap3A_535 {add = true, strides = array<i32>} : memref<32x768xf32, #tpu.memory_space<vmem>>, vector<1x16xf32>,
        %swap3A_536 = arith.index_cast %scan3A_128 : i32 to index
        %swap3A_537 = arith.constant 528 : index
        %swap3A_538 = tpu.vector_load %arg9[%swap3A_536, %swap3A_537] {strides = array<i32>} : memref<32x768xf32, #tpu.memory_space<vmem>>, vector<1x16xf32>,
        %swap3A_539 = vector.shape_cast %swap3A_538 : vector<1x16xf32> to vector<16xf32>
        %swap3A_540 = vector.shape_cast %get3A_460 : vector<16xf32> to vector<1x16xf32>
        tpu.vector_store %arg9[%swap3A_536, %swap3A_537], %swap3A_540 {add = true, strides = array<i32>} : memref<32x768xf32, #tpu.memory_space<vmem>>, vector<1x16xf32>,
        %swap3A_541 = arith.index_cast %scan3A_128 : i32 to index
        %swap3A_542 = arith.constant 544 : index
        %swap3A_543 = tpu.vector_load %arg9[%swap3A_541, %swap3A_542] {strides = array<i32>} : memref<32x768xf32, #tpu.memory_space<vmem>>, vector<1x16xf32>,
        %swap3A_544 = vector.shape_cast %swap3A_543 : vector<1x16xf32> to vector<16xf32>
        %swap3A_545 = vector.shape_cast %get3A_465 : vector<16xf32> to vector<1x16xf32>
        tpu.vector_store %arg9[%swap3A_541, %swap3A_542], %swap3A_545 {add = true, strides = array<i32>} : memref<32x768xf32, #tpu.memory_space<vmem>>, vector<1x16xf32>,
        %swap3A_546 = arith.index_cast %scan3A_128 : i32 to index
        %swap3A_547 = arith.constant 560 : index
        %swap3A_548 = tpu.vector_load %arg9[%swap3A_546, %swap3A_547] {strides = array<i32>} : memref<32x768xf32, #tpu.memory_space<vmem>>, vector<1x16xf32>,
        %swap3A_549 = vector.shape_cast %swap3A_548 : vector<1x16xf32> to vector<16xf32>
        %swap3A_550 = vector.shape_cast %get3A_470 : vector<16xf32> to vector<1x16xf32>
        tpu.vector_store %arg9[%swap3A_546, %swap3A_547], %swap3A_550 {add = true, strides = array<i32>} : memref<32x768xf32, #tpu.memory_space<vmem>>, vector<1x16xf32>,
        %swap3A_551 = arith.index_cast %scan3A_128 : i32 to index
        %swap3A_552 = arith.constant 576 : index
        %swap3A_553 = tpu.vector_load %arg9[%swap3A_551, %swap3A_552] {strides = array<i32>} : memref<32x768xf32, #tpu.memory_space<vmem>>, vector<1x16xf32>,
        %swap3A_554 = vector.shape_cast %swap3A_553 : vector<1x16xf32> to vector<16xf32>
        %swap3A_555 = vector.shape_cast %get3A_475 : vector<16xf32> to vector<1x16xf32>
        tpu.vector_store %arg9[%swap3A_551, %swap3A_552], %swap3A_555 {add = true, strides = array<i32>} : memref<32x768xf32, #tpu.memory_space<vmem>>, vector<1x16xf32>,
        %swap3A_556 = arith.index_cast %scan3A_128 : i32 to index
        %swap3A_557 = arith.constant 592 : index
        %swap3A_558 = tpu.vector_load %arg9[%swap3A_556, %swap3A_557] {strides = array<i32>} : memref<32x768xf32, #tpu.memory_space<vmem>>, vector<1x16xf32>,
        %swap3A_559 = vector.shape_cast %swap3A_558 : vector<1x16xf32> to vector<16xf32>
        %swap3A_560 = vector.shape_cast %get3A_480 : vector<16xf32> to vector<1x16xf32>
        tpu.vector_store %arg9[%swap3A_556, %swap3A_557], %swap3A_560 {add = true, strides = array<i32>} : memref<32x768xf32, #tpu.memory_space<vmem>>, vector<1x16xf32>,
        %swap3A_561 = arith.index_cast %scan3A_128 : i32 to index
        %swap3A_562 = arith.constant 608 : index
        %swap3A_563 = tpu.vector_load %arg9[%swap3A_561, %swap3A_562] {strides = array<i32>} : memref<32x768xf32, #tpu.memory_space<vmem>>, vector<1x16xf32>,
        %swap3A_564 = vector.shape_cast %swap3A_563 : vector<1x16xf32> to vector<16xf32>
        %swap3A_565 = vector.shape_cast %get3A_485 : vector<16xf32> to vector<1x16xf32>
        tpu.vector_store %arg9[%swap3A_561, %swap3A_562], %swap3A_565 {add = true, strides = array<i32>} : memref<32x768xf32, #tpu.memory_space<vmem>>, vector<1x16xf32>,
        %swap3A_566 = arith.index_cast %scan3A_128 : i32 to index
        %swap3A_567 = arith.constant 624 : index
        %swap3A_568 = tpu.vector_load %arg9[%swap3A_566, %swap3A_567] {strides = array<i32>} : memref<32x768xf32, #tpu.memory_space<vmem>>, vector<1x16xf32>,
        %swap3A_569 = vector.shape_cast %swap3A_568 : vector<1x16xf32> to vector<16xf32>
        %swap3A_570 = vector.shape_cast %get3A_490 : vector<16xf32> to vector<1x16xf32>
        tpu.vector_store %arg9[%swap3A_566, %swap3A_567], %swap3A_570 {add = true, strides = array<i32>} : memref<32x768xf32, #tpu.memory_space<vmem>>, vector<1x16xf32>,
        %swap3A_571 = arith.index_cast %scan3A_128 : i32 to index
        %swap3A_572 = arith.constant 640 : index
        %swap3A_573 = tpu.vector_load %arg9[%swap3A_571, %swap3A_572] {strides = array<i32>} : memref<32x768xf32, #tpu.memory_space<vmem>>, vector<1x16xf32>,
        %swap3A_574 = vector.shape_cast %swap3A_573 : vector<1x16xf32> to vector<16xf32>
        %swap3A_575 = vector.shape_cast %get3A_495 : vector<16xf32> to vector<1x16xf32>
        tpu.vector_store %arg9[%swap3A_571, %swap3A_572], %swap3A_575 {add = true, strides = array<i32>} : memref<32x768xf32, #tpu.memory_space<vmem>>, vector<1x16xf32>,
        %swap3A_576 = arith.index_cast %scan3A_128 : i32 to index
        %swap3A_577 = arith.constant 656 : index
        %swap3A_578 = tpu.vector_load %arg9[%swap3A_576, %swap3A_577] {strides = array<i32>} : memref<32x768xf32, #tpu.memory_space<vmem>>, vector<1x16xf32>,
        %swap3A_579 = vector.shape_cast %swap3A_578 : vector<1x16xf32> to vector<16xf32>
        %swap3A_580 = vector.shape_cast %get3A_500 : vector<16xf32> to vector<1x16xf32>
        tpu.vector_store %arg9[%swap3A_576, %swap3A_577], %swap3A_580 {add = true, strides = array<i32>} : memref<32x768xf32, #tpu.memory_space<vmem>>, vector<1x16xf32>,
        %swap3A_581 = arith.index_cast %scan3A_128 : i32 to index
        %swap3A_582 = arith.constant 672 : index
        %swap3A_583 = tpu.vector_load %arg9[%swap3A_581, %swap3A_582] {strides = array<i32>} : memref<32x768xf32, #tpu.memory_space<vmem>>, vector<1x16xf32>,
        %swap3A_584 = vector.shape_cast %swap3A_583 : vector<1x16xf32> to vector<16xf32>
        %swap3A_585 = vector.shape_cast %get3A_505 : vector<16xf32> to vector<1x16xf32>
        tpu.vector_store %arg9[%swap3A_581, %swap3A_582], %swap3A_585 {add = true, strides = array<i32>} : memref<32x768xf32, #tpu.memory_space<vmem>>, vector<1x16xf32>,
        %swap3A_586 = arith.index_cast %scan3A_128 : i32 to index
        %swap3A_587 = arith.constant 688 : index
        %swap3A_588 = tpu.vector_load %arg9[%swap3A_586, %swap3A_587] {strides = array<i32>} : memref<32x768xf32, #tpu.memory_space<vmem>>, vector<1x16xf32>,
        %swap3A_589 = vector.shape_cast %swap3A_588 : vector<1x16xf32> to vector<16xf32>
        %swap3A_590 = vector.shape_cast %get3A_510 : vector<16xf32> to vector<1x16xf32>
        tpu.vector_store %arg9[%swap3A_586, %swap3A_587], %swap3A_590 {add = true, strides = array<i32>} : memref<32x768xf32, #tpu.memory_space<vmem>>, vector<1x16xf32>,
        %swap3A_591 = arith.index_cast %scan3A_128 : i32 to index
        %swap3A_592 = arith.constant 704 : index
        %swap3A_593 = tpu.vector_load %arg9[%swap3A_591, %swap3A_592] {strides = array<i32>} : memref<32x768xf32, #tpu.memory_space<vmem>>, vector<1x16xf32>,
        %swap3A_594 = vector.shape_cast %swap3A_593 : vector<1x16xf32> to vector<16xf32>
        %swap3A_595 = vector.shape_cast %get3A_515 : vector<16xf32> to vector<1x16xf32>
        tpu.vector_store %arg9[%swap3A_591, %swap3A_592], %swap3A_595 {add = true, strides = array<i32>} : memref<32x768xf32, #tpu.memory_space<vmem>>, vector<1x16xf32>,
        %swap3A_596 = arith.index_cast %scan3A_128 : i32 to index
        %swap3A_597 = arith.constant 720 : index
        %swap3A_598 = tpu.vector_load %arg9[%swap3A_596, %swap3A_597] {strides = array<i32>} : memref<32x768xf32, #tpu.memory_space<vmem>>, vector<1x16xf32>,
        %swap3A_599 = vector.shape_cast %swap3A_598 : vector<1x16xf32> to vector<16xf32>
        %swap3A_600 = vector.shape_cast %get3A_520 : vector<16xf32> to vector<1x16xf32>
        tpu.vector_store %arg9[%swap3A_596, %swap3A_597], %swap3A_600 {add = true, strides = array<i32>} : memref<32x768xf32, #tpu.memory_space<vmem>>, vector<1x16xf32>,
        %swap3A_601 = arith.index_cast %scan3A_128 : i32 to index
        %swap3A_602 = arith.constant 736 : index
        %swap3A_603 = tpu.vector_load %arg9[%swap3A_601, %swap3A_602] {strides = array<i32>} : memref<32x768xf32, #tpu.memory_space<vmem>>, vector<1x16xf32>,
        %swap3A_604 = vector.shape_cast %swap3A_603 : vector<1x16xf32> to vector<16xf32>
        %swap3A_605 = vector.shape_cast %get3A_525 : vector<16xf32> to vector<1x16xf32>
        tpu.vector_store %arg9[%swap3A_601, %swap3A_602], %swap3A_605 {add = true, strides = array<i32>} : memref<32x768xf32, #tpu.memory_space<vmem>>, vector<1x16xf32>,
        %swap3A_606 = arith.index_cast %scan3A_128 : i32 to index
        %swap3A_607 = arith.constant 752 : index
        %swap3A_608 = tpu.vector_load %arg9[%swap3A_606, %swap3A_607] {strides = array<i32>} : memref<32x768xf32, #tpu.memory_space<vmem>>, vector<1x16xf32>,
        %swap3A_609 = vector.shape_cast %swap3A_608 : vector<1x16xf32> to vector<16xf32>
        %swap3A_610 = vector.shape_cast %get3A_530 : vector<16xf32> to vector<1x16xf32>
        tpu.vector_store %arg9[%swap3A_606, %swap3A_607], %swap3A_610 {add = true, strides = array<i32>} : memref<32x768xf32, #tpu.memory_space<vmem>>, vector<1x16xf32>,
      }
      %scan3A_90 = arith.constant 32 : i32
      %dma_start3A_91 = arith.constant 32 : i32
      %dma_start3A_92 = arith.constant 0 : i32
      %dma_start3A_93 = tpu.memref_slice %arg5[%add3A_48, %dma_start3A_91, %dma_start3A_92] : memref<4096x80x768xf32, #tpu.memory_space<hbm>> -> memref<1x32x768xf32, #tpu.memory_space<hbm>>
      %dma_start3A_94 = tpu.memref_squeeze %dma_start3A_93 : memref<1x32x768xf32, #tpu.memory_space<hbm>> -> memref<32x768xf32, #tpu.memory_space<hbm>>
      %dma_start3A_95 = arith.constant 32 : i32
      %dma_start3A_96 = arith.constant 0 : i32
      %dma_start3A_97 = tpu.memref_slice %arg5[%add3A_48, %dma_start3A_95, %dma_start3A_96] : memref<4096x80x768xf32, #tpu.memory_space<hbm>> -> memref<1x32x768xf32, #tpu.memory_space<hbm>>
      %dma_start3A_98 = tpu.memref_squeeze %dma_start3A_97 : memref<1x32x768xf32, #tpu.memory_space<hbm>> -> memref<32x768xf32, #tpu.memory_space<hbm>>
      tpu.enqueue_dma source(%arg9 : memref<32x768xf32, #tpu.memory_space<vmem>>) target(%dma_start3A_98 : memref<32x768xf32, #tpu.memory_space<hbm>>) target_semaphore(%arg15 : memref<!tpu.dma_semaphore, #tpu.memory_space<semaphore_mem>>)
      %lt3A = arith.constant 127 : i32
      %lt3A_99 = arith.cmpi slt, %scan3A_45, %lt3A : i32
      %convert_element_type3A_100 = arith.extui %lt3A_99 : i1 to i32
      %cond3A_101 = arith.constant 0 : i32
      %cond3A_102 = arith.cmpi ne, %convert_element_type3A_100, %cond3A_101 : i32
      scf.if %cond3A_102 {
        %dma_wait3A_128 = arith.constant 0 : i32
        %dma_wait3A_129 = arith.constant 0 : i32
        %dma_wait3A_130 = arith.constant 0 : i32
        %dma_wait3A_131 = tpu.memref_slice %arg5[%dma_wait3A_128, %dma_wait3A_129, %dma_wait3A_130] : memref<4096x80x768xf32, #tpu.memory_space<hbm>> -> memref<1x32x768xf32, #tpu.memory_space<hbm>>
        %dma_wait3A_132 = tpu.memref_squeeze %dma_wait3A_131 : memref<1x32x768xf32, #tpu.memory_space<hbm>> -> memref<32x768xf32, #tpu.memory_space<hbm>>
        %dma_wait3A_133 = arith.constant 0 : i32
        %dma_wait3A_134 = arith.constant 0 : i32
        %dma_wait3A_135 = tpu.memref_slice %arg5[%dma_wait3A_128, %dma_wait3A_133, %dma_wait3A_134] : memref<4096x80x768xf32, #tpu.memory_space<hbm>> -> memref<1x32x768xf32, #tpu.memory_space<hbm>>
        %dma_wait3A_136 = tpu.memref_squeeze %dma_wait3A_135 : memref<1x32x768xf32, #tpu.memory_space<hbm>> -> memref<32x768xf32, #tpu.memory_space<hbm>>
        tpu.wait_dma2 semaphore(%arg14 : memref<!tpu.dma_semaphore, #tpu.memory_space<semaphore_mem>>) src(%arg8 : memref<32x768xf32, #tpu.memory_space<vmem>>) dst(%dma_wait3A_136 : memref<32x768xf32, #tpu.memory_space<hbm>>)
        %add3A_137 = arith.constant 1 : i32
        %add3A_138 = arith.addi %scan3A_45, %add3A_137 : i32
        %mul3A_139 = arith.constant 80 : i32
        %mul3A_140 = arith.muli %add3A_138, %mul3A_139 : i32
        %add3A_141 = arith.constant 0 : i32
        %add3A_142 = arith.addi %mul3A_140, %add3A_141 : i32
        %dma_start3A_143 = tpu.memref_slice %arg6[%add3A_142] : memref<10240xi32, #tpu.memory_space<vmem>> -> memref<32xi32, #tpu.memory_space<vmem>>
        %dma_start3A_144 = arith.constant 0 : i32
        %dma_start3A_145 = arith.constant 0 : i32
        %dma_start3A_146 = tpu.memref_slice %arg3[%dma_start3A_144, %dma_start3A_145] : memref<49408x768xf32, #tpu.memory_space<hbm>> -> memref<49408x768xf32, #tpu.memory_space<hbm>>
        tpu.enqueue_indirect_dma source(%dma_start3A_146 : memref<49408x768xf32, #tpu.memory_space<hbm>>) target(%arg8 : memref<32x768xf32, #tpu.memory_space<vmem>>) offsets(%dma_start3A_143 : memref<32xi32, #tpu.memory_space<vmem>>) semaphore(%arg11 : memref<!tpu.dma_semaphore, #tpu.memory_space<semaphore_mem>>)
      } else {
      }
      %dma_wait3A_103 = arith.constant 0 : i32
      %dma_wait3A_104 = arith.constant 0 : i32
      %dma_wait3A_105 = tpu.memref_slice %arg3[%dma_wait3A_103, %dma_wait3A_104] : memref<49408x768xf32, #tpu.memory_space<hbm>> -> memref<16x768xf32, #tpu.memory_space<hbm>>
      %dma_wait3A_106 = arith.constant 0 : i32
      %dma_wait3A_107 = arith.constant 0 : i32
      %dma_wait3A_108 = tpu.memref_slice %arg3[%dma_wait3A_106, %dma_wait3A_107] : memref<49408x768xf32, #tpu.memory_space<hbm>> -> memref<16x768xf32, #tpu.memory_space<hbm>>
      tpu.wait_dma2 semaphore(%arg13 : memref<!tpu.dma_semaphore, #tpu.memory_space<semaphore_mem>>) src(%dma_wait3A_108 : memref<16x768xf32, #tpu.memory_space<hbm>>) dst(%arg10 : memref<16x768xf32, #tpu.memory_space<vmem>>)
      %scan3A_109 = arith.constant 0 : i32
      %scan3A_110 = arith.constant 0 : i32
      %scan3A_111 = arith.constant 13 : i32
      %scan3A_112 = arith.addi %scan3A_110, %scan3A_111 : i32
      %scan3A_113 = arith.constant 1 : i32
      scf.for %scan3A_128 = %scan3A_110 to %scan3A_112 step %scan3A_113  : i32 {
        %add3A_129 = arith.constant 64 : i32
        %add3A_130 = arith.addi %add3A_129, %scan3A_128 : i32
        %mul3A_131 = arith.constant 768 : i32
        %mul3A_132 = arith.muli %add3A_130, %mul3A_131 : i32
        %add3A_133 = arith.constant 0 : i32
        %add3A_134 = arith.addi %mul3A_132, %add3A_133 : i32
        %get3A = arith.index_cast %add3A_134 : i32 to index
        %get3A_135 = tpu.vector_load %arg7[%get3A] {strides = array<i32>} : memref<59136xf32, #tpu.memory_space<vmem>>, vector<16xf32>,
        %get3A_136 = vector.shape_cast %get3A_135 : vector<16xf32> to vector<16xf32>
        %add3A_137 = arith.constant 16 : i32
        %add3A_138 = arith.addi %mul3A_132, %add3A_137 : i32
        %get3A_139 = arith.index_cast %add3A_138 : i32 to index
        %get3A_140 = tpu.vector_load %arg7[%get3A_139] {strides = array<i32>} : memref<59136xf32, #tpu.memory_space<vmem>>, vector<16xf32>,
        %get3A_141 = vector.shape_cast %get3A_140 : vector<16xf32> to vector<16xf32>
        %add3A_142 = arith.constant 32 : i32
        %add3A_143 = arith.addi %mul3A_132, %add3A_142 : i32
        %get3A_144 = arith.index_cast %add3A_143 : i32 to index
        %get3A_145 = tpu.vector_load %arg7[%get3A_144] {strides = array<i32>} : memref<59136xf32, #tpu.memory_space<vmem>>, vector<16xf32>,
        %get3A_146 = vector.shape_cast %get3A_145 : vector<16xf32> to vector<16xf32>
        %add3A_147 = arith.constant 48 : i32
        %add3A_148 = arith.addi %mul3A_132, %add3A_147 : i32
        %get3A_149 = arith.index_cast %add3A_148 : i32 to index
        %get3A_150 = tpu.vector_load %arg7[%get3A_149] {strides = array<i32>} : memref<59136xf32, #tpu.memory_space<vmem>>, vector<16xf32>,
        %get3A_151 = vector.shape_cast %get3A_150 : vector<16xf32> to vector<16xf32>
        %add3A_152 = arith.constant 64 : i32
        %add3A_153 = arith.addi %mul3A_132, %add3A_152 : i32
        %get3A_154 = arith.index_cast %add3A_153 : i32 to index
        %get3A_155 = tpu.vector_load %arg7[%get3A_154] {strides = array<i32>} : memref<59136xf32, #tpu.memory_space<vmem>>, vector<16xf32>,
        %get3A_156 = vector.shape_cast %get3A_155 : vector<16xf32> to vector<16xf32>
        %add3A_157 = arith.constant 80 : i32
        %add3A_158 = arith.addi %mul3A_132, %add3A_157 : i32
        %get3A_159 = arith.index_cast %add3A_158 : i32 to index
        %get3A_160 = tpu.vector_load %arg7[%get3A_159] {strides = array<i32>} : memref<59136xf32, #tpu.memory_space<vmem>>, vector<16xf32>,
        %get3A_161 = vector.shape_cast %get3A_160 : vector<16xf32> to vector<16xf32>
        %add3A_162 = arith.constant 96 : i32
        %add3A_163 = arith.addi %mul3A_132, %add3A_162 : i32
        %get3A_164 = arith.index_cast %add3A_163 : i32 to index
        %get3A_165 = tpu.vector_load %arg7[%get3A_164] {strides = array<i32>} : memref<59136xf32, #tpu.memory_space<vmem>>, vector<16xf32>,
        %get3A_166 = vector.shape_cast %get3A_165 : vector<16xf32> to vector<16xf32>
        %add3A_167 = arith.constant 112 : i32
        %add3A_168 = arith.addi %mul3A_132, %add3A_167 : i32
        %get3A_169 = arith.index_cast %add3A_168 : i32 to index
        %get3A_170 = tpu.vector_load %arg7[%get3A_169] {strides = array<i32>} : memref<59136xf32, #tpu.memory_space<vmem>>, vector<16xf32>,
        %get3A_171 = vector.shape_cast %get3A_170 : vector<16xf32> to vector<16xf32>
        %add3A_172 = arith.constant 128 : i32
        %add3A_173 = arith.addi %mul3A_132, %add3A_172 : i32
        %get3A_174 = arith.index_cast %add3A_173 : i32 to index
        %get3A_175 = tpu.vector_load %arg7[%get3A_174] {strides = array<i32>} : memref<59136xf32, #tpu.memory_space<vmem>>, vector<16xf32>,
        %get3A_176 = vector.shape_cast %get3A_175 : vector<16xf32> to vector<16xf32>
        %add3A_177 = arith.constant 144 : i32
        %add3A_178 = arith.addi %mul3A_132, %add3A_177 : i32
        %get3A_179 = arith.index_cast %add3A_178 : i32 to index
        %get3A_180 = tpu.vector_load %arg7[%get3A_179] {strides = array<i32>} : memref<59136xf32, #tpu.memory_space<vmem>>, vector<16xf32>,
        %get3A_181 = vector.shape_cast %get3A_180 : vector<16xf32> to vector<16xf32>
        %add3A_182 = arith.constant 160 : i32
        %add3A_183 = arith.addi %mul3A_132, %add3A_182 : i32
        %get3A_184 = arith.index_cast %add3A_183 : i32 to index
        %get3A_185 = tpu.vector_load %arg7[%get3A_184] {strides = array<i32>} : memref<59136xf32, #tpu.memory_space<vmem>>, vector<16xf32>,
        %get3A_186 = vector.shape_cast %get3A_185 : vector<16xf32> to vector<16xf32>
        %add3A_187 = arith.constant 176 : i32
        %add3A_188 = arith.addi %mul3A_132, %add3A_187 : i32
        %get3A_189 = arith.index_cast %add3A_188 : i32 to index
        %get3A_190 = tpu.vector_load %arg7[%get3A_189] {strides = array<i32>} : memref<59136xf32, #tpu.memory_space<vmem>>, vector<16xf32>,
        %get3A_191 = vector.shape_cast %get3A_190 : vector<16xf32> to vector<16xf32>
        %add3A_192 = arith.constant 192 : i32
        %add3A_193 = arith.addi %mul3A_132, %add3A_192 : i32
        %get3A_194 = arith.index_cast %add3A_193 : i32 to index
        %get3A_195 = tpu.vector_load %arg7[%get3A_194] {strides = array<i32>} : memref<59136xf32, #tpu.memory_space<vmem>>, vector<16xf32>,
        %get3A_196 = vector.shape_cast %get3A_195 : vector<16xf32> to vector<16xf32>
        %add3A_197 = arith.constant 208 : i32
        %add3A_198 = arith.addi %mul3A_132, %add3A_197 : i32
        %get3A_199 = arith.index_cast %add3A_198 : i32 to index
        %get3A_200 = tpu.vector_load %arg7[%get3A_199] {strides = array<i32>} : memref<59136xf32, #tpu.memory_space<vmem>>, vector<16xf32>,
        %get3A_201 = vector.shape_cast %get3A_200 : vector<16xf32> to vector<16xf32>
        %add3A_202 = arith.constant 224 : i32
        %add3A_203 = arith.addi %mul3A_132, %add3A_202 : i32
        %get3A_204 = arith.index_cast %add3A_203 : i32 to index
        %get3A_205 = tpu.vector_load %arg7[%get3A_204] {strides = array<i32>} : memref<59136xf32, #tpu.memory_space<vmem>>, vector<16xf32>,
        %get3A_206 = vector.shape_cast %get3A_205 : vector<16xf32> to vector<16xf32>
        %add3A_207 = arith.constant 240 : i32
        %add3A_208 = arith.addi %mul3A_132, %add3A_207 : i32
        %get3A_209 = arith.index_cast %add3A_208 : i32 to index
        %get3A_210 = tpu.vector_load %arg7[%get3A_209] {strides = array<i32>} : memref<59136xf32, #tpu.memory_space<vmem>>, vector<16xf32>,
        %get3A_211 = vector.shape_cast %get3A_210 : vector<16xf32> to vector<16xf32>
        %swap3A = arith.index_cast %scan3A_128 : i32 to index
        %swap3A_212 = arith.constant 0 : index
        %swap3A_213 = tpu.vector_load %arg10[%swap3A, %swap3A_212] {strides = array<i32>} : memref<16x768xf32, #tpu.memory_space<vmem>>, vector<1x16xf32>,
        %swap3A_214 = vector.shape_cast %swap3A_213 : vector<1x16xf32> to vector<16xf32>
        %swap3A_215 = vector.shape_cast %get3A_136 : vector<16xf32> to vector<1x16xf32>
        tpu.vector_store %arg10[%swap3A, %swap3A_212], %swap3A_215 {add = true, strides = array<i32>} : memref<16x768xf32, #tpu.memory_space<vmem>>, vector<1x16xf32>,
        %swap3A_216 = arith.index_cast %scan3A_128 : i32 to index
        %swap3A_217 = arith.constant 16 : index
        %swap3A_218 = tpu.vector_load %arg10[%swap3A_216, %swap3A_217] {strides = array<i32>} : memref<16x768xf32, #tpu.memory_space<vmem>>, vector<1x16xf32>,
        %swap3A_219 = vector.shape_cast %swap3A_218 : vector<1x16xf32> to vector<16xf32>
        %swap3A_220 = vector.shape_cast %get3A_141 : vector<16xf32> to vector<1x16xf32>
        tpu.vector_store %arg10[%swap3A_216, %swap3A_217], %swap3A_220 {add = true, strides = array<i32>} : memref<16x768xf32, #tpu.memory_space<vmem>>, vector<1x16xf32>,
        %swap3A_221 = arith.index_cast %scan3A_128 : i32 to index
        %swap3A_222 = arith.constant 32 : index
        %swap3A_223 = tpu.vector_load %arg10[%swap3A_221, %swap3A_222] {strides = array<i32>} : memref<16x768xf32, #tpu.memory_space<vmem>>, vector<1x16xf32>,
        %swap3A_224 = vector.shape_cast %swap3A_223 : vector<1x16xf32> to vector<16xf32>
        %swap3A_225 = vector.shape_cast %get3A_146 : vector<16xf32> to vector<1x16xf32>
        tpu.vector_store %arg10[%swap3A_221, %swap3A_222], %swap3A_225 {add = true, strides = array<i32>} : memref<16x768xf32, #tpu.memory_space<vmem>>, vector<1x16xf32>,
        %swap3A_226 = arith.index_cast %scan3A_128 : i32 to index
        %swap3A_227 = arith.constant 48 : index
        %swap3A_228 = tpu.vector_load %arg10[%swap3A_226, %swap3A_227] {strides = array<i32>} : memref<16x768xf32, #tpu.memory_space<vmem>>, vector<1x16xf32>,
        %swap3A_229 = vector.shape_cast %swap3A_228 : vector<1x16xf32> to vector<16xf32>
        %swap3A_230 = vector.shape_cast %get3A_151 : vector<16xf32> to vector<1x16xf32>
        tpu.vector_store %arg10[%swap3A_226, %swap3A_227], %swap3A_230 {add = true, strides = array<i32>} : memref<16x768xf32, #tpu.memory_space<vmem>>, vector<1x16xf32>,
        %swap3A_231 = arith.index_cast %scan3A_128 : i32 to index
        %swap3A_232 = arith.constant 64 : index
        %swap3A_233 = tpu.vector_load %arg10[%swap3A_231, %swap3A_232] {strides = array<i32>} : memref<16x768xf32, #tpu.memory_space<vmem>>, vector<1x16xf32>,
        %swap3A_234 = vector.shape_cast %swap3A_233 : vector<1x16xf32> to vector<16xf32>
        %swap3A_235 = vector.shape_cast %get3A_156 : vector<16xf32> to vector<1x16xf32>
        tpu.vector_store %arg10[%swap3A_231, %swap3A_232], %swap3A_235 {add = true, strides = array<i32>} : memref<16x768xf32, #tpu.memory_space<vmem>>, vector<1x16xf32>,
        %swap3A_236 = arith.index_cast %scan3A_128 : i32 to index
        %swap3A_237 = arith.constant 80 : index
        %swap3A_238 = tpu.vector_load %arg10[%swap3A_236, %swap3A_237] {strides = array<i32>} : memref<16x768xf32, #tpu.memory_space<vmem>>, vector<1x16xf32>,
        %swap3A_239 = vector.shape_cast %swap3A_238 : vector<1x16xf32> to vector<16xf32>
        %swap3A_240 = vector.shape_cast %get3A_161 : vector<16xf32> to vector<1x16xf32>
        tpu.vector_store %arg10[%swap3A_236, %swap3A_237], %swap3A_240 {add = true, strides = array<i32>} : memref<16x768xf32, #tpu.memory_space<vmem>>, vector<1x16xf32>,
        %swap3A_241 = arith.index_cast %scan3A_128 : i32 to index
        %swap3A_242 = arith.constant 96 : index
        %swap3A_243 = tpu.vector_load %arg10[%swap3A_241, %swap3A_242] {strides = array<i32>} : memref<16x768xf32, #tpu.memory_space<vmem>>, vector<1x16xf32>,
        %swap3A_244 = vector.shape_cast %swap3A_243 : vector<1x16xf32> to vector<16xf32>
        %swap3A_245 = vector.shape_cast %get3A_166 : vector<16xf32> to vector<1x16xf32>
        tpu.vector_store %arg10[%swap3A_241, %swap3A_242], %swap3A_245 {add = true, strides = array<i32>} : memref<16x768xf32, #tpu.memory_space<vmem>>, vector<1x16xf32>,
        %swap3A_246 = arith.index_cast %scan3A_128 : i32 to index
        %swap3A_247 = arith.constant 112 : index
        %swap3A_248 = tpu.vector_load %arg10[%swap3A_246, %swap3A_247] {strides = array<i32>} : memref<16x768xf32, #tpu.memory_space<vmem>>, vector<1x16xf32>,
        %swap3A_249 = vector.shape_cast %swap3A_248 : vector<1x16xf32> to vector<16xf32>
        %swap3A_250 = vector.shape_cast %get3A_171 : vector<16xf32> to vector<1x16xf32>
        tpu.vector_store %arg10[%swap3A_246, %swap3A_247], %swap3A_250 {add = true, strides = array<i32>} : memref<16x768xf32, #tpu.memory_space<vmem>>, vector<1x16xf32>,
        %swap3A_251 = arith.index_cast %scan3A_128 : i32 to index
        %swap3A_252 = arith.constant 128 : index
        %swap3A_253 = tpu.vector_load %arg10[%swap3A_251, %swap3A_252] {strides = array<i32>} : memref<16x768xf32, #tpu.memory_space<vmem>>, vector<1x16xf32>,
        %swap3A_254 = vector.shape_cast %swap3A_253 : vector<1x16xf32> to vector<16xf32>
        %swap3A_255 = vector.shape_cast %get3A_176 : vector<16xf32> to vector<1x16xf32>
        tpu.vector_store %arg10[%swap3A_251, %swap3A_252], %swap3A_255 {add = true, strides = array<i32>} : memref<16x768xf32, #tpu.memory_space<vmem>>, vector<1x16xf32>,
        %swap3A_256 = arith.index_cast %scan3A_128 : i32 to index
        %swap3A_257 = arith.constant 144 : index
        %swap3A_258 = tpu.vector_load %arg10[%swap3A_256, %swap3A_257] {strides = array<i32>} : memref<16x768xf32, #tpu.memory_space<vmem>>, vector<1x16xf32>,
        %swap3A_259 = vector.shape_cast %swap3A_258 : vector<1x16xf32> to vector<16xf32>
        %swap3A_260 = vector.shape_cast %get3A_181 : vector<16xf32> to vector<1x16xf32>
        tpu.vector_store %arg10[%swap3A_256, %swap3A_257], %swap3A_260 {add = true, strides = array<i32>} : memref<16x768xf32, #tpu.memory_space<vmem>>, vector<1x16xf32>,
        %swap3A_261 = arith.index_cast %scan3A_128 : i32 to index
        %swap3A_262 = arith.constant 160 : index
        %swap3A_263 = tpu.vector_load %arg10[%swap3A_261, %swap3A_262] {strides = array<i32>} : memref<16x768xf32, #tpu.memory_space<vmem>>, vector<1x16xf32>,
        %swap3A_264 = vector.shape_cast %swap3A_263 : vector<1x16xf32> to vector<16xf32>
        %swap3A_265 = vector.shape_cast %get3A_186 : vector<16xf32> to vector<1x16xf32>
        tpu.vector_store %arg10[%swap3A_261, %swap3A_262], %swap3A_265 {add = true, strides = array<i32>} : memref<16x768xf32, #tpu.memory_space<vmem>>, vector<1x16xf32>,
        %swap3A_266 = arith.index_cast %scan3A_128 : i32 to index
        %swap3A_267 = arith.constant 176 : index
        %swap3A_268 = tpu.vector_load %arg10[%swap3A_266, %swap3A_267] {strides = array<i32>} : memref<16x768xf32, #tpu.memory_space<vmem>>, vector<1x16xf32>,
        %swap3A_269 = vector.shape_cast %swap3A_268 : vector<1x16xf32> to vector<16xf32>
        %swap3A_270 = vector.shape_cast %get3A_191 : vector<16xf32> to vector<1x16xf32>
        tpu.vector_store %arg10[%swap3A_266, %swap3A_267], %swap3A_270 {add = true, strides = array<i32>} : memref<16x768xf32, #tpu.memory_space<vmem>>, vector<1x16xf32>,
        %swap3A_271 = arith.index_cast %scan3A_128 : i32 to index
        %swap3A_272 = arith.constant 192 : index
        %swap3A_273 = tpu.vector_load %arg10[%swap3A_271, %swap3A_272] {strides = array<i32>} : memref<16x768xf32, #tpu.memory_space<vmem>>, vector<1x16xf32>,
        %swap3A_274 = vector.shape_cast %swap3A_273 : vector<1x16xf32> to vector<16xf32>
        %swap3A_275 = vector.shape_cast %get3A_196 : vector<16xf32> to vector<1x16xf32>
        tpu.vector_store %arg10[%swap3A_271, %swap3A_272], %swap3A_275 {add = true, strides = array<i32>} : memref<16x768xf32, #tpu.memory_space<vmem>>, vector<1x16xf32>,
        %swap3A_276 = arith.index_cast %scan3A_128 : i32 to index
        %swap3A_277 = arith.constant 208 : index
        %swap3A_278 = tpu.vector_load %arg10[%swap3A_276, %swap3A_277] {strides = array<i32>} : memref<16x768xf32, #tpu.memory_space<vmem>>, vector<1x16xf32>,
        %swap3A_279 = vector.shape_cast %swap3A_278 : vector<1x16xf32> to vector<16xf32>
        %swap3A_280 = vector.shape_cast %get3A_201 : vector<16xf32> to vector<1x16xf32>
        tpu.vector_store %arg10[%swap3A_276, %swap3A_277], %swap3A_280 {add = true, strides = array<i32>} : memref<16x768xf32, #tpu.memory_space<vmem>>, vector<1x16xf32>,
        %swap3A_281 = arith.index_cast %scan3A_128 : i32 to index
        %swap3A_282 = arith.constant 224 : index
        %swap3A_283 = tpu.vector_load %arg10[%swap3A_281, %swap3A_282] {strides = array<i32>} : memref<16x768xf32, #tpu.memory_space<vmem>>, vector<1x16xf32>,
        %swap3A_284 = vector.shape_cast %swap3A_283 : vector<1x16xf32> to vector<16xf32>
        %swap3A_285 = vector.shape_cast %get3A_206 : vector<16xf32> to vector<1x16xf32>
        tpu.vector_store %arg10[%swap3A_281, %swap3A_282], %swap3A_285 {add = true, strides = array<i32>} : memref<16x768xf32, #tpu.memory_space<vmem>>, vector<1x16xf32>,
        %swap3A_286 = arith.index_cast %scan3A_128 : i32 to index
        %swap3A_287 = arith.constant 240 : index
        %swap3A_288 = tpu.vector_load %arg10[%swap3A_286, %swap3A_287] {strides = array<i32>} : memref<16x768xf32, #tpu.memory_space<vmem>>, vector<1x16xf32>,
        %swap3A_289 = vector.shape_cast %swap3A_288 : vector<1x16xf32> to vector<16xf32>
        %swap3A_290 = vector.shape_cast %get3A_211 : vector<16xf32> to vector<1x16xf32>
        tpu.vector_store %arg10[%swap3A_286, %swap3A_287], %swap3A_290 {add = true, strides = array<i32>} : memref<16x768xf32, #tpu.memory_space<vmem>>, vector<1x16xf32>,
        %add3A_291 = arith.constant 256 : i32
        %add3A_292 = arith.addi %mul3A_132, %add3A_291 : i32
        %get3A_293 = arith.index_cast %add3A_292 : i32 to index
        %get3A_294 = tpu.vector_load %arg7[%get3A_293] {strides = array<i32>} : memref<59136xf32, #tpu.memory_space<vmem>>, vector<16xf32>,
        %get3A_295 = vector.shape_cast %get3A_294 : vector<16xf32> to vector<16xf32>
        %add3A_296 = arith.constant 272 : i32
        %add3A_297 = arith.addi %mul3A_132, %add3A_296 : i32
        %get3A_298 = arith.index_cast %add3A_297 : i32 to index
        %get3A_299 = tpu.vector_load %arg7[%get3A_298] {strides = array<i32>} : memref<59136xf32, #tpu.memory_space<vmem>>, vector<16xf32>,
        %get3A_300 = vector.shape_cast %get3A_299 : vector<16xf32> to vector<16xf32>
        %add3A_301 = arith.constant 288 : i32
        %add3A_302 = arith.addi %mul3A_132, %add3A_301 : i32
        %get3A_303 = arith.index_cast %add3A_302 : i32 to index
        %get3A_304 = tpu.vector_load %arg7[%get3A_303] {strides = array<i32>} : memref<59136xf32, #tpu.memory_space<vmem>>, vector<16xf32>,
        %get3A_305 = vector.shape_cast %get3A_304 : vector<16xf32> to vector<16xf32>
        %add3A_306 = arith.constant 304 : i32
        %add3A_307 = arith.addi %mul3A_132, %add3A_306 : i32
        %get3A_308 = arith.index_cast %add3A_307 : i32 to index
        %get3A_309 = tpu.vector_load %arg7[%get3A_308] {strides = array<i32>} : memref<59136xf32, #tpu.memory_space<vmem>>, vector<16xf32>,
        %get3A_310 = vector.shape_cast %get3A_309 : vector<16xf32> to vector<16xf32>
        %add3A_311 = arith.constant 320 : i32
        %add3A_312 = arith.addi %mul3A_132, %add3A_311 : i32
        %get3A_313 = arith.index_cast %add3A_312 : i32 to index
        %get3A_314 = tpu.vector_load %arg7[%get3A_313] {strides = array<i32>} : memref<59136xf32, #tpu.memory_space<vmem>>, vector<16xf32>,
        %get3A_315 = vector.shape_cast %get3A_314 : vector<16xf32> to vector<16xf32>
        %add3A_316 = arith.constant 336 : i32
        %add3A_317 = arith.addi %mul3A_132, %add3A_316 : i32
        %get3A_318 = arith.index_cast %add3A_317 : i32 to index
        %get3A_319 = tpu.vector_load %arg7[%get3A_318] {strides = array<i32>} : memref<59136xf32, #tpu.memory_space<vmem>>, vector<16xf32>,
        %get3A_320 = vector.shape_cast %get3A_319 : vector<16xf32> to vector<16xf32>
        %add3A_321 = arith.constant 352 : i32
        %add3A_322 = arith.addi %mul3A_132, %add3A_321 : i32
        %get3A_323 = arith.index_cast %add3A_322 : i32 to index
        %get3A_324 = tpu.vector_load %arg7[%get3A_323] {strides = array<i32>} : memref<59136xf32, #tpu.memory_space<vmem>>, vector<16xf32>,
        %get3A_325 = vector.shape_cast %get3A_324 : vector<16xf32> to vector<16xf32>
        %add3A_326 = arith.constant 368 : i32
        %add3A_327 = arith.addi %mul3A_132, %add3A_326 : i32
        %get3A_328 = arith.index_cast %add3A_327 : i32 to index
        %get3A_329 = tpu.vector_load %arg7[%get3A_328] {strides = array<i32>} : memref<59136xf32, #tpu.memory_space<vmem>>, vector<16xf32>,
        %get3A_330 = vector.shape_cast %get3A_329 : vector<16xf32> to vector<16xf32>
        %add3A_331 = arith.constant 384 : i32
        %add3A_332 = arith.addi %mul3A_132, %add3A_331 : i32
        %get3A_333 = arith.index_cast %add3A_332 : i32 to index
        %get3A_334 = tpu.vector_load %arg7[%get3A_333] {strides = array<i32>} : memref<59136xf32, #tpu.memory_space<vmem>>, vector<16xf32>,
        %get3A_335 = vector.shape_cast %get3A_334 : vector<16xf32> to vector<16xf32>
        %add3A_336 = arith.constant 400 : i32
        %add3A_337 = arith.addi %mul3A_132, %add3A_336 : i32
        %get3A_338 = arith.index_cast %add3A_337 : i32 to index
        %get3A_339 = tpu.vector_load %arg7[%get3A_338] {strides = array<i32>} : memref<59136xf32, #tpu.memory_space<vmem>>, vector<16xf32>,
        %get3A_340 = vector.shape_cast %get3A_339 : vector<16xf32> to vector<16xf32>
        %add3A_341 = arith.constant 416 : i32
        %add3A_342 = arith.addi %mul3A_132, %add3A_341 : i32
        %get3A_343 = arith.index_cast %add3A_342 : i32 to index
        %get3A_344 = tpu.vector_load %arg7[%get3A_343] {strides = array<i32>} : memref<59136xf32, #tpu.memory_space<vmem>>, vector<16xf32>,
        %get3A_345 = vector.shape_cast %get3A_344 : vector<16xf32> to vector<16xf32>
        %add3A_346 = arith.constant 432 : i32
        %add3A_347 = arith.addi %mul3A_132, %add3A_346 : i32
        %get3A_348 = arith.index_cast %add3A_347 : i32 to index
        %get3A_349 = tpu.vector_load %arg7[%get3A_348] {strides = array<i32>} : memref<59136xf32, #tpu.memory_space<vmem>>, vector<16xf32>,
        %get3A_350 = vector.shape_cast %get3A_349 : vector<16xf32> to vector<16xf32>
        %add3A_351 = arith.constant 448 : i32
        %add3A_352 = arith.addi %mul3A_132, %add3A_351 : i32
        %get3A_353 = arith.index_cast %add3A_352 : i32 to index
        %get3A_354 = tpu.vector_load %arg7[%get3A_353] {strides = array<i32>} : memref<59136xf32, #tpu.memory_space<vmem>>, vector<16xf32>,
        %get3A_355 = vector.shape_cast %get3A_354 : vector<16xf32> to vector<16xf32>
        %add3A_356 = arith.constant 464 : i32
        %add3A_357 = arith.addi %mul3A_132, %add3A_356 : i32
        %get3A_358 = arith.index_cast %add3A_357 : i32 to index
        %get3A_359 = tpu.vector_load %arg7[%get3A_358] {strides = array<i32>} : memref<59136xf32, #tpu.memory_space<vmem>>, vector<16xf32>,
        %get3A_360 = vector.shape_cast %get3A_359 : vector<16xf32> to vector<16xf32>
        %add3A_361 = arith.constant 480 : i32
        %add3A_362 = arith.addi %mul3A_132, %add3A_361 : i32
        %get3A_363 = arith.index_cast %add3A_362 : i32 to index
        %get3A_364 = tpu.vector_load %arg7[%get3A_363] {strides = array<i32>} : memref<59136xf32, #tpu.memory_space<vmem>>, vector<16xf32>,
        %get3A_365 = vector.shape_cast %get3A_364 : vector<16xf32> to vector<16xf32>
        %add3A_366 = arith.constant 496 : i32
        %add3A_367 = arith.addi %mul3A_132, %add3A_366 : i32
        %get3A_368 = arith.index_cast %add3A_367 : i32 to index
        %get3A_369 = tpu.vector_load %arg7[%get3A_368] {strides = array<i32>} : memref<59136xf32, #tpu.memory_space<vmem>>, vector<16xf32>,
        %get3A_370 = vector.shape_cast %get3A_369 : vector<16xf32> to vector<16xf32>
        %swap3A_371 = arith.index_cast %scan3A_128 : i32 to index
        %swap3A_372 = arith.constant 256 : index
        %swap3A_373 = tpu.vector_load %arg10[%swap3A_371, %swap3A_372] {strides = array<i32>} : memref<16x768xf32, #tpu.memory_space<vmem>>, vector<1x16xf32>,
        %swap3A_374 = vector.shape_cast %swap3A_373 : vector<1x16xf32> to vector<16xf32>
        %swap3A_375 = vector.shape_cast %get3A_295 : vector<16xf32> to vector<1x16xf32>
        tpu.vector_store %arg10[%swap3A_371, %swap3A_372], %swap3A_375 {add = true, strides = array<i32>} : memref<16x768xf32, #tpu.memory_space<vmem>>, vector<1x16xf32>,
        %swap3A_376 = arith.index_cast %scan3A_128 : i32 to index
        %swap3A_377 = arith.constant 272 : index
        %swap3A_378 = tpu.vector_load %arg10[%swap3A_376, %swap3A_377] {strides = array<i32>} : memref<16x768xf32, #tpu.memory_space<vmem>>, vector<1x16xf32>,
        %swap3A_379 = vector.shape_cast %swap3A_378 : vector<1x16xf32> to vector<16xf32>
        %swap3A_380 = vector.shape_cast %get3A_300 : vector<16xf32> to vector<1x16xf32>
        tpu.vector_store %arg10[%swap3A_376, %swap3A_377], %swap3A_380 {add = true, strides = array<i32>} : memref<16x768xf32, #tpu.memory_space<vmem>>, vector<1x16xf32>,
        %swap3A_381 = arith.index_cast %scan3A_128 : i32 to index
        %swap3A_382 = arith.constant 288 : index
        %swap3A_383 = tpu.vector_load %arg10[%swap3A_381, %swap3A_382] {strides = array<i32>} : memref<16x768xf32, #tpu.memory_space<vmem>>, vector<1x16xf32>,
        %swap3A_384 = vector.shape_cast %swap3A_383 : vector<1x16xf32> to vector<16xf32>
        %swap3A_385 = vector.shape_cast %get3A_305 : vector<16xf32> to vector<1x16xf32>
        tpu.vector_store %arg10[%swap3A_381, %swap3A_382], %swap3A_385 {add = true, strides = array<i32>} : memref<16x768xf32, #tpu.memory_space<vmem>>, vector<1x16xf32>,
        %swap3A_386 = arith.index_cast %scan3A_128 : i32 to index
        %swap3A_387 = arith.constant 304 : index
        %swap3A_388 = tpu.vector_load %arg10[%swap3A_386, %swap3A_387] {strides = array<i32>} : memref<16x768xf32, #tpu.memory_space<vmem>>, vector<1x16xf32>,
        %swap3A_389 = vector.shape_cast %swap3A_388 : vector<1x16xf32> to vector<16xf32>
        %swap3A_390 = vector.shape_cast %get3A_310 : vector<16xf32> to vector<1x16xf32>
        tpu.vector_store %arg10[%swap3A_386, %swap3A_387], %swap3A_390 {add = true, strides = array<i32>} : memref<16x768xf32, #tpu.memory_space<vmem>>, vector<1x16xf32>,
        %swap3A_391 = arith.index_cast %scan3A_128 : i32 to index
        %swap3A_392 = arith.constant 320 : index
        %swap3A_393 = tpu.vector_load %arg10[%swap3A_391, %swap3A_392] {strides = array<i32>} : memref<16x768xf32, #tpu.memory_space<vmem>>, vector<1x16xf32>,
        %swap3A_394 = vector.shape_cast %swap3A_393 : vector<1x16xf32> to vector<16xf32>
        %swap3A_395 = vector.shape_cast %get3A_315 : vector<16xf32> to vector<1x16xf32>
        tpu.vector_store %arg10[%swap3A_391, %swap3A_392], %swap3A_395 {add = true, strides = array<i32>} : memref<16x768xf32, #tpu.memory_space<vmem>>, vector<1x16xf32>,
        %swap3A_396 = arith.index_cast %scan3A_128 : i32 to index
        %swap3A_397 = arith.constant 336 : index
        %swap3A_398 = tpu.vector_load %arg10[%swap3A_396, %swap3A_397] {strides = array<i32>} : memref<16x768xf32, #tpu.memory_space<vmem>>, vector<1x16xf32>,
        %swap3A_399 = vector.shape_cast %swap3A_398 : vector<1x16xf32> to vector<16xf32>
        %swap3A_400 = vector.shape_cast %get3A_320 : vector<16xf32> to vector<1x16xf32>
        tpu.vector_store %arg10[%swap3A_396, %swap3A_397], %swap3A_400 {add = true, strides = array<i32>} : memref<16x768xf32, #tpu.memory_space<vmem>>, vector<1x16xf32>,
        %swap3A_401 = arith.index_cast %scan3A_128 : i32 to index
        %swap3A_402 = arith.constant 352 : index
        %swap3A_403 = tpu.vector_load %arg10[%swap3A_401, %swap3A_402] {strides = array<i32>} : memref<16x768xf32, #tpu.memory_space<vmem>>, vector<1x16xf32>,
        %swap3A_404 = vector.shape_cast %swap3A_403 : vector<1x16xf32> to vector<16xf32>
        %swap3A_405 = vector.shape_cast %get3A_325 : vector<16xf32> to vector<1x16xf32>
        tpu.vector_store %arg10[%swap3A_401, %swap3A_402], %swap3A_405 {add = true, strides = array<i32>} : memref<16x768xf32, #tpu.memory_space<vmem>>, vector<1x16xf32>,
        %swap3A_406 = arith.index_cast %scan3A_128 : i32 to index
        %swap3A_407 = arith.constant 368 : index
        %swap3A_408 = tpu.vector_load %arg10[%swap3A_406, %swap3A_407] {strides = array<i32>} : memref<16x768xf32, #tpu.memory_space<vmem>>, vector<1x16xf32>,
        %swap3A_409 = vector.shape_cast %swap3A_408 : vector<1x16xf32> to vector<16xf32>
        %swap3A_410 = vector.shape_cast %get3A_330 : vector<16xf32> to vector<1x16xf32>
        tpu.vector_store %arg10[%swap3A_406, %swap3A_407], %swap3A_410 {add = true, strides = array<i32>} : memref<16x768xf32, #tpu.memory_space<vmem>>, vector<1x16xf32>,
        %swap3A_411 = arith.index_cast %scan3A_128 : i32 to index
        %swap3A_412 = arith.constant 384 : index
        %swap3A_413 = tpu.vector_load %arg10[%swap3A_411, %swap3A_412] {strides = array<i32>} : memref<16x768xf32, #tpu.memory_space<vmem>>, vector<1x16xf32>,
        %swap3A_414 = vector.shape_cast %swap3A_413 : vector<1x16xf32> to vector<16xf32>
        %swap3A_415 = vector.shape_cast %get3A_335 : vector<16xf32> to vector<1x16xf32>
        tpu.vector_store %arg10[%swap3A_411, %swap3A_412], %swap3A_415 {add = true, strides = array<i32>} : memref<16x768xf32, #tpu.memory_space<vmem>>, vector<1x16xf32>,
        %swap3A_416 = arith.index_cast %scan3A_128 : i32 to index
        %swap3A_417 = arith.constant 400 : index
        %swap3A_418 = tpu.vector_load %arg10[%swap3A_416, %swap3A_417] {strides = array<i32>} : memref<16x768xf32, #tpu.memory_space<vmem>>, vector<1x16xf32>,
        %swap3A_419 = vector.shape_cast %swap3A_418 : vector<1x16xf32> to vector<16xf32>
        %swap3A_420 = vector.shape_cast %get3A_340 : vector<16xf32> to vector<1x16xf32>
        tpu.vector_store %arg10[%swap3A_416, %swap3A_417], %swap3A_420 {add = true, strides = array<i32>} : memref<16x768xf32, #tpu.memory_space<vmem>>, vector<1x16xf32>,
        %swap3A_421 = arith.index_cast %scan3A_128 : i32 to index
        %swap3A_422 = arith.constant 416 : index
        %swap3A_423 = tpu.vector_load %arg10[%swap3A_421, %swap3A_422] {strides = array<i32>} : memref<16x768xf32, #tpu.memory_space<vmem>>, vector<1x16xf32>,
        %swap3A_424 = vector.shape_cast %swap3A_423 : vector<1x16xf32> to vector<16xf32>
        %swap3A_425 = vector.shape_cast %get3A_345 : vector<16xf32> to vector<1x16xf32>
        tpu.vector_store %arg10[%swap3A_421, %swap3A_422], %swap3A_425 {add = true, strides = array<i32>} : memref<16x768xf32, #tpu.memory_space<vmem>>, vector<1x16xf32>,
        %swap3A_426 = arith.index_cast %scan3A_128 : i32 to index
        %swap3A_427 = arith.constant 432 : index
        %swap3A_428 = tpu.vector_load %arg10[%swap3A_426, %swap3A_427] {strides = array<i32>} : memref<16x768xf32, #tpu.memory_space<vmem>>, vector<1x16xf32>,
        %swap3A_429 = vector.shape_cast %swap3A_428 : vector<1x16xf32> to vector<16xf32>
        %swap3A_430 = vector.shape_cast %get3A_350 : vector<16xf32> to vector<1x16xf32>
        tpu.vector_store %arg10[%swap3A_426, %swap3A_427], %swap3A_430 {add = true, strides = array<i32>} : memref<16x768xf32, #tpu.memory_space<vmem>>, vector<1x16xf32>,
        %swap3A_431 = arith.index_cast %scan3A_128 : i32 to index
        %swap3A_432 = arith.constant 448 : index
        %swap3A_433 = tpu.vector_load %arg10[%swap3A_431, %swap3A_432] {strides = array<i32>} : memref<16x768xf32, #tpu.memory_space<vmem>>, vector<1x16xf32>,
        %swap3A_434 = vector.shape_cast %swap3A_433 : vector<1x16xf32> to vector<16xf32>
        %swap3A_435 = vector.shape_cast %get3A_355 : vector<16xf32> to vector<1x16xf32>
        tpu.vector_store %arg10[%swap3A_431, %swap3A_432], %swap3A_435 {add = true, strides = array<i32>} : memref<16x768xf32, #tpu.memory_space<vmem>>, vector<1x16xf32>,
        %swap3A_436 = arith.index_cast %scan3A_128 : i32 to index
        %swap3A_437 = arith.constant 464 : index
        %swap3A_438 = tpu.vector_load %arg10[%swap3A_436, %swap3A_437] {strides = array<i32>} : memref<16x768xf32, #tpu.memory_space<vmem>>, vector<1x16xf32>,
        %swap3A_439 = vector.shape_cast %swap3A_438 : vector<1x16xf32> to vector<16xf32>
        %swap3A_440 = vector.shape_cast %get3A_360 : vector<16xf32> to vector<1x16xf32>
        tpu.vector_store %arg10[%swap3A_436, %swap3A_437], %swap3A_440 {add = true, strides = array<i32>} : memref<16x768xf32, #tpu.memory_space<vmem>>, vector<1x16xf32>,
        %swap3A_441 = arith.index_cast %scan3A_128 : i32 to index
        %swap3A_442 = arith.constant 480 : index
        %swap3A_443 = tpu.vector_load %arg10[%swap3A_441, %swap3A_442] {strides = array<i32>} : memref<16x768xf32, #tpu.memory_space<vmem>>, vector<1x16xf32>,
        %swap3A_444 = vector.shape_cast %swap3A_443 : vector<1x16xf32> to vector<16xf32>
        %swap3A_445 = vector.shape_cast %get3A_365 : vector<16xf32> to vector<1x16xf32>
        tpu.vector_store %arg10[%swap3A_441, %swap3A_442], %swap3A_445 {add = true, strides = array<i32>} : memref<16x768xf32, #tpu.memory_space<vmem>>, vector<1x16xf32>,
        %swap3A_446 = arith.index_cast %scan3A_128 : i32 to index
        %swap3A_447 = arith.constant 496 : index
        %swap3A_448 = tpu.vector_load %arg10[%swap3A_446, %swap3A_447] {strides = array<i32>} : memref<16x768xf32, #tpu.memory_space<vmem>>, vector<1x16xf32>,
        %swap3A_449 = vector.shape_cast %swap3A_448 : vector<1x16xf32> to vector<16xf32>
        %swap3A_450 = vector.shape_cast %get3A_370 : vector<16xf32> to vector<1x16xf32>
        tpu.vector_store %arg10[%swap3A_446, %swap3A_447], %swap3A_450 {add = true, strides = array<i32>} : memref<16x768xf32, #tpu.memory_space<vmem>>, vector<1x16xf32>,
        %add3A_451 = arith.constant 512 : i32
        %add3A_452 = arith.addi %mul3A_132, %add3A_451 : i32
        %get3A_453 = arith.index_cast %add3A_452 : i32 to index
        %get3A_454 = tpu.vector_load %arg7[%get3A_453] {strides = array<i32>} : memref<59136xf32, #tpu.memory_space<vmem>>, vector<16xf32>,
        %get3A_455 = vector.shape_cast %get3A_454 : vector<16xf32> to vector<16xf32>
        %add3A_456 = arith.constant 528 : i32
        %add3A_457 = arith.addi %mul3A_132, %add3A_456 : i32
        %get3A_458 = arith.index_cast %add3A_457 : i32 to index
        %get3A_459 = tpu.vector_load %arg7[%get3A_458] {strides = array<i32>} : memref<59136xf32, #tpu.memory_space<vmem>>, vector<16xf32>,
        %get3A_460 = vector.shape_cast %get3A_459 : vector<16xf32> to vector<16xf32>
        %add3A_461 = arith.constant 544 : i32
        %add3A_462 = arith.addi %mul3A_132, %add3A_461 : i32
        %get3A_463 = arith.index_cast %add3A_462 : i32 to index
        %get3A_464 = tpu.vector_load %arg7[%get3A_463] {strides = array<i32>} : memref<59136xf32, #tpu.memory_space<vmem>>, vector<16xf32>,
        %get3A_465 = vector.shape_cast %get3A_464 : vector<16xf32> to vector<16xf32>
        %add3A_466 = arith.constant 560 : i32
        %add3A_467 = arith.addi %mul3A_132, %add3A_466 : i32
        %get3A_468 = arith.index_cast %add3A_467 : i32 to index
        %get3A_469 = tpu.vector_load %arg7[%get3A_468] {strides = array<i32>} : memref<59136xf32, #tpu.memory_space<vmem>>, vector<16xf32>,
        %get3A_470 = vector.shape_cast %get3A_469 : vector<16xf32> to vector<16xf32>
        %add3A_471 = arith.constant 576 : i32
        %add3A_472 = arith.addi %mul3A_132, %add3A_471 : i32
        %get3A_473 = arith.index_cast %add3A_472 : i32 to index
        %get3A_474 = tpu.vector_load %arg7[%get3A_473] {strides = array<i32>} : memref<59136xf32, #tpu.memory_space<vmem>>, vector<16xf32>,
        %get3A_475 = vector.shape_cast %get3A_474 : vector<16xf32> to vector<16xf32>
        %add3A_476 = arith.constant 592 : i32
        %add3A_477 = arith.addi %mul3A_132, %add3A_476 : i32
        %get3A_478 = arith.index_cast %add3A_477 : i32 to index
        %get3A_479 = tpu.vector_load %arg7[%get3A_478] {strides = array<i32>} : memref<59136xf32, #tpu.memory_space<vmem>>, vector<16xf32>,
        %get3A_480 = vector.shape_cast %get3A_479 : vector<16xf32> to vector<16xf32>
        %add3A_481 = arith.constant 608 : i32
        %add3A_482 = arith.addi %mul3A_132, %add3A_481 : i32
        %get3A_483 = arith.index_cast %add3A_482 : i32 to index
        %get3A_484 = tpu.vector_load %arg7[%get3A_483] {strides = array<i32>} : memref<59136xf32, #tpu.memory_space<vmem>>, vector<16xf32>,
        %get3A_485 = vector.shape_cast %get3A_484 : vector<16xf32> to vector<16xf32>
        %add3A_486 = arith.constant 624 : i32
        %add3A_487 = arith.addi %mul3A_132, %add3A_486 : i32
        %get3A_488 = arith.index_cast %add3A_487 : i32 to index
        %get3A_489 = tpu.vector_load %arg7[%get3A_488] {strides = array<i32>} : memref<59136xf32, #tpu.memory_space<vmem>>, vector<16xf32>,
        %get3A_490 = vector.shape_cast %get3A_489 : vector<16xf32> to vector<16xf32>
        %add3A_491 = arith.constant 640 : i32
        %add3A_492 = arith.addi %mul3A_132, %add3A_491 : i32
        %get3A_493 = arith.index_cast %add3A_492 : i32 to index
        %get3A_494 = tpu.vector_load %arg7[%get3A_493] {strides = array<i32>} : memref<59136xf32, #tpu.memory_space<vmem>>, vector<16xf32>,
        %get3A_495 = vector.shape_cast %get3A_494 : vector<16xf32> to vector<16xf32>
        %add3A_496 = arith.constant 656 : i32
        %add3A_497 = arith.addi %mul3A_132, %add3A_496 : i32
        %get3A_498 = arith.index_cast %add3A_497 : i32 to index
        %get3A_499 = tpu.vector_load %arg7[%get3A_498] {strides = array<i32>} : memref<59136xf32, #tpu.memory_space<vmem>>, vector<16xf32>,
        %get3A_500 = vector.shape_cast %get3A_499 : vector<16xf32> to vector<16xf32>
        %add3A_501 = arith.constant 672 : i32
        %add3A_502 = arith.addi %mul3A_132, %add3A_501 : i32
        %get3A_503 = arith.index_cast %add3A_502 : i32 to index
        %get3A_504 = tpu.vector_load %arg7[%get3A_503] {strides = array<i32>} : memref<59136xf32, #tpu.memory_space<vmem>>, vector<16xf32>,
        %get3A_505 = vector.shape_cast %get3A_504 : vector<16xf32> to vector<16xf32>
        %add3A_506 = arith.constant 688 : i32
        %add3A_507 = arith.addi %mul3A_132, %add3A_506 : i32
        %get3A_508 = arith.index_cast %add3A_507 : i32 to index
        %get3A_509 = tpu.vector_load %arg7[%get3A_508] {strides = array<i32>} : memref<59136xf32, #tpu.memory_space<vmem>>, vector<16xf32>,
        %get3A_510 = vector.shape_cast %get3A_509 : vector<16xf32> to vector<16xf32>
        %add3A_511 = arith.constant 704 : i32
        %add3A_512 = arith.addi %mul3A_132, %add3A_511 : i32
        %get3A_513 = arith.index_cast %add3A_512 : i32 to index
        %get3A_514 = tpu.vector_load %arg7[%get3A_513] {strides = array<i32>} : memref<59136xf32, #tpu.memory_space<vmem>>, vector<16xf32>,
        %get3A_515 = vector.shape_cast %get3A_514 : vector<16xf32> to vector<16xf32>
        %add3A_516 = arith.constant 720 : i32
        %add3A_517 = arith.addi %mul3A_132, %add3A_516 : i32
        %get3A_518 = arith.index_cast %add3A_517 : i32 to index
        %get3A_519 = tpu.vector_load %arg7[%get3A_518] {strides = array<i32>} : memref<59136xf32, #tpu.memory_space<vmem>>, vector<16xf32>,
        %get3A_520 = vector.shape_cast %get3A_519 : vector<16xf32> to vector<16xf32>
        %add3A_521 = arith.constant 736 : i32
        %add3A_522 = arith.addi %mul3A_132, %add3A_521 : i32
        %get3A_523 = arith.index_cast %add3A_522 : i32 to index
        %get3A_524 = tpu.vector_load %arg7[%get3A_523] {strides = array<i32>} : memref<59136xf32, #tpu.memory_space<vmem>>, vector<16xf32>,
        %get3A_525 = vector.shape_cast %get3A_524 : vector<16xf32> to vector<16xf32>
        %add3A_526 = arith.constant 752 : i32
        %add3A_527 = arith.addi %mul3A_132, %add3A_526 : i32
        %get3A_528 = arith.index_cast %add3A_527 : i32 to index
        %get3A_529 = tpu.vector_load %arg7[%get3A_528] {strides = array<i32>} : memref<59136xf32, #tpu.memory_space<vmem>>, vector<16xf32>,
        %get3A_530 = vector.shape_cast %get3A_529 : vector<16xf32> to vector<16xf32>
        %swap3A_531 = arith.index_cast %scan3A_128 : i32 to index
        %swap3A_532 = arith.constant 512 : index
        %swap3A_533 = tpu.vector_load %arg10[%swap3A_531, %swap3A_532] {strides = array<i32>} : memref<16x768xf32, #tpu.memory_space<vmem>>, vector<1x16xf32>,
        %swap3A_534 = vector.shape_cast %swap3A_533 : vector<1x16xf32> to vector<16xf32>
        %swap3A_535 = vector.shape_cast %get3A_455 : vector<16xf32> to vector<1x16xf32>
        tpu.vector_store %arg10[%swap3A_531, %swap3A_532], %swap3A_535 {add = true, strides = array<i32>} : memref<16x768xf32, #tpu.memory_space<vmem>>, vector<1x16xf32>,
        %swap3A_536 = arith.index_cast %scan3A_128 : i32 to index
        %swap3A_537 = arith.constant 528 : index
        %swap3A_538 = tpu.vector_load %arg10[%swap3A_536, %swap3A_537] {strides = array<i32>} : memref<16x768xf32, #tpu.memory_space<vmem>>, vector<1x16xf32>,
        %swap3A_539 = vector.shape_cast %swap3A_538 : vector<1x16xf32> to vector<16xf32>
        %swap3A_540 = vector.shape_cast %get3A_460 : vector<16xf32> to vector<1x16xf32>
        tpu.vector_store %arg10[%swap3A_536, %swap3A_537], %swap3A_540 {add = true, strides = array<i32>} : memref<16x768xf32, #tpu.memory_space<vmem>>, vector<1x16xf32>,
        %swap3A_541 = arith.index_cast %scan3A_128 : i32 to index
        %swap3A_542 = arith.constant 544 : index
        %swap3A_543 = tpu.vector_load %arg10[%swap3A_541, %swap3A_542] {strides = array<i32>} : memref<16x768xf32, #tpu.memory_space<vmem>>, vector<1x16xf32>,
        %swap3A_544 = vector.shape_cast %swap3A_543 : vector<1x16xf32> to vector<16xf32>
        %swap3A_545 = vector.shape_cast %get3A_465 : vector<16xf32> to vector<1x16xf32>
        tpu.vector_store %arg10[%swap3A_541, %swap3A_542], %swap3A_545 {add = true, strides = array<i32>} : memref<16x768xf32, #tpu.memory_space<vmem>>, vector<1x16xf32>,
        %swap3A_546 = arith.index_cast %scan3A_128 : i32 to index
        %swap3A_547 = arith.constant 560 : index
        %swap3A_548 = tpu.vector_load %arg10[%swap3A_546, %swap3A_547] {strides = array<i32>} : memref<16x768xf32, #tpu.memory_space<vmem>>, vector<1x16xf32>,
        %swap3A_549 = vector.shape_cast %swap3A_548 : vector<1x16xf32> to vector<16xf32>
        %swap3A_550 = vector.shape_cast %get3A_470 : vector<16xf32> to vector<1x16xf32>
        tpu.vector_store %arg10[%swap3A_546, %swap3A_547], %swap3A_550 {add = true, strides = array<i32>} : memref<16x768xf32, #tpu.memory_space<vmem>>, vector<1x16xf32>,
        %swap3A_551 = arith.index_cast %scan3A_128 : i32 to index
        %swap3A_552 = arith.constant 576 : index
        %swap3A_553 = tpu.vector_load %arg10[%swap3A_551, %swap3A_552] {strides = array<i32>} : memref<16x768xf32, #tpu.memory_space<vmem>>, vector<1x16xf32>,
        %swap3A_554 = vector.shape_cast %swap3A_553 : vector<1x16xf32> to vector<16xf32>
        %swap3A_555 = vector.shape_cast %get3A_475 : vector<16xf32> to vector<1x16xf32>
        tpu.vector_store %arg10[%swap3A_551, %swap3A_552], %swap3A_555 {add = true, strides = array<i32>} : memref<16x768xf32, #tpu.memory_space<vmem>>, vector<1x16xf32>,
        %swap3A_556 = arith.index_cast %scan3A_128 : i32 to index
        %swap3A_557 = arith.constant 592 : index
        %swap3A_558 = tpu.vector_load %arg10[%swap3A_556, %swap3A_557] {strides = array<i32>} : memref<16x768xf32, #tpu.memory_space<vmem>>, vector<1x16xf32>,
        %swap3A_559 = vector.shape_cast %swap3A_558 : vector<1x16xf32> to vector<16xf32>
        %swap3A_560 = vector.shape_cast %get3A_480 : vector<16xf32> to vector<1x16xf32>
        tpu.vector_store %arg10[%swap3A_556, %swap3A_557], %swap3A_560 {add = true, strides = array<i32>} : memref<16x768xf32, #tpu.memory_space<vmem>>, vector<1x16xf32>,
        %swap3A_561 = arith.index_cast %scan3A_128 : i32 to index
        %swap3A_562 = arith.constant 608 : index
        %swap3A_563 = tpu.vector_load %arg10[%swap3A_561, %swap3A_562] {strides = array<i32>} : memref<16x768xf32, #tpu.memory_space<vmem>>, vector<1x16xf32>,
        %swap3A_564 = vector.shape_cast %swap3A_563 : vector<1x16xf32> to vector<16xf32>
        %swap3A_565 = vector.shape_cast %get3A_485 : vector<16xf32> to vector<1x16xf32>
        tpu.vector_store %arg10[%swap3A_561, %swap3A_562], %swap3A_565 {add = true, strides = array<i32>} : memref<16x768xf32, #tpu.memory_space<vmem>>, vector<1x16xf32>,
        %swap3A_566 = arith.index_cast %scan3A_128 : i32 to index
        %swap3A_567 = arith.constant 624 : index
        %swap3A_568 = tpu.vector_load %arg10[%swap3A_566, %swap3A_567] {strides = array<i32>} : memref<16x768xf32, #tpu.memory_space<vmem>>, vector<1x16xf32>,
        %swap3A_569 = vector.shape_cast %swap3A_568 : vector<1x16xf32> to vector<16xf32>
        %swap3A_570 = vector.shape_cast %get3A_490 : vector<16xf32> to vector<1x16xf32>
        tpu.vector_store %arg10[%swap3A_566, %swap3A_567], %swap3A_570 {add = true, strides = array<i32>} : memref<16x768xf32, #tpu.memory_space<vmem>>, vector<1x16xf32>,
        %swap3A_571 = arith.index_cast %scan3A_128 : i32 to index
        %swap3A_572 = arith.constant 640 : index
        %swap3A_573 = tpu.vector_load %arg10[%swap3A_571, %swap3A_572] {strides = array<i32>} : memref<16x768xf32, #tpu.memory_space<vmem>>, vector<1x16xf32>,
        %swap3A_574 = vector.shape_cast %swap3A_573 : vector<1x16xf32> to vector<16xf32>
        %swap3A_575 = vector.shape_cast %get3A_495 : vector<16xf32> to vector<1x16xf32>
        tpu.vector_store %arg10[%swap3A_571, %swap3A_572], %swap3A_575 {add = true, strides = array<i32>} : memref<16x768xf32, #tpu.memory_space<vmem>>, vector<1x16xf32>,
        %swap3A_576 = arith.index_cast %scan3A_128 : i32 to index
        %swap3A_577 = arith.constant 656 : index
        %swap3A_578 = tpu.vector_load %arg10[%swap3A_576, %swap3A_577] {strides = array<i32>} : memref<16x768xf32, #tpu.memory_space<vmem>>, vector<1x16xf32>,
        %swap3A_579 = vector.shape_cast %swap3A_578 : vector<1x16xf32> to vector<16xf32>
        %swap3A_580 = vector.shape_cast %get3A_500 : vector<16xf32> to vector<1x16xf32>
        tpu.vector_store %arg10[%swap3A_576, %swap3A_577], %swap3A_580 {add = true, strides = array<i32>} : memref<16x768xf32, #tpu.memory_space<vmem>>, vector<1x16xf32>,
        %swap3A_581 = arith.index_cast %scan3A_128 : i32 to index
        %swap3A_582 = arith.constant 672 : index
        %swap3A_583 = tpu.vector_load %arg10[%swap3A_581, %swap3A_582] {strides = array<i32>} : memref<16x768xf32, #tpu.memory_space<vmem>>, vector<1x16xf32>,
        %swap3A_584 = vector.shape_cast %swap3A_583 : vector<1x16xf32> to vector<16xf32>
        %swap3A_585 = vector.shape_cast %get3A_505 : vector<16xf32> to vector<1x16xf32>
        tpu.vector_store %arg10[%swap3A_581, %swap3A_582], %swap3A_585 {add = true, strides = array<i32>} : memref<16x768xf32, #tpu.memory_space<vmem>>, vector<1x16xf32>,
        %swap3A_586 = arith.index_cast %scan3A_128 : i32 to index
        %swap3A_587 = arith.constant 688 : index
        %swap3A_588 = tpu.vector_load %arg10[%swap3A_586, %swap3A_587] {strides = array<i32>} : memref<16x768xf32, #tpu.memory_space<vmem>>, vector<1x16xf32>,
        %swap3A_589 = vector.shape_cast %swap3A_588 : vector<1x16xf32> to vector<16xf32>
        %swap3A_590 = vector.shape_cast %get3A_510 : vector<16xf32> to vector<1x16xf32>
        tpu.vector_store %arg10[%swap3A_586, %swap3A_587], %swap3A_590 {add = true, strides = array<i32>} : memref<16x768xf32, #tpu.memory_space<vmem>>, vector<1x16xf32>,
        %swap3A_591 = arith.index_cast %scan3A_128 : i32 to index
        %swap3A_592 = arith.constant 704 : index
        %swap3A_593 = tpu.vector_load %arg10[%swap3A_591, %swap3A_592] {strides = array<i32>} : memref<16x768xf32, #tpu.memory_space<vmem>>, vector<1x16xf32>,
        %swap3A_594 = vector.shape_cast %swap3A_593 : vector<1x16xf32> to vector<16xf32>
        %swap3A_595 = vector.shape_cast %get3A_515 : vector<16xf32> to vector<1x16xf32>
        tpu.vector_store %arg10[%swap3A_591, %swap3A_592], %swap3A_595 {add = true, strides = array<i32>} : memref<16x768xf32, #tpu.memory_space<vmem>>, vector<1x16xf32>,
        %swap3A_596 = arith.index_cast %scan3A_128 : i32 to index
        %swap3A_597 = arith.constant 720 : index
        %swap3A_598 = tpu.vector_load %arg10[%swap3A_596, %swap3A_597] {strides = array<i32>} : memref<16x768xf32, #tpu.memory_space<vmem>>, vector<1x16xf32>,
        %swap3A_599 = vector.shape_cast %swap3A_598 : vector<1x16xf32> to vector<16xf32>
        %swap3A_600 = vector.shape_cast %get3A_520 : vector<16xf32> to vector<1x16xf32>
        tpu.vector_store %arg10[%swap3A_596, %swap3A_597], %swap3A_600 {add = true, strides = array<i32>} : memref<16x768xf32, #tpu.memory_space<vmem>>, vector<1x16xf32>,
        %swap3A_601 = arith.index_cast %scan3A_128 : i32 to index
        %swap3A_602 = arith.constant 736 : index
        %swap3A_603 = tpu.vector_load %arg10[%swap3A_601, %swap3A_602] {strides = array<i32>} : memref<16x768xf32, #tpu.memory_space<vmem>>, vector<1x16xf32>,
        %swap3A_604 = vector.shape_cast %swap3A_603 : vector<1x16xf32> to vector<16xf32>
        %swap3A_605 = vector.shape_cast %get3A_525 : vector<16xf32> to vector<1x16xf32>
        tpu.vector_store %arg10[%swap3A_601, %swap3A_602], %swap3A_605 {add = true, strides = array<i32>} : memref<16x768xf32, #tpu.memory_space<vmem>>, vector<1x16xf32>,
        %swap3A_606 = arith.index_cast %scan3A_128 : i32 to index
        %swap3A_607 = arith.constant 752 : index
        %swap3A_608 = tpu.vector_load %arg10[%swap3A_606, %swap3A_607] {strides = array<i32>} : memref<16x768xf32, #tpu.memory_space<vmem>>, vector<1x16xf32>,
        %swap3A_609 = vector.shape_cast %swap3A_608 : vector<1x16xf32> to vector<16xf32>
        %swap3A_610 = vector.shape_cast %get3A_530 : vector<16xf32> to vector<1x16xf32>
        tpu.vector_store %arg10[%swap3A_606, %swap3A_607], %swap3A_610 {add = true, strides = array<i32>} : memref<16x768xf32, #tpu.memory_space<vmem>>, vector<1x16xf32>,
      }
      %scan3A_114 = arith.constant 13 : i32
      %dma_start3A_115 = arith.constant 64 : i32
      %dma_start3A_116 = arith.constant 0 : i32
      %dma_start3A_117 = tpu.memref_slice %arg5[%add3A_48, %dma_start3A_115, %dma_start3A_116] : memref<4096x80x768xf32, #tpu.memory_space<hbm>> -> memref<1x16x768xf32, #tpu.memory_space<hbm>>
      %dma_start3A_118 = tpu.memref_squeeze %dma_start3A_117 : memref<1x16x768xf32, #tpu.memory_space<hbm>> -> memref<16x768xf32, #tpu.memory_space<hbm>>
      %dma_start3A_119 = arith.constant 64 : i32
      %dma_start3A_120 = arith.constant 0 : i32
      %dma_start3A_121 = tpu.memref_slice %arg5[%add3A_48, %dma_start3A_119, %dma_start3A_120] : memref<4096x80x768xf32, #tpu.memory_space<hbm>> -> memref<1x16x768xf32, #tpu.memory_space<hbm>>
      %dma_start3A_122 = tpu.memref_squeeze %dma_start3A_121 : memref<1x16x768xf32, #tpu.memory_space<hbm>> -> memref<16x768xf32, #tpu.memory_space<hbm>>
      tpu.enqueue_dma source(%arg10 : memref<16x768xf32, #tpu.memory_space<vmem>>) target(%dma_start3A_122 : memref<16x768xf32, #tpu.memory_space<hbm>>) target_semaphore(%arg16 : memref<!tpu.dma_semaphore, #tpu.memory_space<semaphore_mem>>)
      %lt3A_123 = arith.constant 127 : i32
      %lt3A_124 = arith.cmpi slt, %scan3A_45, %lt3A_123 : i32
      %convert_element_type3A_125 = arith.extui %lt3A_124 : i1 to i32
      %cond3A_126 = arith.constant 0 : i32
      %cond3A_127 = arith.cmpi ne, %convert_element_type3A_125, %cond3A_126 : i32
      scf.if %cond3A_127 {
        %dma_wait3A_128 = arith.constant 0 : i32
        %dma_wait3A_129 = arith.constant 32 : i32
        %dma_wait3A_130 = arith.constant 0 : i32
        %dma_wait3A_131 = tpu.memref_slice %arg5[%dma_wait3A_128, %dma_wait3A_129, %dma_wait3A_130] : memref<4096x80x768xf32, #tpu.memory_space<hbm>> -> memref<1x32x768xf32, #tpu.memory_space<hbm>>
        %dma_wait3A_132 = tpu.memref_squeeze %dma_wait3A_131 : memref<1x32x768xf32, #tpu.memory_space<hbm>> -> memref<32x768xf32, #tpu.memory_space<hbm>>
        %dma_wait3A_133 = arith.constant 32 : i32
        %dma_wait3A_134 = arith.constant 0 : i32
        %dma_wait3A_135 = tpu.memref_slice %arg5[%dma_wait3A_128, %dma_wait3A_133, %dma_wait3A_134] : memref<4096x80x768xf32, #tpu.memory_space<hbm>> -> memref<1x32x768xf32, #tpu.memory_space<hbm>>
        %dma_wait3A_136 = tpu.memref_squeeze %dma_wait3A_135 : memref<1x32x768xf32, #tpu.memory_space<hbm>> -> memref<32x768xf32, #tpu.memory_space<hbm>>
        tpu.wait_dma2 semaphore(%arg15 : memref<!tpu.dma_semaphore, #tpu.memory_space<semaphore_mem>>) src(%arg9 : memref<32x768xf32, #tpu.memory_space<vmem>>) dst(%dma_wait3A_136 : memref<32x768xf32, #tpu.memory_space<hbm>>)
        %add3A_137 = arith.constant 1 : i32
        %add3A_138 = arith.addi %scan3A_45, %add3A_137 : i32
        %mul3A_139 = arith.constant 80 : i32
        %mul3A_140 = arith.muli %add3A_138, %mul3A_139 : i32
        %add3A_141 = arith.constant 32 : i32
        %add3A_142 = arith.addi %mul3A_140, %add3A_141 : i32
        %dma_start3A_143 = tpu.memref_slice %arg6[%add3A_142] : memref<10240xi32, #tpu.memory_space<vmem>> -> memref<32xi32, #tpu.memory_space<vmem>>
        %dma_start3A_144 = arith.constant 0 : i32
        %dma_start3A_145 = arith.constant 0 : i32
        %dma_start3A_146 = tpu.memref_slice %arg3[%dma_start3A_144, %dma_start3A_145] : memref<49408x768xf32, #tpu.memory_space<hbm>> -> memref<49408x768xf32, #tpu.memory_space<hbm>>
        tpu.enqueue_indirect_dma source(%dma_start3A_146 : memref<49408x768xf32, #tpu.memory_space<hbm>>) target(%arg9 : memref<32x768xf32, #tpu.memory_space<vmem>>) offsets(%dma_start3A_143 : memref<32xi32, #tpu.memory_space<vmem>>) semaphore(%arg12 : memref<!tpu.dma_semaphore, #tpu.memory_space<semaphore_mem>>)
      } else {
      }
    }
    %scan3A_18 = arith.constant 128 : i32
    %dma_wait3A = arith.constant 0 : i32
    %dma_wait3A_19 = arith.constant 0 : i32
    %dma_wait3A_20 = arith.constant 0 : i32
    %dma_wait3A_21 = tpu.memref_slice %arg5[%dma_wait3A, %dma_wait3A_19, %dma_wait3A_20] : memref<4096x80x768xf32, #tpu.memory_space<hbm>> -> memref<1x32x768xf32, #tpu.memory_space<hbm>>
    %dma_wait3A_22 = tpu.memref_squeeze %dma_wait3A_21 : memref<1x32x768xf32, #tpu.memory_space<hbm>> -> memref<32x768xf32, #tpu.memory_space<hbm>>
    %dma_wait3A_23 = arith.constant 0 : i32
    %dma_wait3A_24 = arith.constant 0 : i32
    %dma_wait3A_25 = tpu.memref_slice %arg5[%dma_wait3A, %dma_wait3A_23, %dma_wait3A_24] : memref<4096x80x768xf32, #tpu.memory_space<hbm>> -> memref<1x32x768xf32, #tpu.memory_space<hbm>>
    %dma_wait3A_26 = tpu.memref_squeeze %dma_wait3A_25 : memref<1x32x768xf32, #tpu.memory_space<hbm>> -> memref<32x768xf32, #tpu.memory_space<hbm>>
    tpu.wait_dma2 semaphore(%arg14 : memref<!tpu.dma_semaphore, #tpu.memory_space<semaphore_mem>>) src(%arg8 : memref<32x768xf32, #tpu.memory_space<vmem>>) dst(%dma_wait3A_26 : memref<32x768xf32, #tpu.memory_space<hbm>>)
    %dma_wait3A_27 = arith.constant 0 : i32
    %dma_wait3A_28 = arith.constant 32 : i32
    %dma_wait3A_29 = arith.constant 0 : i32
    %dma_wait3A_30 = tpu.memref_slice %arg5[%dma_wait3A_27, %dma_wait3A_28, %dma_wait3A_29] : memref<4096x80x768xf32, #tpu.memory_space<hbm>> -> memref<1x32x768xf32, #tpu.memory_space<hbm>>
    %dma_wait3A_31 = tpu.memref_squeeze %dma_wait3A_30 : memref<1x32x768xf32, #tpu.memory_space<hbm>> -> memref<32x768xf32, #tpu.memory_space<hbm>>
    %dma_wait3A_32 = arith.constant 32 : i32
    %dma_wait3A_33 = arith.constant 0 : i32
    %dma_wait3A_34 = tpu.memref_slice %arg5[%dma_wait3A_27, %dma_wait3A_32, %dma_wait3A_33] : memref<4096x80x768xf32, #tpu.memory_space<hbm>> -> memref<1x32x768xf32, #tpu.memory_space<hbm>>
    %dma_wait3A_35 = tpu.memref_squeeze %dma_wait3A_34 : memref<1x32x768xf32, #tpu.memory_space<hbm>> -> memref<32x768xf32, #tpu.memory_space<hbm>>
    tpu.wait_dma2 semaphore(%arg15 : memref<!tpu.dma_semaphore, #tpu.memory_space<semaphore_mem>>) src(%arg9 : memref<32x768xf32, #tpu.memory_space<vmem>>) dst(%dma_wait3A_35 : memref<32x768xf32, #tpu.memory_space<hbm>>)
    %dma_wait3A_36 = arith.constant 0 : i32
    %dma_wait3A_37 = arith.constant 64 : i32
    %dma_wait3A_38 = arith.constant 0 : i32
    %dma_wait3A_39 = tpu.memref_slice %arg5[%dma_wait3A_36, %dma_wait3A_37, %dma_wait3A_38] : memref<4096x80x768xf32, #tpu.memory_space<hbm>> -> memref<1x16x768xf32, #tpu.memory_space<hbm>>
    %dma_wait3A_40 = tpu.memref_squeeze %dma_wait3A_39 : memref<1x16x768xf32, #tpu.memory_space<hbm>> -> memref<16x768xf32, #tpu.memory_space<hbm>>
    %dma_wait3A_41 = arith.constant 64 : i32
    %dma_wait3A_42 = arith.constant 0 : i32
    %dma_wait3A_43 = tpu.memref_slice %arg5[%dma_wait3A_36, %dma_wait3A_41, %dma_wait3A_42] : memref<4096x80x768xf32, #tpu.memory_space<hbm>> -> memref<1x16x768xf32, #tpu.memory_space<hbm>>
    %dma_wait3A_44 = tpu.memref_squeeze %dma_wait3A_43 : memref<1x16x768xf32, #tpu.memory_space<hbm>> -> memref<16x768xf32, #tpu.memory_space<hbm>>
    tpu.wait_dma2 semaphore(%arg16 : memref<!tpu.dma_semaphore, #tpu.memory_space<semaphore_mem>>) src(%arg10 : memref<16x768xf32, #tpu.memory_space<vmem>>) dst(%dma_wait3A_44 : memref<16x768xf32, #tpu.memory_space<hbm>>)
    return
  }
}

</mosaic_0001>

<sc_bundles>
// kernel: kernel.3.cloned.1.call-start
scs
__scs_entry_jumppad:
0x0: {  	(pc) =	sbr.rel $0x88, $3  }
0x1: {  	(tag) =	ssettag $0x0;
	lr =	simm.s32 $0x1  }
0x2: {  	[smem:$0x3F9E] =	sst lr;
	_ =	strace $0xD0000000  }
0x3: {  	_ = 	snop  }
0x4: {  	_ = 	snop  }
0x5: {  	_ = 	snop  }
0x6: {  	_ = 	snop  }
0x7: {  	_ = 	snop  }
__scs_overlays_trampoline_lowered:
0x8: {  	[smem:$0x3FAD] =	sst s0  }
0x9: {  	[smem:$0x3FAE] =	sst s1  }
0xa: {  	[smem:$0x3FAF] =	sst s2  }
0xb: {  	[smem:$0x3FB0] =	sst s3  }
0xc: {  	[smem:$0x3FB1] =	sst s4  }
0xd: {  	[smem:$0x3FB2] =	sst s5  }
0xe: {  	[smem:$0x3FB3] =	sst s6  }
0xf: {  	[smem:$0x3FB4] =	sst s7  }
0x10: {  	[smem:$0x3FB5] =	sst s8  }
0x11: {  	[smem:$0x3FB6] =	sst s9;
	s0 =	simm.s32 @!p0 $0x0  }
0x12: {  	s1 =	sld [smem:$0x3F9C];
	s0 =	simm.s32 @p0 $0x1  }
0x13: {  	[smem:$0x3FB7] =	sst s0;
	s0 =	simm.s32 @!p1 $0x0  }
0x14: {  	s2 =	sld [smem:$0x3F9B];
	s0 =	simm.s32 @p1 $0x1  }
0x15: {  	[smem:$0x3FB8] =	sst s0;
	s0 =	simm.s32 @!p2 $0x0  }
0x16: {  	s3 =	sld [smem:$0x3FDB];
	s0 =	simm.s32 @p2 $0x1  }
0x17: {  	s4 =	simm.s32 $0x1BF5;
	[smem:$0x3FBA] =	sst s0  }
0x18: {  	s0 =	sld [smem:$0x3F9D];
	_ =	swait.ge [sflag:s4], $0x0  }
0x19: {  	s7 =	sld [smem:$0x3F9E]  }
0x1a: {  	s8 =	sadd.s32 $0xFFFFE003, lr  }
0x1b: {  	s9 =	sadd.s32 $0xFFFFFEF7, lr;
	s5 =	simm.s32 $0xFFFFFFFF;
	p2 =	slt.u32 s8, $0xFFFFF086  }
0x1c: {  	p1 =	slt.u32 s9, $0xF7A;
	s5 =	simm.s32 @!p2 $0x0  }
0x1d: {  	s5 =	simm.s32 @p1 $0x1;
	p0 =	seq.s32 s7, s2  }
0x1e: {  	s7 =	smul.u32 @!p0 $0xF7A, s2;
	p2 =	seq.s32 @!p0 s5, $0x0  }
0x1f: {  	s9 =	smul.u32 $0xF7A, s1;
	s8 =	simm.s32 @!p0 $0x1BF5;
	p2 =	por !p2, p0  }
0x20: {  	[sflag:s8] =	ssyncset.s32 @!p0 $0xFFFFF086;
	s6 =	sadd.s32 @!p0 s3, s7;
	s7 =	simm.s32 @!p0 $0x108  }
0x21: {  	s3 =	sadd.s32 s3, s9;
	s6 =	sadd.s32 @!p0 $0x88, s6;
	s7 =	simm.s32 @p2 $0x1082  }
0x22: {  	[simem:s7], [sflag:s8] =	dma.local @!p0 [hbm:s6], $0xF7A  }
0x23: {  	s9 =	sor.u32 $0xD0000000, s2;
	s6 =	simm.s32 $0x108;
	_ =	swait.ge @!p0 [sflag:s8], $0x0  }
0x24: {  	s3 =	sadd.s32 $0x88, s3;
	s6 =	simm.s32 @!p1 $0x1082;
	[sflag:s4] =	ssyncset.s32 $0xFFFFF086  }
0x25: {  	[simem:s6], [sflag:s4] =	dma.local [hbm:s3], $0xF7A  }
0x26: {  	[smem:$0x3F9E] =	sst s1;
	(tag) =	ssettag s2;
	_ =	strace s9  }
0x27: {  	s1 =	sld [smem:$0x3FAE]  }
0x28: {  	s2 =	sld [smem:$0x3FAF]  }
0x29: {  	s4 =	sld [smem:$0x3FB1]  }
0x2a: {  	p0 =	seq.s32 s5, $0x0;
	s5 =	sld [smem:$0x3FB2]  }
0x2b: {  	s6 =	sld [smem:$0x3FB3]  }
0x2c: {  	s7 =	sld [smem:$0x3FB4]  }
0x2d: {  	s3 =	simm.s32 $0x108;
	s8 =	sld [smem:$0x3FB5]  }
0x2e: {  	s3 =	simm.s32 @!p0 $0x1082;
	s9 =	sld [smem:$0x3FB6]  }
0x2f: {  	lr =	sadd.s32 s0, s3;
	s0 =	sld [smem:$0x3FAD]  }
0x30: {  	s3 =	sld [smem:$0x3FB0]  }
0x31: {  	[smem:$0x3FB9] =	sst s10  }
0x32: {  	s10 =	sld [smem:$0x3FB7];
	_ =	sdelay $0x3  }
0x33: {  	p0 =	seq.s32 s10, $0x1;
	s10 =	sld [smem:$0x3FB9];
	_ =	sdelay $0x3  }
0x34: {  	[smem:$0x3FB9] =	sst s10  }
0x35: {  	s10 =	sld [smem:$0x3FB8];
	_ =	sdelay $0x3  }
0x36: {  	p1 =	seq.s32 s10, $0x1;
	s10 =	sld [smem:$0x3FB9];
	_ =	sdelay $0x3  }
0x37: {  	[smem:$0x3FB9] =	sst s10  }
0x38: {  	s10 =	sld [smem:$0x3FBA]  }
0x39: {  	_ = 	snop;
	(pc) =	sbr.ind lr, $3  }
0x3a: {  	_ = 	snop  }
0x3b: {  	_ = 	snop  }
0x3c: {  	p2 =	seq.s32 s10, $0x1;
	s10 =	sld [smem:$0x3FB9]  }
0x3d: {  	_ =	shalt  }
0x3e: {  	_ =	shalt  }
0x3f: {  	_ =	shalt  }
0x40: {  	_ =	shalt  }
0x41: {  	_ =	shalt  }
0x42: {  	_ =	shalt  }
0x43: {  	_ =	shalt  }
0x44: {  	_ =	shalt  }
0x45: {  	_ =	shalt  }
0x46: {  	_ =	shalt  }
0x47: {  	_ =	shalt  }
0x48: {  	_ =	shalt  }
0x49: {  	_ =	shalt  }
0x4a: {  	_ =	shalt  }
0x4b: {  	_ =	shalt  }
0x4c: {  	_ =	shalt  }
0x4d: {  	_ =	shalt  }
0x4e: {  	_ =	shalt  }
0x4f: {  	_ =	shalt  }
0x50: {  	_ =	shalt  }
0x51: {  	_ =	shalt  }
0x52: {  	_ =	shalt  }
0x53: {  	_ =	shalt  }
0x54: {  	_ =	shalt  }
0x55: {  	_ =	shalt  }
0x56: {  	_ =	shalt  }
0x57: {  	_ =	shalt  }
0x58: {  	_ =	shalt  }
0x59: {  	_ =	shalt  }
0x5a: {  	_ =	shalt  }
0x5b: {  	_ =	shalt  }
0x5c: {  	_ =	shalt  }
0x5d: {  	_ =	shalt  }
0x5e: {  	_ =	shalt  }
0x5f: {  	_ =	shalt  }
0x60: {  	_ =	shalt  }
0x61: {  	_ =	shalt  }
0x62: {  	_ =	shalt  }
0x63: {  	_ =	shalt  }
0x64: {  	_ =	shalt  }
0x65: {  	_ =	shalt  }
0x66: {  	_ =	shalt  }
0x67: {  	_ =	shalt  }
0x68: {  	_ =	shalt  }
0x69: {  	_ =	shalt  }
0x6a: {  	_ =	shalt  }
0x6b: {  	_ =	shalt  }
0x6c: {  	_ =	shalt  }
0x6d: {  	_ =	shalt  }
0x6e: {  	_ =	shalt  }
0x6f: {  	_ =	shalt  }
0x70: {  	_ =	shalt  }
0x71: {  	_ =	shalt  }
0x72: {  	_ =	shalt  }
0x73: {  	_ =	shalt  }
0x74: {  	_ =	shalt  }
0x75: {  	_ =	shalt  }
0x76: {  	_ =	shalt  }
0x77: {  	_ =	shalt  }
0x78: {  	_ =	shalt  }
0x79: {  	_ =	shalt  }
0x7a: {  	_ =	shalt  }
0x7b: {  	_ =	shalt  }
0x7c: {  	_ =	shalt  }
0x7d: {  	_ =	shalt  }
0x7e: {  	_ =	shalt  }
0x7f: {  	_ =	shalt  }
0x80: {  	_ =	shalt  }
0x81: {  	_ =	shalt  }
0x82: {  	_ =	shalt  }
0x83: {  	_ =	shalt  }
0x84: {  	_ =	shalt  }
0x85: {  	_ =	shalt  }
0x86: {  	_ =	shalt  }
0x87: {  	_ =	shalt  }
.Lfunc_end0:
.L_simem_size_0:
called_computation.1_lowered:
.L_overlay_start_0:
0x88: {  	s2 =	sld [smem:$0x3FD9]  }
0x89: {  	s3 =	sld [smem:$0x3FFE];
	_ =	sdelay $0x1  }
0x8a: {  	s1 =	srdreg.scid  }
0x8b: {  	s0 =	sand.u32 $0x1, s1  }
0x8c: {  	s17 =	sshll.u32 s0, $0xA;
	s2 =	sadd.s32 s3, s2  }
0x8d: {  	s2 =	sadd.s32 s2, s17  }
0x8e: {  	[smem:$0x3FC5] =	sst s2  }
0x8f: {  	_ = 	snop  }
0x90: {  	s2 =	sld [smem:$0x3FC8]  }
0x91: {  	s18 =	sld [smem:$0x3FD0];
	(tm) =	ssettm $0x1  }
0x92: {  	s4 =	sld [smem:$0x3FFB];
	_ =	sdelay $0x3  }
0x93: {  	_ =	strace s4  }
0x94: {  	s4 =	sld [smem:$0x3FFC];
	_ =	sdelay $0x3  }
0x95: {  	_ =	strace s4  }
0x96: {  	s4 =	sld [smem:$0x3FFD];
	_ =	sdelay $0x3  }
0x97: {  	_ =	strace s4  }
0x98: {  	_ =	strace $0x8FFFFFFF  }
0x99: {  	s19 =	sld [smem:$0x3FDB];
	_ =	sdelay $0x1  }
0x9a: {  	s5 =	simm.s32 $_scs_section_size  }
0x9b: {  	s6 =	simm.s32 $_size__tile_overlayer_lowered;
	s7 =	simm.s32 $_tile_overlayer_lowered  }
0x9c: {  	s22 =	simm.s32 $0x1BFF;
	s21 =	sshll.u32 s7, $0x1;
	s4 =	sadd.s32 s5, s19  }
0x9d: {  	s8 =	simm.s32 $0x0;
	s20 =	sshll.u32 s6, $0x1;
	s6 =	sadd.s32 s21, s4  }
0x9e: {  	[timem:s8], [sflag:s22] =	dma.local [hbm:s6], s20  }
0x9f: {  	_ =	swait.ge [sflag:s22], s20  }
0xa0: {  	s5 =	ssub.s32 $0x0, s20;
	[sflag:s22] =	ssyncset.done $0x0  }
0xa1: {  	[sflag:s22] =	ssyncadd.s32 s5;
	_ =	sdelay $0x1  }
0xa2: {  	s23 =	simm.s32 $0x1B8B  }
0xa3: {  	_ =	swait.ge [sflag:s23], $0x1  }
0xa4: {  	[sflag:s23] =	ssyncset.done $0x0  }
0xa5: {  	s25 =	simm.s32 $0x1B8E;
	s24 =	sld [smem:$0x3FFE];
	[sflag:s23] =	ssyncadd.s32 $0xFFFFFFFF  }
0xa6: {  	s26 =	simm.s32 $execute0_lowered;
	[smem:$0x3FD2] =	sst s25  }
0xa7: {  	s6 =	sshll.u32 s26, $0x1;
	_ =	strace $0x80000046;
	[dreg:$0x1] =	wrdreg $0xFFFFFFFF  }
0xa8: {  	s28 =	simm.s32 $_size_execute0_lowered;
	s4 =	sadd.s32 s4, s6;
	[dreg:$0x0] =	wrdreg $0x0  }
0xa9: {  	s6 =	sshll.u32 s28, $0x1;
	[dreg:$0x2] =	wrdreg s4  }
0xaa: {  	[dreg:$0x3] =	wrdreg s6  }
0xab: {  	[dreg:$0x4] =	wrdreg $0xC0  }
0xac: {  	_ =	task [dreg:s8], $0x5FFFF  }
0xad: {  	[dreg:$0x1] =	wrdreg $0xFFFFFFFF  }
0xae: {  	[dreg:$0x0] =	wrdreg $0x60  }
0xaf: {  	[dreg:$0x2] =	wrdreg s18  }
0xb0: {  	[dreg:$0x3] =	wrdreg s2  }
0xb1: {  	[dreg:$0x4] =	wrdreg s24  }
0xb2: {  	[dreg:$0x5] =	wrdreg $0x9  }
0xb3: {  	_ =	task.clear_ibuf [dreg:s8], $0x6FFFF;
	_ =	strace $0x90000046  }
0xb4: {  	s29 =	simm.s32 $0x9;
	_ =	strace $0x80000048  }
0xb5: {  	_ =	swait.ge [sflag:s29], $0x1  }
0xb6: {  	[sflag:s29] =	ssyncadd.s32 $0xFFFFFFFF  }
0xb7: {  	_ =	strace $0x90000048  }
0xb8: {  	_ =	sfence  }
0xb9: {  	s30 =	sld [smem:$0x0];
	_ =	sdelay $0x2  }
0xba: {  	s31 =	sshll.u32 s1, $0xD;
	s1 =	sshrl.u32 s1, $0x2  }
0xbb: {  	s3 =	sand.u32 $0x4000, s31;
	s1 =	sadd.s32 s1, s30  }
0xbc: {  	s0 =	sor.u32 s3, s0;
	s1 =	sshll.u32 s1, $0x11  }
0xbd: {  	s0 =	sor.u32 s1, s0  }
0xbe: {  	s0 =	sadd.s32 $0x8F2B, s0  }
0xbf: {  	[sflag:s0] =	ssyncadd.remote.s32 $0x1  }
0xc0: {  	_ =	sfence.sel $0xFFFF  }
0xc1: {  	[dreg:$0x0] =	wrdreg $0xFFFFFFFF;
	(pc) =	sbr.abs _section_cstart, $3  }
0xc2: {  	[dreg:$0x1] =	wrdreg $0xFFFFFFFF  }
0xc3: {  	_ =	task.clear_ibuf [dreg:s8], $0x2FFFF;
	_ =	strace $0x9FFFFFFF  }
0xc4: {  	(tm) =	ssettm $0x7FFFFFFF  }
0xc5: {  	_ =	shalt  }
tec
execute0_lowered:
.L_overlay_start_1:
0x0: {  	(tag) =	ssettag $0x1  }
0x1: {  	s0 =	rddreg [dreg:$0x0]  }
0x2: {  	s2 =	rddreg [dreg:$0x1]  }
0x3: {  	s1 =	rddreg [dreg:$0x2];
	s4 =	srdreg.scid  }
0x4: {  	s5 =	stileid.u32;
	s3 =	simm.s32 $0x0;
	s13 =	simm.s32 $0x10F00  }
0x5: {  	s25 =	simm.s32 $0x16F00;
	s17 =	simm.s32 $0x1;
	s18 =	simm.s32 $0x1CF00  }
0x6: {  	s24 =	simm.s32 $0x2;
	s4 =	sand.u32 $0x1, s4;
	s5 =	sshll.u32 s5, $0x1  }
0x7: {  	s10 =	simm.s32 $0x5;
	[smem:$0x7FF] =	sst s3;
	s6 =	sor.u32 s4, s5  }
0x8: {  	s29 =	sadd.s32 $0x800, s1;
	s8 =	sadd.s32 $0x200, s2;
	s7 =	smul.u32 $0x500, s6  }
.Ltmp0:
0x9: {  	_ =	strace $0x80000047;
	s4 =	ssub.s32 $0x2, s4;
	(pc) =	sbr.rel .LBB2_1-.Ltmp0, $4  }
0xa: {  	[dreg:$0x4] =	wrdreg s29;
	s5 =	sadd.s32 $0x2600, s1;
	s30 =	sshrl.u32 s4, $0x1  }
0xb: {  	v2 =	vlaneseq.u32;
	s9 =	sshll.u32 s6, $0x7;
	s1 =	ssub.s32 s4, s30;
	s0 =	sadd.s32 s0, s7  }
0xc: {  	vm0 =	vmmov $0xffff;
	v1 =	vshrl.u32 v2, $0x3;
	s6 =	simm.s32 $0x0;
	s31 =	smax.u32 s1, $0x1;
	[dreg:$0x5] =	wrdreg s0  }
0xd: {  	v0 =	vand.u32 $0x7, v2;
	v2 =	vor.u32 $0x8, v2;
	v1 =	vmul.u32 $0x8, v1;
	s4 =	simm.s32 $0x3;
	s7 =	sadd.s32 $0x100, s2;
	[dreg:$0x6] =	wrdreg s31  }
.LBB2_10:
0xe: {  	s0 =	simm.s32 $0x4  }
0xf: {  	_ =	swait.ge [sflag:s0], $0x6000  }
0x10: {  	[sflag:s0] =	ssyncset.done $0x0  }
0x11: {  	[sflag:s0] =	ssyncadd.s32 $0xFFFFA000  }
0x12: {  	_ =	swait.ge [sflag:s10], $0x6000  }
0x13: {  	[sflag:s10] =	ssyncset.done $0x0  }
0x14: {  	s1 =	simm.s32 $0x6;
	[sflag:s10] =	ssyncadd.s32 $0xFFFFA000  }
0x15: {  	_ =	swait.ge [sflag:s1], $0x3000  }
0x16: {  	s6 =	rddreg [dreg:$0x7]  }
0x17: {  	s31 =	rddreg [dreg:$0x6];
	s6 =	sadd.s32 $0x1, s6  }
0x18: {  	p0 =	sne.s32 s6, s31  }
.Ltmp1:
0x19: {  	_ = 	snop;
	(pc) =	sbr.rel @!p0 .LBB2_11-.Ltmp1, $3  }
0x1a: {  	_ =	sdelay $0x1  }
0x1b: {  	[sflag:s1] =	ssyncset.done $0x0  }
0x1c: {  	[sflag:s1] =	ssyncadd.s32 $0xFFFFD000  }
.LBB2_1:
0x1d: {  	[dreg:$0x7] =	wrdreg s6  }
0x1e: {  	s0 =	rddreg [dreg:$0x4];
	s1 =	simm.s32 $0x2800;
	s22 =	simm.s32 $0x7  }
0x1f: {  	[tilespmem:s1], [sflag:$0x7] =	stream.linear.gather [hbm4b:s0+s3], $0xE700, $0x38;
	[tilespmem:$0x1FF00] =	vst v63  }
0x20: {  	_ =	swait.ge [sflag:s22], $0xE700  }
0x21: {  	[sflag:s22] =	ssyncset.done $0x0  }
0x22: {  	s23 =	rddreg [dreg:$0x5];
	[sflag:s22] =	ssyncadd.s32 $0xFFFF1900  }
0x23: {  	[tilespmem:s3], [sflag:$0x7] =	stream.linear.gather [hbm4b:s23+s3], $0x2800, $0x38;
	[tilespmem:$0x1FF00] =	vst v63  }
0x24: {  	_ =	swait.ge [sflag:s22], $0x2800  }
0x25: {  	[sflag:s22] =	ssyncset.done $0x0  }
0x26: {  	[sflag:s22] =	ssyncadd.s32 $0xFFFFD800  }
0x27: {  	v3 =	vld [tilespmem:$0x0];
	_ =	sdelay $0x4  }
0x28: {  	v4 =	vshrl.u32 v3, $0x3  }
0x29: {  	v4 =	vmul.u32 $0x30, v4  }
0x2a: {  	v3 =	vand.u32 $0x7, v3  }
0x2b: {  	v3 =	vor.u32 v3, v4  }
0x2c: {  	v4 =	vperm.xlane v3, v0;
	_ =	sdelay $0x1  }
0x2d: {  	v4 =	vadd.s32 v1, v4;
	_ =	sdelay $0x3  }
0x2e: {  	v3 =	vperm.xlane v3, v2  }
0x2f: {  	[tilespmem:s13], [sflag:$0x1] =	stream.indirect_vreg.gather [hbm4b:s2+s3], $0x80, v4, vm0, $0xb8;
	[tilespmem:$0x1FF00] =	vst v63  }
0x30: {  	s26 =	simm.s32 $0x11700;
	v3 =	vadd.s32 v1, v3  }
0x31: {  	[tilespmem:s26], [sflag:$0x1] =	stream.indirect_vreg.gather [hbm4b:s7+s3], $0x80, v4, vm0, $0xb8;
	[tilespmem:$0x1FF00] =	vst v63  }
0x32: {  	s28 =	simm.s32 $0x11F00  }
0x33: {  	[tilespmem:s28], [sflag:$0x1] =	stream.indirect_vreg.gather [hbm4b:s8+s3], $0x80, v4, vm0, $0xb8;
	[tilespmem:$0x1FF00] =	vst v63  }
0x34: {  	s29 =	simm.s32 $0x12700  }
0x35: {  	[tilespmem:s29], [sflag:$0x1] =	stream.indirect_vreg.gather [hbm4b:s2+s3], $0x80, v3, vm0, $0xb8;
	[tilespmem:$0x1FF00] =	vst v63  }
0x36: {  	s30 =	simm.s32 $0x12F00  }
0x37: {  	[tilespmem:s30], [sflag:$0x1] =	stream.indirect_vreg.gather [hbm4b:s7+s3], $0x80, v3, vm0, $0xb8;
	[tilespmem:$0x1FF00] =	vst v63  }
0x38: {  	s31 =	simm.s32 $0x13700  }
0x39: {  	[tilespmem:s31], [sflag:$0x1] =	stream.indirect_vreg.gather [hbm4b:s8+s3], $0x80, v3, vm0, $0xb8;
	[tilespmem:$0x1FF00] =	vst v63  }
0x3a: {  	v3 =	vld [tilespmem:$0x10];
	_ =	sdelay $0x4  }
0x3b: {  	v61 =	vshrl.u32 v3, $0x3  }
0x3c: {  	v4 =	vmul.u32 $0x30, v61  }
0x3d: {  	v3 =	vand.u32 $0x7, v3  }
0x3e: {  	v3 =	vor.u32 v3, v4  }
0x3f: {  	v4 =	vperm.xlane v3, v0;
	_ =	sdelay $0x1  }
0x40: {  	v4 =	vadd.s32 v1, v4;
	_ =	sdelay $0x3  }
0x41: {  	s1 =	simm.s32 $0x13F00;
	v3 =	vperm.xlane v3, v2  }
0x42: {  	[tilespmem:s1], [sflag:$0x1] =	stream.indirect_vreg.gather [hbm4b:s2+s3], $0x80, v4, vm0, $0xb8;
	[tilespmem:$0x1FF00] =	vst v63  }
0x43: {  	s6 =	simm.s32 $0x14700;
	v3 =	vadd.s32 v1, v3  }
0x44: {  	[tilespmem:s6], [sflag:$0x1] =	stream.indirect_vreg.gather [hbm4b:s7+s3], $0x80, v4, vm0, $0xb8;
	[tilespmem:$0x1FF00] =	vst v63  }
0x45: {  	s11 =	simm.s32 $0x14F00  }
0x46: {  	[tilespmem:s11], [sflag:$0x1] =	stream.indirect_vreg.gather [hbm4b:s8+s3], $0x80, v4, vm0, $0xb8;
	[tilespmem:$0x1FF00] =	vst v63  }
0x47: {  	s12 =	simm.s32 $0x15700  }
0x48: {  	[tilespmem:s12], [sflag:$0x1] =	stream.indirect_vreg.gather [hbm4b:s2+s3], $0x80, v3, vm0, $0xb8;
	[tilespmem:$0x1FF00] =	vst v63  }
0x49: {  	s14 =	simm.s32 $0x15F00  }
0x4a: {  	[tilespmem:s14], [sflag:$0x1] =	stream.indirect_vreg.gather [hbm4b:s7+s3], $0x80, v3, vm0, $0xb8;
	[tilespmem:$0x1FF00] =	vst v63  }
0x4b: {  	s15 =	simm.s32 $0x16700  }
0x4c: {  	[tilespmem:s15], [sflag:$0x1] =	stream.indirect_vreg.gather [hbm4b:s8+s3], $0x80, v3, vm0, $0xb8;
	[tilespmem:$0x1FF00] =	vst v63  }
0x4d: {  	v3 =	vld [tilespmem:$0x20];
	_ =	sdelay $0x4  }
0x4e: {  	v62 =	vshrl.u32 v3, $0x3  }
0x4f: {  	v4 =	vmul.u32 $0x30, v62  }
0x50: {  	v3 =	vand.u32 $0x7, v3  }
0x51: {  	v3 =	vor.u32 v3, v4  }
0x52: {  	v4 =	vperm.xlane v3, v0;
	_ =	sdelay $0x1  }
0x53: {  	v4 =	vadd.s32 v1, v4;
	_ =	sdelay $0x3  }
0x54: {  	v3 =	vperm.xlane v3, v2  }
0x55: {  	[tilespmem:s25], [sflag:$0x2] =	stream.indirect_vreg.gather [hbm4b:s2+s3], $0x80, v4, vm0, $0xb8;
	[tilespmem:$0x1FF00] =	vst v63  }
0x56: {  	s16 =	simm.s32 $0x17700;
	v3 =	vadd.s32 v1, v3  }
0x57: {  	[tilespmem:s16], [sflag:$0x2] =	stream.indirect_vreg.gather [hbm4b:s7+s3], $0x80, v4, vm0, $0xb8;
	[tilespmem:$0x1FF00] =	vst v63  }
0x58: {  	s19 =	simm.s32 $0x17F00  }
0x59: {  	[tilespmem:s19], [sflag:$0x2] =	stream.indirect_vreg.gather [hbm4b:s8+s3], $0x80, v4, vm0, $0xb8;
	[tilespmem:$0x1FF00] =	vst v63  }
0x5a: {  	s20 =	simm.s32 $0x18700  }
0x5b: {  	[tilespmem:s20], [sflag:$0x2] =	stream.indirect_vreg.gather [hbm4b:s2+s3], $0x80, v3, vm0, $0xb8;
	[tilespmem:$0x1FF00] =	vst v63  }
0x5c: {  	s21 =	simm.s32 $0x18F00  }
0x5d: {  	[tilespmem:s21], [sflag:$0x2] =	stream.indirect_vreg.gather [hbm4b:s7+s3], $0x80, v3, vm0, $0xb8;
	[tilespmem:$0x1FF00] =	vst v63  }
0x5e: {  	s22 =	simm.s32 $0x19700  }
0x5f: {  	[tilespmem:s22], [sflag:$0x2] =	stream.indirect_vreg.gather [hbm4b:s8+s3], $0x80, v3, vm0, $0xb8;
	[tilespmem:$0x1FF00] =	vst v63  }
0x60: {  	v3 =	vld [tilespmem:$0x30];
	_ =	sdelay $0x4  }
0x61: {  	v63 =	vshrl.u32 v3, $0x3  }
0x62: {  	v4 =	vmul.u32 $0x30, v63  }
0x63: {  	v3 =	vand.u32 $0x7, v3  }
0x64: {  	v3 =	vor.u32 v3, v4  }
0x65: {  	v4 =	vperm.xlane v3, v0;
	_ =	sdelay $0x1  }
0x66: {  	v4 =	vadd.s32 v1, v4;
	_ =	sdelay $0x3  }
0x67: {  	s23 =	simm.s32 $0x19F00;
	v3 =	vperm.xlane v3, v2  }
0x68: {  	[tilespmem:s23], [sflag:$0x2] =	stream.indirect_vreg.gather [hbm4b:s2+s3], $0x80, v4, vm0, $0xb8;
	[tilespmem:$0x1FF00] =	vst v63  }
0x69: {  	s26 =	simm.s32 $0x1A700;
	v3 =	vadd.s32 v1, v3  }
0x6a: {  	[tilespmem:s26], [sflag:$0x2] =	stream.indirect_vreg.gather [hbm4b:s7+s3], $0x80, v4, vm0, $0xb8;
	[tilespmem:$0x1FF00] =	vst v63  }
0x6b: {  	s28 =	simm.s32 $0x1AF00  }
0x6c: {  	[tilespmem:s28], [sflag:$0x2] =	stream.indirect_vreg.gather [hbm4b:s8+s3], $0x80, v4, vm0, $0xb8;
	[tilespmem:$0x1FF00] =	vst v63  }
0x6d: {  	s29 =	simm.s32 $0x1B700  }
0x6e: {  	[tilespmem:s29], [sflag:$0x2] =	stream.indirect_vreg.gather [hbm4b:s2+s3], $0x80, v3, vm0, $0xb8;
	[tilespmem:$0x1FF00] =	vst v63  }
0x6f: {  	s30 =	simm.s32 $0x1BF00  }
0x70: {  	[tilespmem:s30], [sflag:$0x2] =	stream.indirect_vreg.gather [hbm4b:s7+s3], $0x80, v3, vm0, $0xb8;
	[tilespmem:$0x1FF00] =	vst v63  }
0x71: {  	s31 =	simm.s32 $0x1C700;
	s12 =	simm.s32 $0x0  }
0x72: {  	[tilespmem:s31], [sflag:$0x2] =	stream.indirect_vreg.gather [hbm4b:s8+s3], $0x80, v3, vm0, $0xb8;
	[tilespmem:$0x1FF00] =	vst v63  }
.LBB2_2:
0x73: {  	_ =	swait.ge [sflag:s17], $0x6000  }
0x74: {  	[sflag:s17] =	ssyncset.done $0x0  }
0x75: {  	s6 =	simm.s32 $0x2980;
	[sflag:s17] =	ssyncadd.s32 $0xFFFFA000  }
0x76: {  	v3 =	vld [tilespmem:s6+$0xFFFFFF70]  }
0x77: {  	v4 =	vld [tilespmem:s6+$0xFFFFFF60]  }
0x78: {  	v5 =	vld [tilespmem:s6+$0xFFFFFF50]  }
0x79: {  	v6 =	vld [tilespmem:s6+$0xFFFFFF40]  }
0x7a: {  	v7 =	vld [tilespmem:s6+$0xFFFFFF30]  }
0x7b: {  	v8 =	vld [tilespmem:s6+$0xFFFFFF20]  }
0x7c: {  	v9 =	vld [tilespmem:s6+$0xFFFFFF10]  }
0x7d: {  	v10 =	vld [tilespmem:s6+$0xFFFFFF00]  }
0x7e: {  	v11 =	vld [tilespmem:s6+$0xFFFFFEF0]  }
0x7f: {  	v12 =	vld [tilespmem:s6+$0xFFFFFEE0]  }
0x80: {  	s0 =	simm.s32 $0x0;
	v13 =	vld [tilespmem:s6+$0xFFFFFED0]  }
0x81: {  	s0 =	smul.u32 $0x6000, s0;
	v14 =	vld [tilespmem:s6+$0xFFFFFE80]  }
0x82: {  	s26 =	simm.s32 $0x0;
	v15 =	vld [tilespmem:s6+$0xFFFFFE90]  }
0x83: {  	s1 =	sand.u32 $0x380, s26;
	v16 =	vld [tilespmem:s6+$0xFFFFFEA0];
	s0 =	sshra.s32 s0, $0x2  }
0x84: {  	v17 =	vld [tilespmem:s6+$0xFFFFFEB0];
	s28 =	sor.u32 s1, s0  }
0x85: {  	v18 =	vld [tilespmem:s6+$0xFFFFFEC0];
	s0 =	sadd.s32 $0x10F00, s28  }
0x86: {  	s20 =	sor.u32 $0x10, s0;
	[tilespmem:s28+$0x10F00] =	vst.add.f32.msk $0xffff, v14  }
0x87: {  	s21 =	sor.u32 $0x20, s0;
	[tilespmem:s20+$0x0] =	vst.add.f32.msk $0xffff, v15  }
0x88: {  	s22 =	sor.u32 $0x30, s0;
	[tilespmem:s21+$0x0] =	vst.add.f32.msk $0xffff, v16  }
0x89: {  	s23 =	sor.u32 $0x40, s0;
	[tilespmem:s22+$0x0] =	vst.add.f32.msk $0xffff, v17  }
0x8a: {  	s11 =	sor.u32 $0x50, s0;
	[tilespmem:s23+$0x0] =	vst.add.f32.msk $0xffff, v18  }
0x8b: {  	s14 =	sor.u32 $0x60, s0;
	[tilespmem:s11+$0x0] =	vst.add.f32.msk $0xffff, v13  }
0x8c: {  	s15 =	sor.u32 $0x70, s0;
	[tilespmem:s14+$0x0] =	vst.add.f32.msk $0xffff, v12  }
0x8d: {  	[tilespmem:s15+$0x0] =	vst.add.f32.msk $0xffff, v11  }
0x8e: {  	[tilespmem:s0+$0x470] =	vst.add.f32.msk $0xffff, v3  }
0x8f: {  	[tilespmem:s0+$0x460] =	vst.add.f32.msk $0xffff, v4  }
0x90: {  	[tilespmem:s0+$0x440] =	vst.add.f32.msk $0xffff, v6  }
0x91: {  	[tilespmem:s0+$0x450] =	vst.add.f32.msk $0xffff, v5  }
0x92: {  	[tilespmem:s0+$0x430] =	vst.add.f32.msk $0xffff, v7  }
0x93: {  	[tilespmem:s0+$0x420] =	vst.add.f32.msk $0xffff, v8  }
0x94: {  	[tilespmem:s0+$0x400] =	vst.add.f32.msk $0xffff, v10  }
0x95: {  	[tilespmem:s0+$0x410] =	vst.add.f32.msk $0xffff, v9  }
0x96: {  	v3 =	vld [tilespmem:s6+$0x70]  }
0x97: {  	v4 =	vld [tilespmem:s6+$0x60]  }
0x98: {  	v5 =	vld [tilespmem:s6+$0x50]  }
0x99: {  	v6 =	vld [tilespmem:s6+$0x40]  }
0x9a: {  	v7 =	vld [tilespmem:s6+$0x30]  }
0x9b: {  	v8 =	vld [tilespmem:s6+$0x20]  }
0x9c: {  	v9 =	vld [tilespmem:s6+$0xFFFFFFB0]  }
0x9d: {  	v10 =	vld [tilespmem:s6+$0x0]  }
0x9e: {  	v11 =	vld [tilespmem:s6+$0xFFFFFFA0]  }
0x9f: {  	v12 =	vld [tilespmem:s6+$0xFFFFFF90]  }
0xa0: {  	v13 =	vld [tilespmem:s6+$0xFFFFFFF0]  }
0xa1: {  	v14 =	vld [tilespmem:s6+$0xFFFFFF80]  }
0xa2: {  	v15 =	vld [tilespmem:s6+$0xFFFFFFE0]  }
0xa3: {  	v16 =	vld [tilespmem:s6+$0x10]  }
0xa4: {  	v17 =	vld [tilespmem:s6+$0xFFFFFFC0]  }
0xa5: {  	s16 =	sadd.s32 $0x11700, s28;
	v18 =	vld [tilespmem:s6+$0xFFFFFFD0]  }
0xa6: {  	s19 =	sor.u32 $0x10, s16;
	[tilespmem:s28+$0x11700] =	vst.add.f32.msk $0xffff, v14  }
0xa7: {  	s20 =	sor.u32 $0x20, s16;
	[tilespmem:s19+$0x0] =	vst.add.f32.msk $0xffff, v12  }
0xa8: {  	s21 =	sor.u32 $0x30, s16;
	[tilespmem:s20+$0x0] =	vst.add.f32.msk $0xffff, v11  }
0xa9: {  	s22 =	sor.u32 $0x40, s16;
	[tilespmem:s21+$0x0] =	vst.add.f32.msk $0xffff, v9  }
0xaa: {  	s23 =	sor.u32 $0x50, s16;
	[tilespmem:s22+$0x0] =	vst.add.f32.msk $0xffff, v17  }
0xab: {  	s11 =	sor.u32 $0x60, s16;
	[tilespmem:s23+$0x0] =	vst.add.f32.msk $0xffff, v18  }
0xac: {  	s0 =	sor.u32 $0x70, s16;
	[tilespmem:s11+$0x0] =	vst.add.f32.msk $0xffff, v15  }
0xad: {  	s14 =	sadd.s32 $0x11B00, s28;
	[tilespmem:s0+$0x0] =	vst.add.f32.msk $0xffff, v13  }
0xae: {  	s15 =	sor.u32 $0x10, s14;
	[tilespmem:s28+$0x11B00] =	vst.add.f32.msk $0xffff, v10  }
0xaf: {  	s16 =	sor.u32 $0x20, s14;
	[tilespmem:s15+$0x0] =	vst.add.f32.msk $0xffff, v16  }
0xb0: {  	s19 =	sor.u32 $0x30, s14;
	[tilespmem:s16+$0x0] =	vst.add.f32.msk $0xffff, v8  }
0xb1: {  	s20 =	sor.u32 $0x40, s14;
	[tilespmem:s19+$0x0] =	vst.add.f32.msk $0xffff, v7  }
0xb2: {  	s21 =	sor.u32 $0x50, s14;
	[tilespmem:s20+$0x0] =	vst.add.f32.msk $0xffff, v6  }
0xb3: {  	s22 =	sor.u32 $0x60, s14;
	[tilespmem:s21+$0x0] =	vst.add.f32.msk $0xffff, v5  }
0xb4: {  	s23 =	sor.u32 $0x70, s14;
	[tilespmem:s22+$0x0] =	vst.add.f32.msk $0xffff, v4  }
0xb5: {  	[tilespmem:s23+$0x0] =	vst.add.f32.msk $0xffff, v3  }
0xb6: {  	s29 =	simm.s32 $0x1;
	v3 =	vld [tilespmem:s6+$0xE0]  }
0xb7: {  	s30 =	simm.s32 $0x2980;
	s31 =	sadd.s32 $0x12300, s28;
	s0 =	sadd.s32 $0x11F00, s28;
	v4 =	vld [tilespmem:s6+$0xC0]  }
.LBB2_3:
0xb8: {  	p0 =	sne.s32 s29, $0x1F;
	v5 =	vld [tilespmem:s6+$0xD0];
	s26 =	sadd.s32 $0x80, s26;
	s30 =	sadd.s32 $0x300, s30  }
0xb9: {  	s1 =	smov.u32 s29;
	s29 =	sadd.s32 $0x1, s29;
	v6 =	vld [tilespmem:s6+$0x130]  }
0xba: {  	v7 =	vld [tilespmem:s6+$0x100]  }
0xbb: {  	v8 =	vld [tilespmem:s6+$0x170]  }
0xbc: {  	v9 =	vld [tilespmem:s6+$0x120]  }
0xbd: {  	v10 =	vld [tilespmem:s6+$0xB0]  }
0xbe: {  	v11 =	vld [tilespmem:s6+$0x160]  }
0xbf: {  	v12 =	vld [tilespmem:s6+$0xA0]  }
0xc0: {  	v13 =	vld [tilespmem:s6+$0x90]  }
0xc1: {  	v14 =	vld [tilespmem:s6+$0x80]  }
0xc2: {  	v15 =	vld [tilespmem:s6+$0x140]  }
0xc3: {  	v16 =	vld [tilespmem:s6+$0x150]  }
0xc4: {  	v17 =	vld [tilespmem:s6+$0x110]  }
0xc5: {  	s11 =	sor.u32 $0x10, s0;
	v18 =	vld [tilespmem:s6+$0xF0];
	s6 =	smov.u32 s30  }
0xc6: {  	s14 =	sor.u32 $0x20, s0;
	[tilespmem:s28+$0x11F00] =	vst.add.f32.msk $0xffff, v14  }
0xc7: {  	[tilespmem:s11+$0x0] =	vst.add.f32.msk $0xffff, v13;
	s11 =	sor.u32 $0x30, s0  }
0xc8: {  	[tilespmem:s14+$0x0] =	vst.add.f32.msk $0xffff, v12;
	s14 =	sor.u32 $0x40, s0  }
0xc9: {  	[tilespmem:s11+$0x0] =	vst.add.f32.msk $0xffff, v10;
	s11 =	sor.u32 $0x50, s0  }
0xca: {  	[tilespmem:s14+$0x0] =	vst.add.f32.msk $0xffff, v4;
	s14 =	sor.u32 $0x60, s0  }
0xcb: {  	s0 =	sor.u32 $0x70, s0;
	[tilespmem:s11+$0x0] =	vst.add.f32.msk $0xffff, v5  }
0xcc: {  	[tilespmem:s14+$0x0] =	vst.add.f32.msk $0xffff, v3  }
0xcd: {  	[tilespmem:s0+$0x0] =	vst.add.f32.msk $0xffff, v18;
	s0 =	sor.u32 $0x10, s31  }
0xce: {  	s11 =	sor.u32 $0x20, s31;
	[tilespmem:s28+$0x12300] =	vst.add.f32.msk $0xffff, v7  }
0xcf: {  	[tilespmem:s0+$0x0] =	vst.add.f32.msk $0xffff, v17;
	s0 =	sor.u32 $0x30, s31  }
0xd0: {  	[tilespmem:s11+$0x0] =	vst.add.f32.msk $0xffff, v9;
	s11 =	sor.u32 $0x40, s31  }
0xd1: {  	[tilespmem:s0+$0x0] =	vst.add.f32.msk $0xffff, v6;
	s0 =	sor.u32 $0x50, s31  }
0xd2: {  	[tilespmem:s11+$0x0] =	vst.add.f32.msk $0xffff, v15;
	s11 =	sor.u32 $0x60, s31  }
0xd3: {  	[tilespmem:s0+$0x0] =	vst.add.f32.msk $0xffff, v16;
	s0 =	sor.u32 $0x70, s31  }
0xd4: {  	[tilespmem:s11+$0x0] =	vst.add.f32.msk $0xffff, v11  }
0xd5: {  	[tilespmem:s0+$0x0] =	vst.add.f32.msk $0xffff, v8  }
0xd6: {  	v3 =	vld [tilespmem:s30+$0xFFFFFF70]  }
0xd7: {  	v4 =	vld [tilespmem:s30+$0xFFFFFF60]  }
0xd8: {  	v5 =	vld [tilespmem:s30+$0xFFFFFF50]  }
0xd9: {  	v6 =	vld [tilespmem:s30+$0xFFFFFF40]  }
0xda: {  	v7 =	vld [tilespmem:s30+$0xFFFFFF30]  }
0xdb: {  	v8 =	vld [tilespmem:s30+$0xFFFFFF20]  }
0xdc: {  	v9 =	vld [tilespmem:s30+$0xFFFFFF10]  }
0xdd: {  	v10 =	vld [tilespmem:s30+$0xFFFFFF00]  }
0xde: {  	v11 =	vld [tilespmem:s30+$0xFFFFFEF0]  }
0xdf: {  	v12 =	vld [tilespmem:s30+$0xFFFFFEE0]  }
0xe0: {  	s0 =	sshrl.u32 s1, $0x3;
	v13 =	vld [tilespmem:s30+$0xFFFFFED0]  }
0xe1: {  	s0 =	smul.u32 $0x6000, s0;
	v14 =	vld [tilespmem:s30+$0xFFFFFE80]  }
0xe2: {  	v15 =	vld [tilespmem:s30+$0xFFFFFE90]  }
0xe3: {  	s1 =	sand.u32 $0x380, s26;
	s0 =	sshra.s32 s0, $0x2;
	v16 =	vld [tilespmem:s30+$0xFFFFFEA0]  }
0xe4: {  	s28 =	sor.u32 s1, s0;
	v17 =	vld [tilespmem:s30+$0xFFFFFEB0]  }
0xe5: {  	s14 =	sadd.s32 $0x10F00, s28;
	s11 =	sadd.s32 $0x11700, s28;
	s1 =	sadd.s32 $0x11B00, s28;
	v18 =	vld [tilespmem:s30+$0xFFFFFEC0]  }
0xe6: {  	s0 =	sadd.s32 $0x11F00, s28;
	s31 =	sadd.s32 $0x12300, s28;
	s15 =	sor.u32 $0x10, s14;
	[tilespmem:s28+$0x10F00] =	vst.add.f32.msk $0xffff, v14  }
0xe7: {  	[tilespmem:s15+$0x0] =	vst.add.f32.msk $0xffff, v15;
	s15 =	sor.u32 $0x20, s14  }
0xe8: {  	[tilespmem:s15+$0x0] =	vst.add.f32.msk $0xffff, v16;
	s15 =	sor.u32 $0x30, s14  }
0xe9: {  	[tilespmem:s15+$0x0] =	vst.add.f32.msk $0xffff, v17;
	s15 =	sor.u32 $0x40, s14  }
0xea: {  	[tilespmem:s15+$0x0] =	vst.add.f32.msk $0xffff, v18;
	s15 =	sor.u32 $0x50, s14  }
0xeb: {  	[tilespmem:s15+$0x0] =	vst.add.f32.msk $0xffff, v13;
	s15 =	sor.u32 $0x60, s14  }
0xec: {  	[tilespmem:s15+$0x0] =	vst.add.f32.msk $0xffff, v12;
	s15 =	sor.u32 $0x70, s14  }
0xed: {  	[tilespmem:s15+$0x0] =	vst.add.f32.msk $0xffff, v11  }
0xee: {  	[tilespmem:s14+$0x470] =	vst.add.f32.msk $0xffff, v3  }
0xef: {  	[tilespmem:s14+$0x460] =	vst.add.f32.msk $0xffff, v4  }
0xf0: {  	[tilespmem:s14+$0x440] =	vst.add.f32.msk $0xffff, v6  }
0xf1: {  	[tilespmem:s14+$0x450] =	vst.add.f32.msk $0xffff, v5  }
0xf2: {  	[tilespmem:s14+$0x430] =	vst.add.f32.msk $0xffff, v7  }
0xf3: {  	[tilespmem:s14+$0x420] =	vst.add.f32.msk $0xffff, v8  }
0xf4: {  	[tilespmem:s14+$0x400] =	vst.add.f32.msk $0xffff, v10  }
0xf5: {  	[tilespmem:s14+$0x410] =	vst.add.f32.msk $0xffff, v9  }
0xf6: {  	v3 =	vld [tilespmem:s30+$0x70]  }
0xf7: {  	v4 =	vld [tilespmem:s30+$0x60]  }
0xf8: {  	v5 =	vld [tilespmem:s30+$0x50]  }
0xf9: {  	v6 =	vld [tilespmem:s30+$0x40]  }
0xfa: {  	v7 =	vld [tilespmem:s30+$0x30]  }
0xfb: {  	v8 =	vld [tilespmem:s30+$0x20]  }
0xfc: {  	v9 =	vld [tilespmem:s30+$0xFFFFFFB0]  }
0xfd: {  	v10 =	vld [tilespmem:s30+$0x0]  }
0xfe: {  	v11 =	vld [tilespmem:s30+$0xFFFFFFA0]  }
0xff: {  	v12 =	vld [tilespmem:s30+$0xFFFFFF90]  }
0x100: {  	v13 =	vld [tilespmem:s30+$0xFFFFFFF0]  }
0x101: {  	v14 =	vld [tilespmem:s30+$0xFFFFFF80]  }
0x102: {  	v15 =	vld [tilespmem:s30+$0xFFFFFFE0]  }
0x103: {  	v16 =	vld [tilespmem:s30+$0x10]  }
0x104: {  	v17 =	vld [tilespmem:s30+$0xFFFFFFC0]  }
0x105: {  	v18 =	vld [tilespmem:s30+$0xFFFFFFD0]  }
0x106: {  	s14 =	sor.u32 $0x10, s11;
	[tilespmem:s28+$0x11700] =	vst.add.f32.msk $0xffff, v14  }
0x107: {  	[tilespmem:s14+$0x0] =	vst.add.f32.msk $0xffff, v12;
	s14 =	sor.u32 $0x20, s11  }
0x108: {  	[tilespmem:s14+$0x0] =	vst.add.f32.msk $0xffff, v11;
	s14 =	sor.u32 $0x30, s11  }
0x109: {  	[tilespmem:s14+$0x0] =	vst.add.f32.msk $0xffff, v9;
	s14 =	sor.u32 $0x40, s11  }
0x10a: {  	[tilespmem:s14+$0x0] =	vst.add.f32.msk $0xffff, v17;
	s14 =	sor.u32 $0x50, s11  }
0x10b: {  	[tilespmem:s14+$0x0] =	vst.add.f32.msk $0xffff, v18;
	s14 =	sor.u32 $0x60, s11  }
0x10c: {  	s11 =	sor.u32 $0x70, s11;
	[tilespmem:s14+$0x0] =	vst.add.f32.msk $0xffff, v15  }
0x10d: {  	[tilespmem:s11+$0x0] =	vst.add.f32.msk $0xffff, v13  }
0x10e: {  	s11 =	sor.u32 $0x10, s1;
	[tilespmem:s28+$0x11B00] =	vst.add.f32.msk $0xffff, v10  }
0x10f: {  	[tilespmem:s11+$0x0] =	vst.add.f32.msk $0xffff, v16;
	s11 =	sor.u32 $0x20, s1  }
0x110: {  	[tilespmem:s11+$0x0] =	vst.add.f32.msk $0xffff, v8;
	s11 =	sor.u32 $0x30, s1  }
0x111: {  	[tilespmem:s11+$0x0] =	vst.add.f32.msk $0xffff, v7;
	s11 =	sor.u32 $0x40, s1  }
0x112: {  	[tilespmem:s11+$0x0] =	vst.add.f32.msk $0xffff, v6;
	s11 =	sor.u32 $0x50, s1  }
.Ltmp2:
0x113: {  	[tilespmem:s11+$0x0] =	vst.add.f32.msk $0xffff, v5;
	s11 =	sor.u32 $0x60, s1;
	(pc) =	sbr.rel @p0 .LBB2_3-.Ltmp2, $4  }
0x114: {  	s1 =	sor.u32 $0x70, s1;
	[tilespmem:s11+$0x0] =	vst.add.f32.msk $0xffff, v4  }
0x115: {  	[tilespmem:s1+$0x0] =	vst.add.f32.msk $0xffff, v3  }
0x116: {  	v3 =	vld [tilespmem:s30+$0xE0]  }
0x117: {  	v4 =	vld [tilespmem:s30+$0xC0]  }
0x118: {  	v5 =	vld [tilespmem:s6+$0xD0]  }
0x119: {  	v6 =	vld [tilespmem:s6+$0x130]  }
0x11a: {  	v7 =	vld [tilespmem:s6+$0x100]  }
0x11b: {  	v8 =	vld [tilespmem:s6+$0x170]  }
0x11c: {  	v9 =	vld [tilespmem:s6+$0x120]  }
0x11d: {  	v10 =	vld [tilespmem:s6+$0xB0]  }
0x11e: {  	v11 =	vld [tilespmem:s6+$0x160]  }
0x11f: {  	v12 =	vld [tilespmem:s6+$0xA0]  }
0x120: {  	v13 =	vld [tilespmem:s6+$0x90]  }
0x121: {  	v14 =	vld [tilespmem:s6+$0x80]  }
0x122: {  	v15 =	vld [tilespmem:s6+$0x140]  }
0x123: {  	v16 =	vld [tilespmem:s6+$0x150]  }
0x124: {  	v17 =	vld [tilespmem:s6+$0x110]  }
0x125: {  	v18 =	vld [tilespmem:s6+$0xF0]  }
0x126: {  	s1 =	sor.u32 $0x10, s0;
	[tilespmem:s28+$0x11F00] =	vst.add.f32.msk $0xffff, v14  }
0x127: {  	s21 =	sor.u32 $0x20, s0;
	[tilespmem:s1+$0x0] =	vst.add.f32.msk $0xffff, v13  }
0x128: {  	s22 =	sor.u32 $0x30, s0;
	[tilespmem:s21+$0x0] =	vst.add.f32.msk $0xffff, v12  }
0x129: {  	s23 =	sor.u32 $0x40, s0;
	[tilespmem:s22+$0x0] =	vst.add.f32.msk $0xffff, v10  }
0x12a: {  	s26 =	sor.u32 $0x50, s0;
	[tilespmem:s23+$0x0] =	vst.add.f32.msk $0xffff, v4  }
0x12b: {  	s30 =	sor.u32 $0x60, s0;
	[tilespmem:s26+$0x0] =	vst.add.f32.msk $0xffff, v5  }
0x12c: {  	s1 =	sor.u32 $0x70, s0;
	[tilespmem:s30+$0x0] =	vst.add.f32.msk $0xffff, v3  }
0x12d: {  	[tilespmem:s1+$0x0] =	vst.add.f32.msk $0xffff, v18  }
0x12e: {  	s6 =	sor.u32 $0x10, s31;
	[tilespmem:s28+$0x12300] =	vst.add.f32.msk $0xffff, v7  }
0x12f: {  	s11 =	sor.u32 $0x20, s31;
	[tilespmem:s6+$0x0] =	vst.add.f32.msk $0xffff, v17  }
0x130: {  	s14 =	sor.u32 $0x30, s31;
	[tilespmem:s11+$0x0] =	vst.add.f32.msk $0xffff, v9  }
0x131: {  	s15 =	sor.u32 $0x40, s31;
	s16 =	sadd.s32 s9, s12;
	[tilespmem:s14+$0x0] =	vst.add.f32.msk $0xffff, v6  }
0x132: {  	s19 =	sor.u32 $0x50, s31;
	s0 =	smul.u32 $0xF000, s16;
	[tilespmem:s15+$0x0] =	vst.add.f32.msk $0xffff, v15  }
0x133: {  	s20 =	sor.u32 $0x60, s31;
	[tilespmem:s19+$0x0] =	vst.add.f32.msk $0xffff, v16  }
0x134: {  	p0 =	seq.s32 s12, $0x0;
	s21 =	sor.u32 $0x70, s31;
	s0 =	sshrl.u32 s0, $0x3;
	[tilespmem:s20+$0x0] =	vst.add.f32.msk $0xffff, v11  }
0x135: {  	s26 =	sadd.s32 s5, s0;
	s0 =	simm.s32 @!p0 $0x6;
	[tilespmem:s21+$0x0] =	vst.add.f32.msk $0xffff, v8  }
0x136: {  	[hbm4b:s26+s3] =	stream.linear.scatter [tilespmem:s13], [sflag:$0x4], $0x6000, $0x38;
	[tilespmem:$0x1FF00] =	vst v63  }
0x137: {  	s22 =	smul.u32 $0x140, s12;
	_ =	swait.ge @!p0 [sflag:s0], $0x3000  }
0x138: {  	[sflag:s0] =	ssyncset.done @!p0 $0x0  }
0x139: {  	s6 =	sshra.s32 s22, $0x2;
	[sflag:s0] =	ssyncadd.s32 @!p0 $0xFFFFD000  }
0x13a: {  	v3 =	vld [tilespmem:s6+$0x40];
	_ =	sdelay $0x4  }
0x13b: {  	v4 =	vshrl.u32 v3, $0x3  }
0x13c: {  	v4 =	vmul.u32 $0x30, v4  }
0x13d: {  	v3 =	vand.u32 $0x7, v3  }
0x13e: {  	v3 =	vor.u32 v3, v4  }
0x13f: {  	v4 =	vperm.xlane v3, v0;
	_ =	sdelay $0x1  }
0x140: {  	v4 =	vadd.s32 v1, v4;
	_ =	sdelay $0x3  }
0x141: {  	s23 =	simm.s32 $0x0;
	v3 =	vperm.xlane v3, v2  }
0x142: {  	[tilespmem:s18], [sflag:$0x3] =	stream.indirect_vreg.gather [hbm4b:s2+s23], $0x80, v4, vm0, $0xb8;
	[tilespmem:$0x1FF00] =	vst v63  }
0x143: {  	s30 =	simm.s32 $0x1D700;
	v3 =	vadd.s32 v1, v3  }
0x144: {  	[tilespmem:s30], [sflag:$0x3] =	stream.indirect_vreg.gather [hbm4b:s7+s23], $0x80, v4, vm0, $0xb8;
	[tilespmem:$0x1FF00] =	vst v63  }
0x145: {  	s31 =	simm.s32 $0x1DF00  }
0x146: {  	[tilespmem:s31], [sflag:$0x3] =	stream.indirect_vreg.gather [hbm4b:s8+s23], $0x80, v4, vm0, $0xb8;
	[tilespmem:$0x1FF00] =	vst v63  }
0x147: {  	s11 =	simm.s32 $0x1E700  }
0x148: {  	[tilespmem:s11], [sflag:$0x3] =	stream.indirect_vreg.gather [hbm4b:s2+s23], $0x80, v3, vm0, $0xb8;
	[tilespmem:$0x1FF00] =	vst v63  }
0x149: {  	s14 =	simm.s32 $0x1EF00  }
0x14a: {  	[tilespmem:s14], [sflag:$0x3] =	stream.indirect_vreg.gather [hbm4b:s7+s23], $0x80, v3, vm0, $0xb8;
	[tilespmem:$0x1FF00] =	vst v63  }
0x14b: {  	s15 =	simm.s32 $0x1F700  }
0x14c: {  	[tilespmem:s15], [sflag:$0x3] =	stream.indirect_vreg.gather [hbm4b:s8+s23], $0x80, v3, vm0, $0xb8;
	[tilespmem:$0x1FF00] =	vst v63  }
0x14d: {  	_ =	swait.ge [sflag:s24], $0x6000  }
0x14e: {  	[sflag:s24] =	ssyncset.done $0x0  }
0x14f: {  	s0 =	simm.s32 $0x0;
	[sflag:s24] =	ssyncadd.s32 $0xFFFFA000  }
0x150: {  	v3 =	vld [tilespmem:s0+$0x88F0]  }
0x151: {  	v4 =	vld [tilespmem:s0+$0x88E0]  }
0x152: {  	v5 =	vld [tilespmem:s0+$0x88D0]  }
0x153: {  	v51 =	vld [tilespmem:s0+$0x88C0]  }
0x154: {  	v52 =	vld [tilespmem:s0+$0x88B0]  }
0x155: {  	v53 =	vld [tilespmem:s0+$0x8890]  }
0x156: {  	v54 =	vld [tilespmem:s0+$0x8880]  }
0x157: {  	v55 =	vld [tilespmem:s0+$0x8860]  }
0x158: {  	v56 =	vld [tilespmem:s0+$0x8830]  }
0x159: {  	v57 =	vld [tilespmem:s0+$0x8820]  }
0x15a: {  	s11 =	simm.s32 $0x0;
	v58 =	vld [tilespmem:s0+$0x8810]  }
0x15b: {  	s11 =	smul.u32 $0x6000, s11;
	v59 =	vld [tilespmem:s0+$0x8800]  }
0x15c: {  	v60 =	vld [tilespmem:s0+$0x8870]  }
0x15d: {  	s1 =	sand.u32 $0x380, s23;
	s11 =	sshra.s32 s11, $0x2;
	v61 =	vld [tilespmem:s0+$0x8840]  }
0x15e: {  	s1 =	sor.u32 s1, s11;
	v62 =	vld [tilespmem:s0+$0x88A0]  }
0x15f: {  	s11 =	sadd.s32 $0x16F00, s1;
	v63 =	vld [tilespmem:s0+$0x8850]  }
0x160: {  	s14 =	sor.u32 $0x10, s11;
	[tilespmem:s1+$0x16F00] =	vst.add.f32.msk $0xffff, v59  }
0x161: {  	s16 =	sor.u32 $0x20, s11;
	[tilespmem:s14+$0x0] =	vst.add.f32.msk $0xffff, v58  }
0x162: {  	s19 =	sor.u32 $0x30, s11;
	[tilespmem:s16+$0x0] =	vst.add.f32.msk $0xffff, v57  }
0x163: {  	s20 =	sor.u32 $0x40, s11;
	[tilespmem:s19+$0x0] =	vst.add.f32.msk $0xffff, v56  }
0x164: {  	s21 =	sor.u32 $0x50, s11;
	[tilespmem:s20+$0x0] =	vst.add.f32.msk $0xffff, v61  }
0x165: {  	s22 =	sor.u32 $0x60, s11;
	[tilespmem:s21+$0x0] =	vst.add.f32.msk $0xffff, v63  }
0x166: {  	s23 =	sor.u32 $0x70, s11;
	[tilespmem:s22+$0x0] =	vst.add.f32.msk $0xffff, v55  }
0x167: {  	[tilespmem:s23+$0x0] =	vst.add.f32.msk $0xffff, v60  }
0x168: {  	[tilespmem:s11+$0x470] =	vst.add.f32.msk $0xffff, v3  }
0x169: {  	[tilespmem:s11+$0x460] =	vst.add.f32.msk $0xffff, v4  }
0x16a: {  	[tilespmem:s11+$0x430] =	vst.add.f32.msk $0xffff, v52  }
0x16b: {  	[tilespmem:s11+$0x420] =	vst.add.f32.msk $0xffff, v62  }
0x16c: {  	[tilespmem:s11+$0x410] =	vst.add.f32.msk $0xffff, v53  }
0x16d: {  	[tilespmem:s11+$0x450] =	vst.add.f32.msk $0xffff, v5  }
0x16e: {  	[tilespmem:s11+$0x440] =	vst.add.f32.msk $0xffff, v51  }
0x16f: {  	[tilespmem:s11+$0x400] =	vst.add.f32.msk $0xffff, v54  }
0x170: {  	v3 =	vld [tilespmem:s0+$0x89F0]  }
0x171: {  	v4 =	vld [tilespmem:s0+$0x8970]  }
0x172: {  	v5 =	vld [tilespmem:s0+$0x89D0]  }
0x173: {  	v6 =	vld [tilespmem:s0+$0x89C0]  }
0x174: {  	v7 =	vld [tilespmem:s0+$0x8990]  }
0x175: {  	v8 =	vld [tilespmem:s0+$0x89A0]  }
0x176: {  	v9 =	vld [tilespmem:s0+$0x8980]  }
0x177: {  	v10 =	vld [tilespmem:s0+$0x8930]  }
0x178: {  	v11 =	vld [tilespmem:s0+$0x8950]  }
0x179: {  	v12 =	vld [tilespmem:s0+$0x8920]  }
0x17a: {  	v13 =	vld [tilespmem:s0+$0x8910]  }
0x17b: {  	v14 =	vld [tilespmem:s0+$0x8900]  }
0x17c: {  	v15 =	vld [tilespmem:s0+$0x89E0]  }
0x17d: {  	v16 =	vld [tilespmem:s0+$0x8960]  }
0x17e: {  	v17 =	vld [tilespmem:s0+$0x89B0]  }
0x17f: {  	s30 =	sadd.s32 $0x17700, s1;
	v18 =	vld [tilespmem:s0+$0x8940]  }
0x180: {  	s31 =	sor.u32 $0x10, s30;
	[tilespmem:s1+$0x17700] =	vst.add.f32.msk $0xffff, v14  }
0x181: {  	s15 =	sor.u32 $0x20, s30;
	[tilespmem:s31+$0x0] =	vst.add.f32.msk $0xffff, v13  }
0x182: {  	s16 =	sor.u32 $0x30, s30;
	[tilespmem:s15+$0x0] =	vst.add.f32.msk $0xffff, v12  }
0x183: {  	s19 =	sor.u32 $0x40, s30;
	[tilespmem:s16+$0x0] =	vst.add.f32.msk $0xffff, v10  }
0x184: {  	s20 =	sor.u32 $0x50, s30;
	[tilespmem:s19+$0x0] =	vst.add.f32.msk $0xffff, v18  }
0x185: {  	s21 =	sor.u32 $0x60, s30;
	[tilespmem:s20+$0x0] =	vst.add.f32.msk $0xffff, v11  }
0x186: {  	s11 =	sor.u32 $0x70, s30;
	[tilespmem:s21+$0x0] =	vst.add.f32.msk $0xffff, v16  }
0x187: {  	s22 =	sadd.s32 $0x17B00, s1;
	[tilespmem:s11+$0x0] =	vst.add.f32.msk $0xffff, v4  }
0x188: {  	s23 =	sor.u32 $0x10, s22;
	[tilespmem:s1+$0x17B00] =	vst.add.f32.msk $0xffff, v9  }
0x189: {  	s30 =	sor.u32 $0x20, s22;
	[tilespmem:s23+$0x0] =	vst.add.f32.msk $0xffff, v7  }
0x18a: {  	s31 =	sor.u32 $0x30, s22;
	[tilespmem:s30+$0x0] =	vst.add.f32.msk $0xffff, v8  }
0x18b: {  	s15 =	sor.u32 $0x40, s22;
	[tilespmem:s31+$0x0] =	vst.add.f32.msk $0xffff, v17  }
0x18c: {  	s16 =	sor.u32 $0x50, s22;
	[tilespmem:s15+$0x0] =	vst.add.f32.msk $0xffff, v6  }
0x18d: {  	s19 =	sor.u32 $0x60, s22;
	[tilespmem:s16+$0x0] =	vst.add.f32.msk $0xffff, v5  }
0x18e: {  	s20 =	sor.u32 $0x70, s22;
	[tilespmem:s19+$0x0] =	vst.add.f32.msk $0xffff, v15  }
0x18f: {  	[tilespmem:s20+$0x0] =	vst.add.f32.msk $0xffff, v3  }
0x190: {  	v4 =	vld [tilespmem:s0+$0x8A50]  }
0x191: {  	v5 =	vld [tilespmem:s0+$0x8A40]  }
0x192: {  	v6 =	vld [tilespmem:s0+$0x8AE0]  }
0x193: {  	v7 =	vld [tilespmem:s0+$0x8AD0]  }
0x194: {  	v8 =	vld [tilespmem:s0+$0x8AC0]  }
0x195: {  	v9 =	vld [tilespmem:s0+$0x8A30]  }
0x196: {  	v3 =	vld [tilespmem:s0+$0x8AF0]  }
0x197: {  	v10 =	vld [tilespmem:s0+$0x8AB0]  }
0x198: {  	v11 =	vld [tilespmem:s0+$0x8A60]  }
0x199: {  	v12 =	vld [tilespmem:s0+$0x8A20]  }
0x19a: {  	v13 =	vld [tilespmem:s0+$0x8A10]  }
0x19b: {  	v14 =	vld [tilespmem:s0+$0x8A00]  }
0x19c: {  	v15 =	vld [tilespmem:s0+$0x8A80]  }
0x19d: {  	v16 =	vld [tilespmem:s0+$0x8A90]  }
0x19e: {  	v17 =	vld [tilespmem:s0+$0x8AA0]  }
0x19f: {  	s21 =	sadd.s32 $0x17F00, s1;
	v18 =	vld [tilespmem:s0+$0x8A70]  }
0x1a0: {  	s22 =	sor.u32 $0x10, s21;
	[tilespmem:s1+$0x17F00] =	vst.add.f32.msk $0xffff, v14  }
0x1a1: {  	s23 =	sor.u32 $0x20, s21;
	[tilespmem:s22+$0x0] =	vst.add.f32.msk $0xffff, v13  }
0x1a2: {  	s30 =	sor.u32 $0x30, s21;
	[tilespmem:s23+$0x0] =	vst.add.f32.msk $0xffff, v12  }
0x1a3: {  	s31 =	sor.u32 $0x40, s21;
	[tilespmem:s30+$0x0] =	vst.add.f32.msk $0xffff, v9  }
0x1a4: {  	s14 =	sor.u32 $0x50, s21;
	[tilespmem:s31+$0x0] =	vst.add.f32.msk $0xffff, v5  }
0x1a5: {  	s15 =	sor.u32 $0x60, s21;
	[tilespmem:s14+$0x0] =	vst.add.f32.msk $0xffff, v4  }
0x1a6: {  	s16 =	sor.u32 $0x70, s21;
	[tilespmem:s15+$0x0] =	vst.add.f32.msk $0xffff, v11  }
0x1a7: {  	s19 =	sadd.s32 $0x18300, s1;
	[tilespmem:s16+$0x0] =	vst.add.f32.msk $0xffff, v18  }
0x1a8: {  	s20 =	sor.u32 $0x10, s19;
	[tilespmem:s1+$0x18300] =	vst.add.f32.msk $0xffff, v15  }
0x1a9: {  	s21 =	sor.u32 $0x20, s19;
	[tilespmem:s20+$0x0] =	vst.add.f32.msk $0xffff, v16  }
0x1aa: {  	s22 =	sor.u32 $0x30, s19;
	[tilespmem:s21+$0x0] =	vst.add.f32.msk $0xffff, v17  }
0x1ab: {  	s23 =	sor.u32 $0x40, s19;
	[tilespmem:s22+$0x0] =	vst.add.f32.msk $0xffff, v10  }
0x1ac: {  	s30 =	sor.u32 $0x50, s19;
	[tilespmem:s23+$0x0] =	vst.add.f32.msk $0xffff, v8  }
0x1ad: {  	s29 =	simm.s32 $0x80;
	s31 =	sor.u32 $0x60, s19;
	[tilespmem:s30+$0x0] =	vst.add.f32.msk $0xffff, v7  }
0x1ae: {  	s28 =	simm.s32 $0x1;
	s11 =	sor.u32 $0x70, s19;
	s0 =	simm.s32 $0xC00;
	[tilespmem:s31+$0x0] =	vst.add.f32.msk $0xffff, v6  }
.LBB2_5:
0x1af: {  	s1 =	sshra.s32 s0, $0x2  }
0x1b0: {  	s14 =	sshrl.u32 s28, $0x3;
	[tilespmem:s11+$0x0] =	vst.add.f32.msk $0xffff, v3;
	s11 =	smov.u32 s0;
	s30 =	sadd.s32 $0xC00, s0  }
0x1b1: {  	p0 =	sne.s32 s0, $0x17400;
	v3 =	vld [tilespmem:s1+$0x88F0];
	s11 =	smul.u32 $0x6000, s14  }
0x1b2: {  	v4 =	vld [tilespmem:s1+$0x88E0]  }
0x1b3: {  	s0 =	sand.u32 $0x380, s29;
	v5 =	vld [tilespmem:s1+$0x88D0];
	s11 =	sshra.s32 s11, $0x2  }
0x1b4: {  	v6 =	vld [tilespmem:s1+$0x88C0];
	s0 =	sor.u32 s0, s11  }
0x1b5: {  	v7 =	vld [tilespmem:s1+$0x88B0];
	s16 =	sadd.s32 $0x16F00, s0;
	s15 =	sadd.s32 $0x17700, s0;
	s14 =	sadd.s32 $0x17B00, s0  }
0x1b6: {  	s11 =	sadd.s32 $0x17F00, s0;
	s31 =	sadd.s32 $0x18300, s0;
	v8 =	vld [tilespmem:s1+$0x8890];
	s19 =	sor.u32 $0x10, s16  }
0x1b7: {  	s20 =	sor.u32 $0x20, s16;
	v9 =	vld [tilespmem:s1+$0x8880]  }
0x1b8: {  	v10 =	vld [tilespmem:s1+$0x8860]  }
0x1b9: {  	v11 =	vld [tilespmem:s1+$0x8830]  }
0x1ba: {  	v12 =	vld [tilespmem:s1+$0x8820]  }
0x1bb: {  	v13 =	vld [tilespmem:s1+$0x8810]  }
0x1bc: {  	s21 =	sor.u32 $0x40, s16;
	v14 =	vld [tilespmem:s1+$0x8800]  }
0x1bd: {  	v15 =	vld [tilespmem:s1+$0x8870]  }
0x1be: {  	s22 =	sor.u32 $0x50, s16;
	v16 =	vld [tilespmem:s1+$0x8840]  }
0x1bf: {  	v17 =	vld [tilespmem:s1+$0x88A0]  }
0x1c0: {  	v18 =	vld [tilespmem:s1+$0x8850]  }
0x1c1: {  	s23 =	sor.u32 $0x30, s16;
	[tilespmem:s0+$0x16F00] =	vst.add.f32.msk $0xffff, v14  }
0x1c2: {  	[tilespmem:s19+$0x0] =	vst.add.f32.msk $0xffff, v13  }
0x1c3: {  	[tilespmem:s20+$0x0] =	vst.add.f32.msk $0xffff, v12  }
0x1c4: {  	[tilespmem:s23+$0x0] =	vst.add.f32.msk $0xffff, v11  }
0x1c5: {  	[tilespmem:s21+$0x0] =	vst.add.f32.msk $0xffff, v16  }
0x1c6: {  	s19 =	sor.u32 $0x60, s16;
	[tilespmem:s22+$0x0] =	vst.add.f32.msk $0xffff, v18  }
0x1c7: {  	[tilespmem:s19+$0x0] =	vst.add.f32.msk $0xffff, v10;
	s19 =	sor.u32 $0x70, s16  }
0x1c8: {  	[tilespmem:s19+$0x0] =	vst.add.f32.msk $0xffff, v15  }
0x1c9: {  	[tilespmem:s16+$0x470] =	vst.add.f32.msk $0xffff, v3  }
0x1ca: {  	[tilespmem:s16+$0x460] =	vst.add.f32.msk $0xffff, v4  }
0x1cb: {  	[tilespmem:s16+$0x430] =	vst.add.f32.msk $0xffff, v7  }
0x1cc: {  	[tilespmem:s16+$0x420] =	vst.add.f32.msk $0xffff, v17  }
0x1cd: {  	[tilespmem:s16+$0x410] =	vst.add.f32.msk $0xffff, v8  }
0x1ce: {  	[tilespmem:s16+$0x450] =	vst.add.f32.msk $0xffff, v5  }
0x1cf: {  	[tilespmem:s16+$0x440] =	vst.add.f32.msk $0xffff, v6  }
0x1d0: {  	[tilespmem:s16+$0x400] =	vst.add.f32.msk $0xffff, v9  }
0x1d1: {  	v3 =	vld [tilespmem:s1+$0x89F0]  }
0x1d2: {  	v4 =	vld [tilespmem:s1+$0x8970]  }
0x1d3: {  	v5 =	vld [tilespmem:s1+$0x89D0]  }
0x1d4: {  	v6 =	vld [tilespmem:s1+$0x89C0]  }
0x1d5: {  	v7 =	vld [tilespmem:s1+$0x8990]  }
0x1d6: {  	v8 =	vld [tilespmem:s1+$0x89A0]  }
0x1d7: {  	v9 =	vld [tilespmem:s1+$0x8980]  }
0x1d8: {  	v10 =	vld [tilespmem:s1+$0x8930]  }
0x1d9: {  	v11 =	vld [tilespmem:s1+$0x8950]  }
0x1da: {  	v12 =	vld [tilespmem:s1+$0x8920]  }
0x1db: {  	v13 =	vld [tilespmem:s1+$0x8910]  }
0x1dc: {  	v14 =	vld [tilespmem:s1+$0x8900]  }
0x1dd: {  	v15 =	vld [tilespmem:s1+$0x89E0]  }
0x1de: {  	v16 =	vld [tilespmem:s1+$0x8960]  }
0x1df: {  	v17 =	vld [tilespmem:s1+$0x89B0]  }
0x1e0: {  	v18 =	vld [tilespmem:s1+$0x8940]  }
0x1e1: {  	s16 =	sor.u32 $0x10, s15;
	[tilespmem:s0+$0x17700] =	vst.add.f32.msk $0xffff, v14  }
0x1e2: {  	[tilespmem:s16+$0x0] =	vst.add.f32.msk $0xffff, v13;
	s16 =	sor.u32 $0x20, s15  }
0x1e3: {  	[tilespmem:s16+$0x0] =	vst.add.f32.msk $0xffff, v12;
	s16 =	sor.u32 $0x30, s15  }
0x1e4: {  	[tilespmem:s16+$0x0] =	vst.add.f32.msk $0xffff, v10;
	s16 =	sor.u32 $0x40, s15  }
0x1e5: {  	[tilespmem:s16+$0x0] =	vst.add.f32.msk $0xffff, v18;
	s16 =	sor.u32 $0x50, s15  }
0x1e6: {  	[tilespmem:s16+$0x0] =	vst.add.f32.msk $0xffff, v11;
	s16 =	sor.u32 $0x60, s15  }
0x1e7: {  	s15 =	sor.u32 $0x70, s15;
	[tilespmem:s16+$0x0] =	vst.add.f32.msk $0xffff, v16  }
0x1e8: {  	[tilespmem:s15+$0x0] =	vst.add.f32.msk $0xffff, v4  }
0x1e9: {  	s15 =	sor.u32 $0x10, s14;
	[tilespmem:s0+$0x17B00] =	vst.add.f32.msk $0xffff, v9  }
0x1ea: {  	[tilespmem:s15+$0x0] =	vst.add.f32.msk $0xffff, v7;
	s15 =	sor.u32 $0x20, s14  }
0x1eb: {  	[tilespmem:s15+$0x0] =	vst.add.f32.msk $0xffff, v8;
	s15 =	sor.u32 $0x30, s14  }
0x1ec: {  	[tilespmem:s15+$0x0] =	vst.add.f32.msk $0xffff, v17;
	s15 =	sor.u32 $0x40, s14  }
0x1ed: {  	[tilespmem:s15+$0x0] =	vst.add.f32.msk $0xffff, v6;
	s15 =	sor.u32 $0x50, s14  }
0x1ee: {  	[tilespmem:s15+$0x0] =	vst.add.f32.msk $0xffff, v5;
	s15 =	sor.u32 $0x60, s14  }
0x1ef: {  	s14 =	sor.u32 $0x70, s14;
	[tilespmem:s15+$0x0] =	vst.add.f32.msk $0xffff, v15  }
0x1f0: {  	[tilespmem:s14+$0x0] =	vst.add.f32.msk $0xffff, v3  }
0x1f1: {  	v4 =	vld [tilespmem:s1+$0x8A50]  }
0x1f2: {  	v5 =	vld [tilespmem:s1+$0x8A40]  }
0x1f3: {  	v6 =	vld [tilespmem:s1+$0x8AE0]  }
0x1f4: {  	v7 =	vld [tilespmem:s1+$0x8AD0]  }
0x1f5: {  	v8 =	vld [tilespmem:s1+$0x8AC0]  }
0x1f6: {  	v9 =	vld [tilespmem:s1+$0x8A30]  }
0x1f7: {  	v3 =	vld [tilespmem:s1+$0x8AF0]  }
0x1f8: {  	v10 =	vld [tilespmem:s1+$0x8AB0]  }
0x1f9: {  	v11 =	vld [tilespmem:s1+$0x8A60]  }
0x1fa: {  	v12 =	vld [tilespmem:s1+$0x8A20]  }
0x1fb: {  	v13 =	vld [tilespmem:s1+$0x8A10]  }
0x1fc: {  	v14 =	vld [tilespmem:s1+$0x8A00]  }
0x1fd: {  	v15 =	vld [tilespmem:s1+$0x8A80]  }
0x1fe: {  	v16 =	vld [tilespmem:s1+$0x8A90]  }
0x1ff: {  	v17 =	vld [tilespmem:s1+$0x8AA0]  }
0x200: {  	v18 =	vld [tilespmem:s1+$0x8A70]  }
0x201: {  	s1 =	sor.u32 $0x10, s11;
	[tilespmem:s0+$0x17F00] =	vst.add.f32.msk $0xffff, v14  }
0x202: {  	[tilespmem:s1+$0x0] =	vst.add.f32.msk $0xffff, v13;
	s1 =	sor.u32 $0x20, s11  }
0x203: {  	[tilespmem:s1+$0x0] =	vst.add.f32.msk $0xffff, v12;
	s1 =	sor.u32 $0x30, s11  }
0x204: {  	[tilespmem:s1+$0x0] =	vst.add.f32.msk $0xffff, v9;
	s1 =	sor.u32 $0x40, s11  }
0x205: {  	[tilespmem:s1+$0x0] =	vst.add.f32.msk $0xffff, v5;
	s1 =	sor.u32 $0x50, s11  }
0x206: {  	[tilespmem:s1+$0x0] =	vst.add.f32.msk $0xffff, v4;
	s1 =	sor.u32 $0x60, s11  }
0x207: {  	[tilespmem:s1+$0x0] =	vst.add.f32.msk $0xffff, v11;
	s1 =	sor.u32 $0x70, s11  }
0x208: {  	[tilespmem:s1+$0x0] =	vst.add.f32.msk $0xffff, v18  }
0x209: {  	[tilespmem:s0+$0x18300] =	vst.add.f32.msk $0xffff, v15;
	s0 =	sor.u32 $0x10, s31  }
0x20a: {  	[tilespmem:s0+$0x0] =	vst.add.f32.msk $0xffff, v16;
	s0 =	sor.u32 $0x20, s31  }
.Ltmp3:
0x20b: {  	[tilespmem:s0+$0x0] =	vst.add.f32.msk $0xffff, v17;
	s0 =	sor.u32 $0x30, s31;
	(pc) =	sbr.rel @p0 .LBB2_5-.Ltmp3, $4  }
0x20c: {  	[tilespmem:s0+$0x0] =	vst.add.f32.msk $0xffff, v10;
	s0 =	sor.u32 $0x40, s31  }
0x20d: {  	[tilespmem:s0+$0x0] =	vst.add.f32.msk $0xffff, v8;
	s0 =	sor.u32 $0x50, s31  }
0x20e: {  	s28 =	sadd.s32 $0x1, s28;
	[tilespmem:s0+$0x0] =	vst.add.f32.msk $0xffff, v7;
	s0 =	sor.u32 $0x60, s31  }
0x20f: {  	s29 =	sadd.s32 $0x80, s29;
	s11 =	sor.u32 $0x70, s31;
	[tilespmem:s0+$0x0] =	vst.add.f32.msk $0xffff, v6;
	s0 =	smov.u32 s30  }
0x210: {  	[tilespmem:s11+$0x0] =	vst.add.f32.msk $0xffff, v3;
	s0 =	sadd.s32 $0xC00, s26;
	p0 =	seq.s32 s12, $0x7F  }
0x211: {  	[hbm4b:s0+s3] =	stream.linear.scatter [tilespmem:s25], [sflag:$0x5], $0x6000, $0x38;
	[tilespmem:$0x1FF00] =	vst v63  }
0x212: {  	s0 =	simm.s32 @!p0 $0x4  }
0x213: {  	_ =	swait.ge @!p0 [sflag:s0], $0x6000  }
0x214: {  	[sflag:s0] =	ssyncset.done @!p0 $0x0  }
0x215: {  	[sflag:s0] =	ssyncadd.s32 @!p0 $0xFFFFA000  }
0x216: {  	v3 =	vld @!p0 [tilespmem:s6+$0x50];
	_ =	sdelay $0x4  }
0x217: {  	v4 =	vshrl.u32 @!p0 v3, $0x3  }
0x218: {  	v4 =	vmul.u32 @!p0 $0x30, v4  }
0x219: {  	v5 =	vlaneseq.u32 @!p0;
	v3 =	vand.u32 @!p0 $0x7, v3  }
0x21a: {  	v6 =	vshrl.u32 @!p0 v5, $0x3;
	v3 =	vor.u32 @!p0 v3, v4;
	v4 =	vand.u32 @!p0 $0x7, v5  }
0x21b: {  	v6 =	vmul.u32 @!p0 $0x8, v6;
	v7 =	vperm.xlane @!p0 v3, v4;
	_ =	sdelay $0x1  }
0x21c: {  	v7 =	vadd.s32 @!p0 v6, v7;
	_ =	sdelay $0x2  }
0x21d: {  	v5 =	vor.u32 @!p0 $0x8, v5  }
0x21e: {  	vm1 =	vmmov @!p0 $0xffff;
	s1 =	simm.s32 @!p0 $0x10F00;
	s0 =	simm.s32 @!p0 $0x0;
	v3 =	vperm.xlane @!p0 v3, v5  }
0x21f: {  	[tilespmem:s1], [sflag:$0x1] =	stream.indirect_vreg.gather @!p0 [hbm4b:s2+s0], $0x80, v7, vm1, $0xb8;
	[tilespmem:$0x1FF00] =	vst v63  }
0x220: {  	v3 =	vadd.s32 @!p0 v6, v3;
	s1 =	simm.s32 @!p0 $0x11700  }
0x221: {  	[tilespmem:s1], [sflag:$0x1] =	stream.indirect_vreg.gather @!p0 [hbm4b:s7+s0], $0x80, v7, vm1, $0xb8;
	[tilespmem:$0x1FF00] =	vst v63  }
0x222: {  	s1 =	simm.s32 @!p0 $0x11F00  }
0x223: {  	[tilespmem:s1], [sflag:$0x1] =	stream.indirect_vreg.gather @!p0 [hbm4b:s8+s0], $0x80, v7, vm1, $0xb8;
	[tilespmem:$0x1FF00] =	vst v63  }
0x224: {  	s1 =	simm.s32 @!p0 $0x12700  }
0x225: {  	[tilespmem:s1], [sflag:$0x1] =	stream.indirect_vreg.gather @!p0 [hbm4b:s2+s0], $0x80, v3, vm1, $0xb8;
	[tilespmem:$0x1FF00] =	vst v63  }
0x226: {  	s1 =	simm.s32 @!p0 $0x12F00  }
0x227: {  	[tilespmem:s1], [sflag:$0x1] =	stream.indirect_vreg.gather @!p0 [hbm4b:s7+s0], $0x80, v3, vm1, $0xb8;
	[tilespmem:$0x1FF00] =	vst v63  }
0x228: {  	s1 =	simm.s32 @!p0 $0x13700  }
0x229: {  	[tilespmem:s1], [sflag:$0x1] =	stream.indirect_vreg.gather @!p0 [hbm4b:s8+s0], $0x80, v3, vm1, $0xb8;
	[tilespmem:$0x1FF00] =	vst v63  }
0x22a: {  	v3 =	vld @!p0 [tilespmem:s6+$0x60];
	_ =	sdelay $0x4  }
0x22b: {  	v7 =	vshrl.u32 @!p0 v3, $0x3  }
0x22c: {  	v7 =	vmul.u32 @!p0 $0x30, v7  }
0x22d: {  	v3 =	vand.u32 @!p0 $0x7, v3  }
0x22e: {  	v3 =	vor.u32 @!p0 v3, v7  }
0x22f: {  	v4 =	vperm.xlane @!p0 v3, v4;
	_ =	sdelay $0x1  }
0x230: {  	v4 =	vadd.s32 @!p0 v6, v4;
	_ =	sdelay $0x3  }
0x231: {  	s1 =	simm.s32 @!p0 $0x13F00;
	v3 =	vperm.xlane @!p0 v3, v5  }
0x232: {  	[tilespmem:s1], [sflag:$0x1] =	stream.indirect_vreg.gather @!p0 [hbm4b:s2+s0], $0x80, v4, vm1, $0xb8;
	[tilespmem:$0x1FF00] =	vst v63  }
0x233: {  	v3 =	vadd.s32 @!p0 v6, v3;
	s1 =	simm.s32 @!p0 $0x14700  }
0x234: {  	[tilespmem:s1], [sflag:$0x1] =	stream.indirect_vreg.gather @!p0 [hbm4b:s7+s0], $0x80, v4, vm1, $0xb8;
	[tilespmem:$0x1FF00] =	vst v63  }
0x235: {  	s1 =	simm.s32 @!p0 $0x14F00  }
0x236: {  	[tilespmem:s1], [sflag:$0x1] =	stream.indirect_vreg.gather @!p0 [hbm4b:s8+s0], $0x80, v4, vm1, $0xb8;
	[tilespmem:$0x1FF00] =	vst v63  }
0x237: {  	s1 =	simm.s32 @!p0 $0x15700  }
0x238: {  	[tilespmem:s1], [sflag:$0x1] =	stream.indirect_vreg.gather @!p0 [hbm4b:s2+s0], $0x80, v3, vm1, $0xb8;
	[tilespmem:$0x1FF00] =	vst v63  }
0x239: {  	s1 =	simm.s32 @!p0 $0x15F00  }
0x23a: {  	[tilespmem:s1], [sflag:$0x1] =	stream.indirect_vreg.gather @!p0 [hbm4b:s7+s0], $0x80, v3, vm1, $0xb8;
	[tilespmem:$0x1FF00] =	vst v63  }
0x23b: {  	s1 =	simm.s32 @!p0 $0x16700  }
0x23c: {  	[tilespmem:s1], [sflag:$0x1] =	stream.indirect_vreg.gather @!p0 [hbm4b:s8+s0], $0x80, v3, vm1, $0xb8;
	[tilespmem:$0x1FF00] =	vst v63  }
0x23d: {  	_ =	swait.ge [sflag:s4], $0x3000  }
0x23e: {  	[sflag:s4] =	ssyncset.done $0x0  }
0x23f: {  	s0 =	simm.s32 $0x0;
	[sflag:s4] =	ssyncadd.s32 $0xFFFFD000  }
0x240: {  	v3 =	vld [tilespmem:s0+$0xE8F0]  }
0x241: {  	v4 =	vld [tilespmem:s0+$0xE8E0]  }
0x242: {  	v5 =	vld [tilespmem:s0+$0xE8D0]  }
0x243: {  	v62 =	vld [tilespmem:s0+$0xE8C0]  }
0x244: {  	v63 =	vld [tilespmem:s0+$0xE8B0]  }
0x245: {  	v8 =	vld [tilespmem:s0+$0xE890]  }
0x246: {  	v9 =	vld [tilespmem:s0+$0xE880]  }
0x247: {  	v10 =	vld [tilespmem:s0+$0xE860]  }
0x248: {  	v11 =	vld [tilespmem:s0+$0xE830]  }
0x249: {  	v12 =	vld [tilespmem:s0+$0xE820]  }
0x24a: {  	s15 =	simm.s32 $0x0;
	v13 =	vld [tilespmem:s0+$0xE810]  }
0x24b: {  	s1 =	smul.u32 $0x6000, s15;
	v14 =	vld [tilespmem:s0+$0xE800]  }
0x24c: {  	s16 =	simm.s32 $0x0;
	v15 =	vld [tilespmem:s0+$0xE870]  }
0x24d: {  	s11 =	sand.u32 $0x380, s16;
	s1 =	sshra.s32 s1, $0x2;
	v16 =	vld [tilespmem:s0+$0xE840]  }
0x24e: {  	s1 =	sor.u32 s11, s1;
	v17 =	vld [tilespmem:s0+$0xE8A0]  }
0x24f: {  	s11 =	sadd.s32 $0x1CF00, s1;
	v18 =	vld [tilespmem:s0+$0xE850]  }
0x250: {  	s14 =	sor.u32 $0x10, s11;
	[tilespmem:s1+$0x1CF00] =	vst.add.f32.msk $0xffff, v14  }
0x251: {  	s15 =	sor.u32 $0x20, s11;
	[tilespmem:s14+$0x0] =	vst.add.f32.msk $0xffff, v13  }
0x252: {  	s19 =	sor.u32 $0x30, s11;
	[tilespmem:s15+$0x0] =	vst.add.f32.msk $0xffff, v12  }
0x253: {  	s20 =	sor.u32 $0x40, s11;
	[tilespmem:s19+$0x0] =	vst.add.f32.msk $0xffff, v11  }
0x254: {  	s21 =	sor.u32 $0x50, s11;
	[tilespmem:s20+$0x0] =	vst.add.f32.msk $0xffff, v16  }
0x255: {  	s22 =	sor.u32 $0x60, s11;
	[tilespmem:s21+$0x0] =	vst.add.f32.msk $0xffff, v18  }
0x256: {  	s23 =	sor.u32 $0x70, s11;
	[tilespmem:s22+$0x0] =	vst.add.f32.msk $0xffff, v10  }
0x257: {  	[tilespmem:s23+$0x0] =	vst.add.f32.msk $0xffff, v15  }
0x258: {  	[tilespmem:s11+$0x470] =	vst.add.f32.msk $0xffff, v3  }
0x259: {  	[tilespmem:s11+$0x460] =	vst.add.f32.msk $0xffff, v4  }
0x25a: {  	[tilespmem:s11+$0x430] =	vst.add.f32.msk $0xffff, v63  }
0x25b: {  	[tilespmem:s11+$0x420] =	vst.add.f32.msk $0xffff, v17  }
0x25c: {  	[tilespmem:s11+$0x410] =	vst.add.f32.msk $0xffff, v8  }
0x25d: {  	[tilespmem:s11+$0x450] =	vst.add.f32.msk $0xffff, v5  }
0x25e: {  	[tilespmem:s11+$0x440] =	vst.add.f32.msk $0xffff, v62  }
0x25f: {  	[tilespmem:s11+$0x400] =	vst.add.f32.msk $0xffff, v9  }
0x260: {  	v3 =	vld [tilespmem:s0+$0xE9F0]  }
0x261: {  	v4 =	vld [tilespmem:s0+$0xE970]  }
0x262: {  	v5 =	vld [tilespmem:s0+$0xE9D0]  }
0x263: {  	v6 =	vld [tilespmem:s0+$0xE9C0]  }
0x264: {  	v7 =	vld [tilespmem:s0+$0xE990]  }
0x265: {  	v8 =	vld [tilespmem:s0+$0xE9A0]  }
0x266: {  	v9 =	vld [tilespmem:s0+$0xE980]  }
0x267: {  	v10 =	vld [tilespmem:s0+$0xE930]  }
0x268: {  	v11 =	vld [tilespmem:s0+$0xE950]  }
0x269: {  	v12 =	vld [tilespmem:s0+$0xE920]  }
0x26a: {  	v13 =	vld [tilespmem:s0+$0xE910]  }
0x26b: {  	v14 =	vld [tilespmem:s0+$0xE900]  }
0x26c: {  	v15 =	vld [tilespmem:s0+$0xE9E0]  }
0x26d: {  	v16 =	vld [tilespmem:s0+$0xE960]  }
0x26e: {  	v17 =	vld [tilespmem:s0+$0xE9B0]  }
0x26f: {  	s30 =	sadd.s32 $0x1D700, s1;
	v18 =	vld [tilespmem:s0+$0xE940]  }
0x270: {  	s31 =	sor.u32 $0x10, s30;
	[tilespmem:s1+$0x1D700] =	vst.add.f32.msk $0xffff, v14  }
0x271: {  	s15 =	sor.u32 $0x20, s30;
	[tilespmem:s31+$0x0] =	vst.add.f32.msk $0xffff, v13  }
0x272: {  	s16 =	sor.u32 $0x30, s30;
	[tilespmem:s15+$0x0] =	vst.add.f32.msk $0xffff, v12  }
0x273: {  	s19 =	sor.u32 $0x40, s30;
	[tilespmem:s16+$0x0] =	vst.add.f32.msk $0xffff, v10  }
0x274: {  	s20 =	sor.u32 $0x50, s30;
	[tilespmem:s19+$0x0] =	vst.add.f32.msk $0xffff, v18  }
0x275: {  	s21 =	sor.u32 $0x60, s30;
	[tilespmem:s20+$0x0] =	vst.add.f32.msk $0xffff, v11  }
0x276: {  	s11 =	sor.u32 $0x70, s30;
	[tilespmem:s21+$0x0] =	vst.add.f32.msk $0xffff, v16  }
0x277: {  	s22 =	sadd.s32 $0x1DB00, s1;
	[tilespmem:s11+$0x0] =	vst.add.f32.msk $0xffff, v4  }
0x278: {  	s23 =	sor.u32 $0x10, s22;
	[tilespmem:s1+$0x1DB00] =	vst.add.f32.msk $0xffff, v9  }
0x279: {  	s30 =	sor.u32 $0x20, s22;
	[tilespmem:s23+$0x0] =	vst.add.f32.msk $0xffff, v7  }
0x27a: {  	s31 =	sor.u32 $0x30, s22;
	[tilespmem:s30+$0x0] =	vst.add.f32.msk $0xffff, v8  }
0x27b: {  	s15 =	sor.u32 $0x40, s22;
	[tilespmem:s31+$0x0] =	vst.add.f32.msk $0xffff, v17  }
0x27c: {  	s16 =	sor.u32 $0x50, s22;
	[tilespmem:s15+$0x0] =	vst.add.f32.msk $0xffff, v6  }
0x27d: {  	s19 =	sor.u32 $0x60, s22;
	[tilespmem:s16+$0x0] =	vst.add.f32.msk $0xffff, v5  }
0x27e: {  	s20 =	sor.u32 $0x70, s22;
	[tilespmem:s19+$0x0] =	vst.add.f32.msk $0xffff, v15  }
0x27f: {  	[tilespmem:s20+$0x0] =	vst.add.f32.msk $0xffff, v3  }
0x280: {  	v4 =	vld [tilespmem:s0+$0xEA50]  }
0x281: {  	v5 =	vld [tilespmem:s0+$0xEA40]  }
0x282: {  	v6 =	vld [tilespmem:s0+$0xEAE0]  }
0x283: {  	v7 =	vld [tilespmem:s0+$0xEAD0]  }
0x284: {  	v8 =	vld [tilespmem:s0+$0xEAC0]  }
0x285: {  	v9 =	vld [tilespmem:s0+$0xEA30]  }
0x286: {  	v3 =	vld [tilespmem:s0+$0xEAF0]  }
0x287: {  	v10 =	vld [tilespmem:s0+$0xEAB0]  }
0x288: {  	v11 =	vld [tilespmem:s0+$0xEA60]  }
0x289: {  	v12 =	vld [tilespmem:s0+$0xEA20]  }
0x28a: {  	v13 =	vld [tilespmem:s0+$0xEA10]  }
0x28b: {  	v14 =	vld [tilespmem:s0+$0xEA00]  }
0x28c: {  	v15 =	vld [tilespmem:s0+$0xEA80]  }
0x28d: {  	v16 =	vld [tilespmem:s0+$0xEA90]  }
0x28e: {  	v17 =	vld [tilespmem:s0+$0xEAA0]  }
0x28f: {  	s21 =	sadd.s32 $0x1DF00, s1;
	v18 =	vld [tilespmem:s0+$0xEA70]  }
0x290: {  	s22 =	sor.u32 $0x10, s21;
	[tilespmem:s1+$0x1DF00] =	vst.add.f32.msk $0xffff, v14  }
0x291: {  	s23 =	sor.u32 $0x20, s21;
	[tilespmem:s22+$0x0] =	vst.add.f32.msk $0xffff, v13  }
0x292: {  	s30 =	sor.u32 $0x30, s21;
	[tilespmem:s23+$0x0] =	vst.add.f32.msk $0xffff, v12  }
0x293: {  	s31 =	sor.u32 $0x40, s21;
	[tilespmem:s30+$0x0] =	vst.add.f32.msk $0xffff, v9  }
0x294: {  	s14 =	sor.u32 $0x50, s21;
	[tilespmem:s31+$0x0] =	vst.add.f32.msk $0xffff, v5  }
0x295: {  	s15 =	sor.u32 $0x60, s21;
	[tilespmem:s14+$0x0] =	vst.add.f32.msk $0xffff, v4  }
0x296: {  	s16 =	sor.u32 $0x70, s21;
	[tilespmem:s15+$0x0] =	vst.add.f32.msk $0xffff, v11  }
0x297: {  	s19 =	sadd.s32 $0x1E300, s1;
	[tilespmem:s16+$0x0] =	vst.add.f32.msk $0xffff, v18  }
0x298: {  	s20 =	sor.u32 $0x10, s19;
	[tilespmem:s1+$0x1E300] =	vst.add.f32.msk $0xffff, v15  }
0x299: {  	s21 =	sor.u32 $0x20, s19;
	[tilespmem:s20+$0x0] =	vst.add.f32.msk $0xffff, v16  }
0x29a: {  	s22 =	sor.u32 $0x30, s19;
	[tilespmem:s21+$0x0] =	vst.add.f32.msk $0xffff, v17  }
0x29b: {  	s23 =	sor.u32 $0x40, s19;
	[tilespmem:s22+$0x0] =	vst.add.f32.msk $0xffff, v10  }
0x29c: {  	s30 =	sor.u32 $0x50, s19;
	[tilespmem:s23+$0x0] =	vst.add.f32.msk $0xffff, v8  }
0x29d: {  	s28 =	simm.s32 $0x1;
	s31 =	sor.u32 $0x60, s19;
	[tilespmem:s30+$0x0] =	vst.add.f32.msk $0xffff, v7  }
0x29e: {  	s29 =	simm.s32 $0x80;
	s11 =	sor.u32 $0x70, s19;
	s0 =	simm.s32 $0xC00;
	[tilespmem:s31+$0x0] =	vst.add.f32.msk $0xffff, v6  }
.LBB2_7:
0x29f: {  	s1 =	sshra.s32 s0, $0x2  }
0x2a0: {  	s14 =	sshrl.u32 s28, $0x3;
	[tilespmem:s11+$0x0] =	vst.add.f32.msk $0xffff, v3;
	s11 =	smov.u32 s0;
	s30 =	sadd.s32 $0xC00, s0  }
0x2a1: {  	p1 =	sne.s32 s0, $0x9000;
	v3 =	vld [tilespmem:s1+$0xE8F0];
	s11 =	smul.u32 $0x6000, s14  }
0x2a2: {  	v4 =	vld [tilespmem:s1+$0xE8E0]  }
0x2a3: {  	s0 =	sand.u32 $0x380, s29;
	v5 =	vld [tilespmem:s1+$0xE8D0];
	s11 =	sshra.s32 s11, $0x2  }
0x2a4: {  	v6 =	vld [tilespmem:s1+$0xE8C0];
	s0 =	sor.u32 s0, s11  }
0x2a5: {  	v7 =	vld [tilespmem:s1+$0xE8B0];
	s16 =	sadd.s32 $0x1CF00, s0;
	s15 =	sadd.s32 $0x1D700, s0;
	s14 =	sadd.s32 $0x1DB00, s0  }
0x2a6: {  	s11 =	sadd.s32 $0x1DF00, s0;
	s31 =	sadd.s32 $0x1E300, s0;
	v8 =	vld [tilespmem:s1+$0xE890];
	s19 =	sor.u32 $0x10, s16  }
0x2a7: {  	s20 =	sor.u32 $0x20, s16;
	v9 =	vld [tilespmem:s1+$0xE880]  }
0x2a8: {  	v10 =	vld [tilespmem:s1+$0xE860]  }
0x2a9: {  	v11 =	vld [tilespmem:s1+$0xE830]  }
0x2aa: {  	v12 =	vld [tilespmem:s1+$0xE820]  }
0x2ab: {  	v13 =	vld [tilespmem:s1+$0xE810]  }
0x2ac: {  	s21 =	sor.u32 $0x40, s16;
	v14 =	vld [tilespmem:s1+$0xE800]  }
0x2ad: {  	v15 =	vld [tilespmem:s1+$0xE870]  }
0x2ae: {  	s22 =	sor.u32 $0x50, s16;
	v16 =	vld [tilespmem:s1+$0xE840]  }
0x2af: {  	v17 =	vld [tilespmem:s1+$0xE8A0]  }
0x2b0: {  	v18 =	vld [tilespmem:s1+$0xE850]  }
0x2b1: {  	s23 =	sor.u32 $0x30, s16;
	[tilespmem:s0+$0x1CF00] =	vst.add.f32.msk $0xffff, v14  }
0x2b2: {  	[tilespmem:s19+$0x0] =	vst.add.f32.msk $0xffff, v13  }
0x2b3: {  	[tilespmem:s20+$0x0] =	vst.add.f32.msk $0xffff, v12  }
0x2b4: {  	[tilespmem:s23+$0x0] =	vst.add.f32.msk $0xffff, v11  }
0x2b5: {  	[tilespmem:s21+$0x0] =	vst.add.f32.msk $0xffff, v16  }
0x2b6: {  	s19 =	sor.u32 $0x60, s16;
	[tilespmem:s22+$0x0] =	vst.add.f32.msk $0xffff, v18  }
0x2b7: {  	[tilespmem:s19+$0x0] =	vst.add.f32.msk $0xffff, v10;
	s19 =	sor.u32 $0x70, s16  }
0x2b8: {  	[tilespmem:s19+$0x0] =	vst.add.f32.msk $0xffff, v15  }
0x2b9: {  	[tilespmem:s16+$0x470] =	vst.add.f32.msk $0xffff, v3  }
0x2ba: {  	[tilespmem:s16+$0x460] =	vst.add.f32.msk $0xffff, v4  }
0x2bb: {  	[tilespmem:s16+$0x430] =	vst.add.f32.msk $0xffff, v7  }
0x2bc: {  	[tilespmem:s16+$0x420] =	vst.add.f32.msk $0xffff, v17  }
0x2bd: {  	[tilespmem:s16+$0x410] =	vst.add.f32.msk $0xffff, v8  }
0x2be: {  	[tilespmem:s16+$0x450] =	vst.add.f32.msk $0xffff, v5  }
0x2bf: {  	[tilespmem:s16+$0x440] =	vst.add.f32.msk $0xffff, v6  }
0x2c0: {  	[tilespmem:s16+$0x400] =	vst.add.f32.msk $0xffff, v9  }
0x2c1: {  	v3 =	vld [tilespmem:s1+$0xE9F0]  }
0x2c2: {  	v4 =	vld [tilespmem:s1+$0xE970]  }
0x2c3: {  	v5 =	vld [tilespmem:s1+$0xE9D0]  }
0x2c4: {  	v6 =	vld [tilespmem:s1+$0xE9C0]  }
0x2c5: {  	v7 =	vld [tilespmem:s1+$0xE990]  }
0x2c6: {  	v8 =	vld [tilespmem:s1+$0xE9A0]  }
0x2c7: {  	v9 =	vld [tilespmem:s1+$0xE980]  }
0x2c8: {  	v10 =	vld [tilespmem:s1+$0xE930]  }
0x2c9: {  	v11 =	vld [tilespmem:s1+$0xE950]  }
0x2ca: {  	v12 =	vld [tilespmem:s1+$0xE920]  }
0x2cb: {  	v13 =	vld [tilespmem:s1+$0xE910]  }
0x2cc: {  	v14 =	vld [tilespmem:s1+$0xE900]  }
0x2cd: {  	v15 =	vld [tilespmem:s1+$0xE9E0]  }
0x2ce: {  	v16 =	vld [tilespmem:s1+$0xE960]  }
0x2cf: {  	v17 =	vld [tilespmem:s1+$0xE9B0]  }
0x2d0: {  	v18 =	vld [tilespmem:s1+$0xE940]  }
0x2d1: {  	s16 =	sor.u32 $0x10, s15;
	[tilespmem:s0+$0x1D700] =	vst.add.f32.msk $0xffff, v14  }
0x2d2: {  	[tilespmem:s16+$0x0] =	vst.add.f32.msk $0xffff, v13;
	s16 =	sor.u32 $0x20, s15  }
0x2d3: {  	[tilespmem:s16+$0x0] =	vst.add.f32.msk $0xffff, v12;
	s16 =	sor.u32 $0x30, s15  }
0x2d4: {  	[tilespmem:s16+$0x0] =	vst.add.f32.msk $0xffff, v10;
	s16 =	sor.u32 $0x40, s15  }
0x2d5: {  	[tilespmem:s16+$0x0] =	vst.add.f32.msk $0xffff, v18;
	s16 =	sor.u32 $0x50, s15  }
0x2d6: {  	[tilespmem:s16+$0x0] =	vst.add.f32.msk $0xffff, v11;
	s16 =	sor.u32 $0x60, s15  }
0x2d7: {  	s15 =	sor.u32 $0x70, s15;
	[tilespmem:s16+$0x0] =	vst.add.f32.msk $0xffff, v16  }
0x2d8: {  	[tilespmem:s15+$0x0] =	vst.add.f32.msk $0xffff, v4  }
0x2d9: {  	s15 =	sor.u32 $0x10, s14;
	[tilespmem:s0+$0x1DB00] =	vst.add.f32.msk $0xffff, v9  }
0x2da: {  	[tilespmem:s15+$0x0] =	vst.add.f32.msk $0xffff, v7;
	s15 =	sor.u32 $0x20, s14  }
0x2db: {  	[tilespmem:s15+$0x0] =	vst.add.f32.msk $0xffff, v8;
	s15 =	sor.u32 $0x30, s14  }
0x2dc: {  	[tilespmem:s15+$0x0] =	vst.add.f32.msk $0xffff, v17;
	s15 =	sor.u32 $0x40, s14  }
0x2dd: {  	[tilespmem:s15+$0x0] =	vst.add.f32.msk $0xffff, v6;
	s15 =	sor.u32 $0x50, s14  }
0x2de: {  	[tilespmem:s15+$0x0] =	vst.add.f32.msk $0xffff, v5;
	s15 =	sor.u32 $0x60, s14  }
0x2df: {  	s14 =	sor.u32 $0x70, s14;
	[tilespmem:s15+$0x0] =	vst.add.f32.msk $0xffff, v15  }
0x2e0: {  	[tilespmem:s14+$0x0] =	vst.add.f32.msk $0xffff, v3  }
0x2e1: {  	v4 =	vld [tilespmem:s1+$0xEA50]  }
0x2e2: {  	v5 =	vld [tilespmem:s1+$0xEA40]  }
0x2e3: {  	v6 =	vld [tilespmem:s1+$0xEAE0]  }
0x2e4: {  	v7 =	vld [tilespmem:s1+$0xEAD0]  }
0x2e5: {  	v8 =	vld [tilespmem:s1+$0xEAC0]  }
0x2e6: {  	v9 =	vld [tilespmem:s1+$0xEA30]  }
0x2e7: {  	v3 =	vld [tilespmem:s1+$0xEAF0]  }
0x2e8: {  	v10 =	vld [tilespmem:s1+$0xEAB0]  }
0x2e9: {  	v11 =	vld [tilespmem:s1+$0xEA60]  }
0x2ea: {  	v12 =	vld [tilespmem:s1+$0xEA20]  }
0x2eb: {  	v13 =	vld [tilespmem:s1+$0xEA10]  }
0x2ec: {  	v14 =	vld [tilespmem:s1+$0xEA00]  }
0x2ed: {  	v15 =	vld [tilespmem:s1+$0xEA80]  }
0x2ee: {  	v16 =	vld [tilespmem:s1+$0xEA90]  }
0x2ef: {  	v17 =	vld [tilespmem:s1+$0xEAA0]  }
0x2f0: {  	v18 =	vld [tilespmem:s1+$0xEA70]  }
0x2f1: {  	s1 =	sor.u32 $0x10, s11;
	[tilespmem:s0+$0x1DF00] =	vst.add.f32.msk $0xffff, v14  }
0x2f2: {  	[tilespmem:s1+$0x0] =	vst.add.f32.msk $0xffff, v13;
	s1 =	sor.u32 $0x20, s11  }
0x2f3: {  	[tilespmem:s1+$0x0] =	vst.add.f32.msk $0xffff, v12;
	s1 =	sor.u32 $0x30, s11  }
0x2f4: {  	[tilespmem:s1+$0x0] =	vst.add.f32.msk $0xffff, v9;
	s1 =	sor.u32 $0x40, s11  }
0x2f5: {  	[tilespmem:s1+$0x0] =	vst.add.f32.msk $0xffff, v5;
	s1 =	sor.u32 $0x50, s11  }
0x2f6: {  	[tilespmem:s1+$0x0] =	vst.add.f32.msk $0xffff, v4;
	s1 =	sor.u32 $0x60, s11  }
0x2f7: {  	[tilespmem:s1+$0x0] =	vst.add.f32.msk $0xffff, v11;
	s1 =	sor.u32 $0x70, s11  }
0x2f8: {  	[tilespmem:s1+$0x0] =	vst.add.f32.msk $0xffff, v18  }
0x2f9: {  	[tilespmem:s0+$0x1E300] =	vst.add.f32.msk $0xffff, v15;
	s0 =	sor.u32 $0x10, s31  }
0x2fa: {  	[tilespmem:s0+$0x0] =	vst.add.f32.msk $0xffff, v16;
	s0 =	sor.u32 $0x20, s31  }
.Ltmp4:
0x2fb: {  	[tilespmem:s0+$0x0] =	vst.add.f32.msk $0xffff, v17;
	s0 =	sor.u32 $0x30, s31;
	(pc) =	sbr.rel @p1 .LBB2_7-.Ltmp4, $4  }
0x2fc: {  	[tilespmem:s0+$0x0] =	vst.add.f32.msk $0xffff, v10;
	s0 =	sor.u32 $0x40, s31  }
0x2fd: {  	[tilespmem:s0+$0x0] =	vst.add.f32.msk $0xffff, v8;
	s0 =	sor.u32 $0x50, s31  }
0x2fe: {  	s28 =	sadd.s32 $0x1, s28;
	[tilespmem:s0+$0x0] =	vst.add.f32.msk $0xffff, v7;
	s0 =	sor.u32 $0x60, s31  }
0x2ff: {  	s29 =	sadd.s32 $0x80, s29;
	s11 =	sor.u32 $0x70, s31;
	[tilespmem:s0+$0x0] =	vst.add.f32.msk $0xffff, v6;
	s0 =	smov.u32 s30  }
.Ltmp5:
0x300: {  	(pc) =	sbr.rel @p0 .LBB2_10-.Ltmp5, $3  }
0x301: {  	_ =	sdelay $0x1  }
0x302: {  	[tilespmem:s11+$0x0] =	vst.add.f32.msk $0xffff, v3;
	s0 =	sadd.s32 $0x1800, s26  }
0x303: {  	[hbm4b:s0+s3] =	stream.linear.scatter [tilespmem:s18], [sflag:$0x6], $0x3000, $0x38;
	[tilespmem:$0x1FF00] =	vst v63  }
0x304: {  	_ =	swait.ge [sflag:s10], $0x6000  }
0x305: {  	[sflag:s10] =	ssyncset.done $0x0  }
0x306: {  	[sflag:s10] =	ssyncadd.s32 $0xFFFFA000  }
0x307: {  	v3 =	vld [tilespmem:s6+$0x70];
	_ =	sdelay $0x4  }
0x308: {  	v4 =	vshrl.u32 v3, $0x3  }
0x309: {  	v4 =	vmul.u32 $0x30, v4  }
0x30a: {  	v3 =	vand.u32 $0x7, v3  }
0x30b: {  	v3 =	vor.u32 v3, v4  }
0x30c: {  	v4 =	vperm.xlane v3, v0;
	_ =	sdelay $0x1  }
0x30d: {  	v4 =	vadd.s32 v1, v4;
	_ =	sdelay $0x3  }
0x30e: {  	v3 =	vperm.xlane v3, v2  }
0x30f: {  	[tilespmem:s25], [sflag:$0x2] =	stream.indirect_vreg.gather [hbm4b:s2+s3], $0x80, v4, vm0, $0xb8;
	[tilespmem:$0x1FF00] =	vst v63  }
0x310: {  	s0 =	simm.s32 $0x17700;
	v3 =	vadd.s32 v1, v3  }
0x311: {  	[tilespmem:s0], [sflag:$0x2] =	stream.indirect_vreg.gather [hbm4b:s7+s3], $0x80, v4, vm0, $0xb8;
	[tilespmem:$0x1FF00] =	vst v63  }
0x312: {  	s19 =	simm.s32 $0x17F00  }
0x313: {  	[tilespmem:s19], [sflag:$0x2] =	stream.indirect_vreg.gather [hbm4b:s8+s3], $0x80, v4, vm0, $0xb8;
	[tilespmem:$0x1FF00] =	vst v63  }
0x314: {  	s20 =	simm.s32 $0x18700  }
0x315: {  	[tilespmem:s20], [sflag:$0x2] =	stream.indirect_vreg.gather [hbm4b:s2+s3], $0x80, v3, vm0, $0xb8;
	[tilespmem:$0x1FF00] =	vst v63  }
0x316: {  	s21 =	simm.s32 $0x18F00  }
0x317: {  	[tilespmem:s21], [sflag:$0x2] =	stream.indirect_vreg.gather [hbm4b:s7+s3], $0x80, v3, vm0, $0xb8;
	[tilespmem:$0x1FF00] =	vst v63  }
0x318: {  	s22 =	simm.s32 $0x19700  }
0x319: {  	[tilespmem:s22], [sflag:$0x2] =	stream.indirect_vreg.gather [hbm4b:s8+s3], $0x80, v3, vm0, $0xb8;
	[tilespmem:$0x1FF00] =	vst v63  }
0x31a: {  	v3 =	vld [tilespmem:s6+$0x80];
	_ =	sdelay $0x4  }
0x31b: {  	v63 =	vshrl.u32 v3, $0x3  }
0x31c: {  	v4 =	vmul.u32 $0x30, v63  }
0x31d: {  	v3 =	vand.u32 $0x7, v3  }
0x31e: {  	v3 =	vor.u32 v3, v4  }
0x31f: {  	v4 =	vperm.xlane v3, v0;
	_ =	sdelay $0x1  }
0x320: {  	v4 =	vadd.s32 v1, v4;
	_ =	sdelay $0x3  }
0x321: {  	s23 =	simm.s32 $0x19F00;
	v3 =	vperm.xlane v3, v2  }
0x322: {  	[tilespmem:s23], [sflag:$0x2] =	stream.indirect_vreg.gather [hbm4b:s2+s3], $0x80, v4, vm0, $0xb8;
	[tilespmem:$0x1FF00] =	vst v63  }
0x323: {  	s26 =	simm.s32 $0x1A700;
	v3 =	vadd.s32 v1, v3  }
0x324: {  	[tilespmem:s26], [sflag:$0x2] =	stream.indirect_vreg.gather [hbm4b:s7+s3], $0x80, v4, vm0, $0xb8;
	[tilespmem:$0x1FF00] =	vst v63  }
0x325: {  	s28 =	simm.s32 $0x1AF00  }
0x326: {  	[tilespmem:s28], [sflag:$0x2] =	stream.indirect_vreg.gather [hbm4b:s8+s3], $0x80, v4, vm0, $0xb8;
	[tilespmem:$0x1FF00] =	vst v63  }
0x327: {  	s29 =	simm.s32 $0x1B700  }
0x328: {  	[tilespmem:s29], [sflag:$0x2] =	stream.indirect_vreg.gather [hbm4b:s2+s3], $0x80, v3, vm0, $0xb8;
	[tilespmem:$0x1FF00] =	vst v63  }
.Ltmp6:
0x329: {  	_ = 	snop;
	(pc) =	sbr.rel .LBB2_2-.Ltmp6, $4  }
0x32a: {  	s30 =	simm.s32 $0x1BF00  }
0x32b: {  	[tilespmem:s30], [sflag:$0x2] =	stream.indirect_vreg.gather [hbm4b:s7+s3], $0x80, v3, vm0, $0xb8;
	[tilespmem:$0x1FF00] =	vst v63  }
0x32c: {  	s31 =	simm.s32 $0x1C700;
	s12 =	sadd.s32 $0x1, s12  }
0x32d: {  	[tilespmem:s31], [sflag:$0x2] =	stream.indirect_vreg.gather [hbm4b:s8+s3], $0x80, v3, vm0, $0xb8;
	[tilespmem:$0x1FF00] =	vst v63  }
.LBB2_11:
0x32e: {  	_ =	sfence.sel $0x180000  }
0x32f: {  	[bflag:$0x0] =	sbarrier.arrive $0xFFFF  }
0x330: {  	_ =	strace $0x90000047  }
0x331: {  	s0 =	stileid.u32;
	[bflag:$0x2] =	sbarrier.arrive $0xFFFF  }
0x332: {  	p0 =	sne.s32 s0, $0x0;
	s0 =	rddreg [dreg:$0x3]  }
0x333: {  	s0 =	sadd.s32 @!p0 $0x100000, s0  }
0x334: {  	[sflag:s0] =	ssyncadd.tile.s32 @!p0 $0x1;
	_ =	shalt  }
.Lfunc_end2:
_tile_overlayer_lowered:
.L_overlay_start_2:
0x335: {  	(tag) =	ssettag $0x2  }
0x336: {  	s0 =	rddreg [dreg:$0x0];
	s2 =	stileid.u32  }
0x337: {  	s1 =	rddreg [dreg:$0x1];
	p0 =	sne.s32 s2, $0x0  }
0x338: {  	s3 =	rddreg [dreg:$0x2];
	[bflag:$0x3] =	sbarrier.arrive $0xFFFF;
	s2 =	simm.s32 @!p0 $0x1C07  }
0x339: {  	[timem:s3], [sflag:s2] =	dma.local @!p0 [hbm:s0], s1  }
0x33a: {  	s0 =	simm.s32 @!p0 $0x7  }
0x33b: {  	_ =	swait.ge @!p0 [sflag:s0], s1  }
0x33c: {  	s1 =	ssub.s32 @!p0 $0x0, s1;
	[sflag:s0] =	ssyncset.done @!p0 $0x0  }
0x33d: {  	[sflag:s0] =	ssyncadd.s32 @!p0 s1  }
0x33e: {  	[bflag:$0x3] =	sbarrier.arrive $0xFFFF  }
0x33f: {  	_ =	shalt  }

// kernel: sparse-core-data-format-call.cloned.1.call-start
scs
called_computation_lowered:
.L_overlay_start_0:
0x0: {  	s2 =	sld [smem:$0x3FD9]  }
0x1: {  	s3 =	sld [smem:$0x3FFE];
	_ =	sdelay $0x1  }
0x2: {  	s1 =	srdreg.scid  }
0x3: {  	s0 =	sand.u32 $0x1, s1  }
0x4: {  	s18 =	sshll.u32 s0, $0xA;
	s2 =	sadd.s32 s3, s2  }
0x5: {  	s2 =	sadd.s32 s2, s18  }
0x6: {  	[smem:$0x3FC5] =	sst s2  }
0x7: {  	_ = 	snop  }
0x8: {  	s2 =	sld [smem:$0x3FD0];
	(tm) =	ssettm $0x1  }
0x9: {  	s19 =	sld [smem:$0x3FFB];
	_ =	sdelay $0x3  }
0xa: {  	_ =	strace s19  }
0xb: {  	s3 =	sld [smem:$0x3FFC];
	_ =	sdelay $0x3  }
0xc: {  	_ =	strace s3  }
0xd: {  	s3 =	sld [smem:$0x3FFD];
	_ =	sdelay $0x3  }
0xe: {  	_ =	strace s3  }
0xf: {  	_ =	strace $0x8FFFFFFF  }
0x10: {  	s20 =	sld [smem:$0x3FDB];
	_ =	sdelay $0x1  }
0x11: {  	s4 =	simm.s32 $_scs_section_size  }
0x12: {  	s5 =	simm.s32 $_size__tile_overlayer_lowered;
	s6 =	simm.s32 $_tile_overlayer_lowered  }
0x13: {  	s23 =	simm.s32 $0x1BFF;
	s22 =	sshll.u32 s6, $0x1;
	s3 =	sadd.s32 s4, s20  }
0x14: {  	s7 =	simm.s32 $0x0;
	s21 =	sshll.u32 s5, $0x1;
	s5 =	sadd.s32 s22, s3  }
0x15: {  	[timem:s7], [sflag:s23] =	dma.local [hbm:s5], s21  }
0x16: {  	_ =	swait.ge [sflag:s23], s21  }
0x17: {  	s4 =	ssub.s32 $0x0, s21;
	[sflag:s23] =	ssyncset.done $0x0  }
0x18: {  	[sflag:s23] =	ssyncadd.s32 s4;
	_ =	sdelay $0x1  }
0x19: {  	s24 =	simm.s32 $0x1B8B  }
0x1a: {  	_ =	swait.ge [sflag:s24], $0x1  }
0x1b: {  	[sflag:s24] =	ssyncset.done $0x0  }
0x1c: {  	s26 =	simm.s32 $0x1B8E;
	s25 =	sld [smem:$0x3FFE];
	[sflag:s24] =	ssyncadd.s32 $0xFFFFFFFF  }
0x1d: {  	s27 =	simm.s32 $execute0_lowered;
	[smem:$0x3FD2] =	sst s26  }
0x1e: {  	s5 =	sshll.u32 s27, $0x1;
	_ =	strace $0x80000049;
	[dreg:$0x1] =	wrdreg $0xFFFFFFFF  }
0x1f: {  	s28 =	simm.s32 $_size_execute0_lowered;
	s3 =	sadd.s32 s3, s5;
	[dreg:$0x0] =	wrdreg $0x0  }
0x20: {  	s5 =	sshll.u32 s28, $0x1;
	[dreg:$0x2] =	wrdreg s3  }
0x21: {  	[dreg:$0x3] =	wrdreg s5  }
0x22: {  	[dreg:$0x4] =	wrdreg $0xC0  }
0x23: {  	_ =	task [dreg:s7], $0x5FFFF  }
0x24: {  	[dreg:$0x1] =	wrdreg $0xFFFFFFFF  }
0x25: {  	[dreg:$0x0] =	wrdreg $0x60  }
0x26: {  	[dreg:$0x2] =	wrdreg s25  }
0x27: {  	[dreg:$0x3] =	wrdreg s2  }
0x28: {  	[dreg:$0x4] =	wrdreg $0x9  }
0x29: {  	_ =	task.clear_ibuf [dreg:s7], $0x5FFFF;
	_ =	strace $0x90000049  }
0x2a: {  	s29 =	simm.s32 $0x9;
	_ =	strace $0x8000004B  }
0x2b: {  	_ =	swait.ge [sflag:s29], $0x1  }
0x2c: {  	[sflag:s29] =	ssyncadd.s32 $0xFFFFFFFF  }
0x2d: {  	_ =	strace $0x9000004B  }
0x2e: {  	_ =	sfence  }
0x2f: {  	s30 =	sld [smem:$0x0];
	_ =	sdelay $0x2  }
0x30: {  	s31 =	sshll.u32 s1, $0xD;
	s1 =	sshrl.u32 s1, $0x2  }
0x31: {  	s3 =	sand.u32 $0x4000, s31;
	s1 =	sadd.s32 s1, s30  }
0x32: {  	s0 =	sor.u32 s3, s0;
	s1 =	sshll.u32 s1, $0x11  }
0x33: {  	s0 =	sor.u32 s1, s0  }
0x34: {  	s0 =	sadd.s32 $0x8F2B, s0  }
0x35: {  	[sflag:s0] =	ssyncadd.remote.s32 $0x1  }
0x36: {  	_ =	sfence.sel $0xFFFF  }
0x37: {  	[dreg:$0x0] =	wrdreg $0xFFFFFFFF;
	(pc) =	sbr.abs _section_cstart, $3  }
0x38: {  	[dreg:$0x1] =	wrdreg $0xFFFFFFFF  }
0x39: {  	_ =	task.clear_ibuf [dreg:s7], $0x2FFFF;
	_ =	strace $0x9FFFFFFF  }
0x3a: {  	(tm) =	ssettm $0x7FFFFFFF  }
0x3b: {  	_ =	shalt  }
tec
execute0_lowered:
.L_overlay_start_1:
0x0: {  	(tag) =	ssettag $0x1  }
0x1: {  	s0 =	srdreg.scid  }
0x2: {  	s1 =	sshll.u32 s0, $0x4  }
0x3: {  	s6 =	rddreg [dreg:$0x0];
	s0 =	stileid.u32;
	s1 =	sand.u32 $0x10, s1  }
0x4: {  	s3 =	rddreg [dreg:$0x1];
	s1 =	sor.u32 s0, s1  }
0x5: {  	s5 =	simm.s32 $0x1;
	s31 =	simm.s32 $0x2;
	s2 =	sshll.u32 s1, $0x7  }
0x6: {  	s15 =	simm.s32 $0x0;
	s8 =	simm.s32 $0x1800;
	s4 =	ssub.s32 $0x1000, s2  }
0x7: {  	s9 =	simm.s32 $0x0;
	s14 =	simm.s32 $0x0;
	s30 =	sand.u32 $0xF80, s4  }
0x8: {  	s16 =	simm.s32 $0x0;
	s10 =	simm.s32 $0x0;
	p0 =	sne.s32 s30, $0x0  }
.Ltmp0:
0x9: {  	s7 =	sshrl.u32 s4, $0xC;
	s5 =	simm.s32 @!p0 $0x0;
	(pc) =	sbr.rel .LBB1_1-.Ltmp0, $4  }
0xa: {  	s11 =	simm.s32 $0x0;
	s1 =	rddreg [dreg:$0x2];
	s5 =	sadd.s32 s5, s7  }
0xb: {  	_ =	strace $0x8000004A;
	s4 =	simm.s32 $0x1;
	s5 =	smul.u32 $0x1CE, s5  }
0xc: {  	s13 =	simm.s32 $0x0;
	s6 =	sadd.s32 $0x2600, s6;
	[sflag:s4] =	ssyncpa.u1 $0x0  }
0xd: {  	s12 =	smov.u32 s2;
	[sflag:s31] =	ssyncpa.u1 $0x0;
	s7 =	sor.u32 $0x1, s5  }
.LBB1_4:
0xe: {  	_ =	sdelay $0x2  }
0xf: {  	s20 =	sshrl.u32 s16, $0x3  }
0x10: {  	[tilespmem:v0+s19+$0xFFFFFFD0 ss:$0x1] =	vst.idx.msk $0xffff, v7;
	s21 =	sshll.u32 s15, $0x3;
	s20 =	smul.u32 $0x1800, s20  }
0x11: {  	v56 =	vld.idx.msk [tilespmem:v1+s18+$0x0 ss:$0x1], $0xffff;
	[tilespmem:v0+s19+$0xFFFFFFE0 ss:$0x1] =	vst.idx.msk $0xffff, v5;
	s27 =	sshll.u32 s16, $0x7;
	s21 =	sand.u32 $0xFFFFFC00, s21  }
0x12: {  	v57 =	vld.idx.msk [tilespmem:v1+s18+$0xFFFFFF90 ss:$0x1], $0xffff;
	[tilespmem:v0+s19+$0xFFFFFFF0 ss:$0x1] =	vst.idx.msk $0xffff, v4;
	s16 =	sand.u32 $0x380, s27;
	s20 =	sadd.s32 s20, s21  }
0x13: {  	v58 =	vld.idx.msk [tilespmem:v1+s18+$0xFFFFFFA0 ss:$0x1], $0xffff;
	[tilespmem:v0+s19+$0x0 ss:$0x1] =	vst.idx.msk $0xffff, v2;
	s28 =	sand.u32 $0x7F, s15;
	s16 =	sor.u32 s16, s20  }
0x14: {  	v59 =	vld.idx.msk [tilespmem:v1+s18+$0xFFFFFFB0 ss:$0x1], $0xffff;
	[tilespmem:v0+s19+$0x10 ss:$0x1] =	vst.idx.msk $0xffff, v3;
	s15 =	sor.u32 s28, s16  }
0x15: {  	v60 =	vld.idx.msk [tilespmem:v1+s18+$0xFFFFFFC0 ss:$0x1], $0xffff;
	[tilespmem:v0+s19+$0x20 ss:$0x1] =	vst.idx.msk $0xffff, v6;
	s29 =	smulhi.u32 $0xAAAAAAAB, s15  }
0x16: {  	v61 =	vld.idx.msk [tilespmem:v1+s18+$0xFFFFFFD0 ss:$0x1], $0xffff;
	[tilespmem:v0+s18+$0x30 ss:$0x1] =	vst.idx.msk $0xffff, v56;
	s16 =	smulhi.u32 $0xAAAAAAAB, s16  }
0x17: {  	v62 =	vld.idx.msk [tilespmem:v1+s18+$0xFFFFFFE0 ss:$0x1], $0xffff;
	[tilespmem:v0+s18+$0xFFFFFFC0 ss:$0x1] =	vst.idx.msk $0xffff, v57;
	s19 =	sshrl.u32 s29, $0x9  }
0x18: {  	v63 =	vld.idx.msk [tilespmem:v1+s18+$0xFFFFFFF0 ss:$0x1], $0xffff;
	[tilespmem:v0+s18+$0xFFFFFFD0 ss:$0x1] =	vst.idx.msk $0xffff, v58;
	s16 =	sshrl.u32 s16, $0x9;
	s19 =	smul.u32 $0x300, s19  }
0x19: {  	s14 =	smul.u32 $0x60000, s14;
	[tilespmem:v0+s18+$0xFFFFFFE0 ss:$0x1] =	vst.idx.msk $0xffff, v59;
	s16 =	sand.u32 $0xFFF, s16  }
0x1a: {  	[tilespmem:v0+s18+$0xFFFFFFF0 ss:$0x1] =	vst.idx.msk $0xffff, v60;
	s16 =	smul.u32 $0x60, s16;
	s15 =	ssub.s32 s15, s19  }
0x1b: {  	s14 =	sadd.s32 s3, s14;
	[tilespmem:v0+s18+$0x0 ss:$0x1] =	vst.idx.msk $0xffff, v61;
	s19 =	sand.u32 $0x7, s15  }
0x1c: {  	[tilespmem:v0+s18+$0x10 ss:$0x1] =	vst.idx.msk $0xffff, v62;
	s14 =	sadd.s32 s16, s14;
	s15 =	sshrl.u32 s15, $0x3;
	s30 =	sshll.u32 s19, $0x12  }
0x1d: {  	[tilespmem:v0+s18+$0x20 ss:$0x1] =	vst.idx.msk $0xffff, v63;
	s14 =	sadd.s32 s15, s14;
	s31 =	sor.u32 $0x400, s30  }
0x1e: {  	[hbm4b:s14+s31] =	stream.strided.scatter [tilespmem:s17], [sflag:$0x2], $0x4000, s8, s31, $0x38;
	[tilespmem:$0x10000] =	vst v63  }
.LBB1_5:
0x1f: {  	s17 =	sadd.s32 $0x80, s10  }
0x20: {  	s14 =	simm.s32 $0x1;
	p1 =	sgt.s32 s17, $0x2FF  }
0x21: {  	s14 =	simm.s32 @!p1 $0x0  }
0x22: {  	s18 =	sadd.s32 s14, s11  }
0x23: {  	s20 =	smov.u32 s12;
	s14 =	sadd.s32 $0x1000, s12;
	p2 =	sgt.s32 s18, $0x4C  }
0x24: {  	s20 =	smov.u32 @p2 s14  }
0x25: {  	s17 =	simm.s32 @p1 $0x0;
	p1 =	sgt.s32 s20, $0xFFF  }
0x26: {  	p0 =	slt.u32 s13, $0x2;
	s20 =	smov.u32 @p1 s2;
	p1 =	sne.s32 s13, s7  }
.Ltmp1:
0x27: {  	s19 =	simm.s32 @!p0 $0x2;
	(pc) =	sbr.rel @!p1 .LBB1_6-.Ltmp1, $4  }
0x28: {  	s15 =	smov.u32 s10;
	s16 =	smov.u32 s12;
	_ =	swait.ge @!p0 [sflag:s19], $0x4000  }
0x29: {  	s9 =	sadd.s32 $0x4000, s9;
	[sflag:s19] =	ssyncset.done @!p0 $0x0;
	s10 =	smov.u32 s17  }
0x2a: {  	[sflag:s19] =	ssyncadd.s32 @!p0 $0xFFFFC000;
	s18 =	simm.s32 @p2 $0x0;
	s14 =	smov.u32 s11  }
0x2b: {  	s11 =	smov.u32 s18;
	s13 =	sadd.s32 $0x1, s13;
	s12 =	smov.u32 s20  }
.LBB1_1:
0x2c: {  	p0 =	sge.u32 s13, s5  }
0x2d: {  	s17 =	sshrl.u32 @!p0 s11, $0x3  }
0x2e: {  	s18 =	sshll.u32 @!p0 s10, $0x3;
	s17 =	smul.u32 @!p0 $0x1800, s17  }
0x2f: {  	s19 =	sshll.u32 @!p0 s11, $0x7;
	s18 =	sand.u32 @!p0 $0xFFFFFC00, s18  }
0x30: {  	s17 =	sadd.s32 @!p0 s17, s18;
	s18 =	sand.u32 @!p0 $0x380, s19  }
0x31: {  	s17 =	sor.u32 @!p0 s18, s17  }
0x32: {  	s18 =	sand.u32 @!p0 $0x7F, s10;
	s19 =	smulhi.u32 @!p0 $0xAAAAAAAB, s17  }
0x33: {  	s17 =	sor.u32 @!p0 s18, s17  }
0x34: {  	s18 =	smulhi.u32 @!p0 $0xAAAAAAAB, s17;
	s19 =	sshrl.u32 @!p0 s19, $0x9  }
0x35: {  	s20 =	smulhi.u32 @!p0 $0x3333334, s19;
	_ =	sdelay $0x1  }
0x36: {  	s18 =	sshrl.u32 @!p0 s18, $0x9;
	s20 =	smul.u32 @!p0 $0x50, s20  }
0x37: {  	s31 =	sadd.s32 $0xFFFFFFFF, s13;
	s18 =	smul.u32 @!p0 $0x300, s18  }
0x38: {  	s21 =	sxor.u32 @!p0 $0xFFFFFFFF, s13;
	s19 =	ssub.s32 @!p0 s19, s20;
	s20 =	smul.u32 @!p0 $0x1E00, s12  }
0x39: {  	s21 =	sshll.u32 @!p0 s21, $0xE;
	s17 =	ssub.s32 @!p0 s17, s18;
	s18 =	smul.u32 @!p0 $0x60, s19  }
0x3a: {  	s19 =	sand.u32 @!p0 $0x4000, s21;
	s21 =	sand.u32 @!p0 $0x7, s17;
	s20 =	sadd.s32 @!p0 s6, s20  }
0x3b: {  	s17 =	sshrl.u32 @!p0 s17, $0x3;
	s18 =	sadd.s32 @!p0 s18, s20;
	s20 =	sshll.u32 @!p0 s21, $0x12  }
0x3c: {  	s17 =	sadd.s32 @!p0 s17, s18;
	s18 =	sor.u32 @!p0 $0x80, s20;
	s20 =	simm.s32 @!p0 $0xF000  }
0x3d: {  	[tilespmem:s19], [sflag:$0x1] =	stream.strided.gather @!p0 [hbm4b:s17+s18], $0x4000, s20, s18, $0x38;
	[tilespmem:$0x10000] =	vst v63  }
0x3e: {  	p0 =	sge.u32 s31, s5  }
.Ltmp2:
0x3f: {  	_ = 	snop;
	(pc) =	sbr.rel @p0 .LBB1_5-.Ltmp2, $1  }
0x40: {  	_ =	sdelay $0x3  }
0x41: {  	s17 =	sand.u32 $0x4000, s9  }
0x42: {  	s18 =	sor.u32 $0x70, s17  }
0x43: {  	v1 =	vmov s18;
	_ =	sdelay $0x1  }
0x44: {  	_ =	swait.ge [sflag:s4], $0x4000  }
0x45: {  	[sflag:s4] =	ssyncset.done $0x0  }
0x46: {  	s19 =	simm.s32 $0x0;
	[sflag:s4] =	ssyncadd.s32 $0xFFFFC000  }
0x47: {  	s17 =	sor.u32 $0x8040, s17;
	v6 =	vld.idx.msk [tilespmem:v1+s19+$0x0 ss:$0x1], $0xffff  }
0x48: {  	v0 =	vmov s17;
	v8 =	vld.idx.msk [tilespmem:v1+s19+$0xFFFFFF90 ss:$0x1], $0xffff  }
0x49: {  	v7 =	vld.idx.msk [tilespmem:v1+s19+$0xFFFFFFA0 ss:$0x1], $0xffff  }
0x4a: {  	v5 =	vld.idx.msk [tilespmem:v1+s19+$0xFFFFFFB0 ss:$0x1], $0xffff  }
0x4b: {  	v4 =	vld.idx.msk [tilespmem:v1+s19+$0xFFFFFFC0 ss:$0x1], $0xffff  }
0x4c: {  	s31 =	sshll.u32 s13, $0xE;
	v2 =	vld.idx.msk [tilespmem:v1+s19+$0xFFFFFFD0 ss:$0x1], $0xffff  }
0x4d: {  	s17 =	sand.u32 $0x4000, s31;
	v3 =	vld.idx.msk [tilespmem:v1+s19+$0xFFFFFFE0 ss:$0x1], $0xffff;
	[tilespmem:v0+s19+$0x30 ss:$0x1] =	vst.idx.msk $0xffff, v6  }
0x4e: {  	s20 =	simm.s32 $0x400;
	s18 =	simm.s32 $0x80;
	s17 =	sor.u32 $0x8000, s17;
	[tilespmem:v0+s19+$0xFFFFFFC0 ss:$0x1] =	vst.idx.msk $0xffff, v8;
	v6 =	vld.idx.msk [tilespmem:v1+s19+$0xFFFFFFF0 ss:$0x1], $0xffff  }
.LBB1_3:
0x4f: {  	p0 =	sne.s32 s20, $0xFE00;
	v8 =	vld.idx.msk [tilespmem:v1+s18+$0x0 ss:$0x1], $0xffff;
	[tilespmem:v0+s19+$0xFFFFFFD0 ss:$0x1] =	vst.idx.msk $0xffff, v7  }
0x50: {  	v9 =	vld.idx.msk [tilespmem:v1+s18+$0xFFFFFF90 ss:$0x1], $0xffff;
	[tilespmem:v0+s19+$0xFFFFFFE0 ss:$0x1] =	vst.idx.msk $0xffff, v5  }
0x51: {  	v7 =	vld.idx.msk [tilespmem:v1+s18+$0xFFFFFFA0 ss:$0x1], $0xffff;
	[tilespmem:v0+s19+$0xFFFFFFF0 ss:$0x1] =	vst.idx.msk $0xffff, v4  }
.Ltmp3:
0x52: {  	v5 =	vld.idx.msk [tilespmem:v1+s18+$0xFFFFFFB0 ss:$0x1], $0xffff;
	[tilespmem:v0+s19+$0x0 ss:$0x1] =	vst.idx.msk $0xffff, v2;
	(pc) =	sbr.rel @p0 .LBB1_3-.Ltmp3, $4  }
0x53: {  	v4 =	vld.idx.msk [tilespmem:v1+s18+$0xFFFFFFC0 ss:$0x1], $0xffff;
	[tilespmem:v0+s19+$0x10 ss:$0x1] =	vst.idx.msk $0xffff, v3  }
0x54: {  	v2 =	vld.idx.msk [tilespmem:v1+s18+$0xFFFFFFD0 ss:$0x1], $0xffff;
	[tilespmem:v0+s19+$0x20 ss:$0x1] =	vst.idx.msk $0xffff, v6;
	s19 =	smov.u32 s18  }
0x55: {  	v3 =	vld.idx.msk [tilespmem:v1+s19+$0xFFFFFFE0 ss:$0x1], $0xffff;
	[tilespmem:v0+s19+$0x30 ss:$0x1] =	vst.idx.msk $0xffff, v8  }
0x56: {  	s18 =	sshra.s32 s20, $0x2;
	s20 =	sadd.s32 $0x200, s20;
	[tilespmem:v0+s19+$0xFFFFFFC0 ss:$0x1] =	vst.idx.msk $0xffff, v9;
	v6 =	vld.idx.msk [tilespmem:v1+s19+$0xFFFFFFF0 ss:$0x1], $0xffff  }
.Ltmp4:
0x57: {  	_ = 	snop;
	(pc) =	sbr.rel .LBB1_4-.Ltmp4, $1  }
0x58: {  	_ =	sdelay $0x3  }
.LBB1_6:
0x59: {  	_ =	sfence.sel $0x180000  }
0x5a: {  	s2 =	simm.s32 $0x1;
	[bflag:$0x0] =	sbarrier.arrive $0xFFFF  }
0x5b: {  	s31 =	simm.s32 $0x2;
	[sflag:s2] =	ssyncpa.u1 $0x1  }
0x5c: {  	[sflag:s31] =	ssyncpa.u1 $0x1  }
0x5d: {  	p0 =	sne.s32 s0, $0x0;
	_ =	strace $0x9000004A  }
0x5e: {  	s0 =	sadd.s32 @!p0 $0x100000, s1;
	[bflag:$0x2] =	sbarrier.arrive $0xFFFF  }
0x5f: {  	[sflag:s0] =	ssyncadd.tile.s32 @!p0 $0x1;
	_ =	shalt  }
.Lfunc_end1:
_tile_overlayer_lowered:
.L_overlay_start_2:
0x60: {  	(tag) =	ssettag $0x2  }
0x61: {  	s0 =	rddreg [dreg:$0x0];
	s2 =	stileid.u32  }
0x62: {  	s1 =	rddreg [dreg:$0x1];
	p0 =	sne.s32 s2, $0x0  }
0x63: {  	s3 =	rddreg [dreg:$0x2];
	[bflag:$0x3] =	sbarrier.arrive $0xFFFF;
	s2 =	simm.s32 @!p0 $0x1C01  }
0x64: {  	[timem:s3], [sflag:s2] =	dma.local @!p0 [hbm:s0], s1  }
0x65: {  	s0 =	simm.s32 @!p0 $0x1  }
0x66: {  	_ =	swait.ge @!p0 [sflag:s0], s1  }
0x67: {  	s1 =	ssub.s32 @!p0 $0x0, s1;
	[sflag:s0] =	ssyncset.done @!p0 $0x0  }
0x68: {  	[sflag:s0] =	ssyncadd.s32 @!p0 s1  }
0x69: {  	[bflag:$0x3] =	sbarrier.arrive $0xFFFF  }
0x6a: {  	_ =	shalt  }

</sc_bundles>
